<compile_context>
chip_gen: v7x
topology: tpu7x:2x2x1
jax: 0.10.2.dev20260603
libtpu: 0.0.44.dev20260713+nightly
codegen_flags: <defaults>
</compile_context>

<pallas_src>
import jax
import jax.numpy as jnp
from jax import lax
from jax.experimental import pallas as pl
from jax.experimental.pallas import tpu as pltpu, tpu_sc as plsc

N_NODES = 10000
N_EDGES = 320000
D_FEAT = 128
HEADS1 = 8
CH1 = 32
NUM_CLASSES = 40

NSC = 2
NT = 16
LANES = 16

C1 = 128
C2 = 128
EP = 327680
EPT1 = EP // NT
NCH1 = EPT1 // C1
EPT2 = EP // (NSC * NT)
NCH2 = EPT2 // C2

NPAD = 10112
RPT = NPAD // NT
ACC1W = 144
ACC2W = 64

_f32 = jnp.float32
_i32 = jnp.int32


def _tc1_body(x_ref, w1_ref, ac_ref, mt_ref, atd_ref):
    h = jnp.dot(x_ref[...], w1_ref[...], preferred_element_type=_f32)
    at = jnp.dot(h, ac_ref[...], preferred_element_type=_f32)
    mt_ref[0] = jnp.concatenate([h[:, :128], at[:, :16]], axis=1)
    mt_ref[1] = jnp.concatenate([h[:, 128:], at[:, 16:32]], axis=1)
    atd_ref[0] = at[:, 32:48]
    atd_ref[1] = at[:, 48:64]


def _run_tc1(x, W1, acoef):
    B = 2000
    return pl.pallas_call(
        _tc1_body,
        grid=(N_NODES // B,),
        in_specs=[
            pl.BlockSpec((B, D_FEAT), lambda i: (i, 0)),
            pl.BlockSpec((D_FEAT, 256), lambda i: (0, 0)),
            pl.BlockSpec((256, 64), lambda i: (0, 0)),
        ],
        out_specs=[
            pl.BlockSpec((2, B, ACC1W), lambda i: (0, i, 0)),
            pl.BlockSpec((2, B, 16), lambda i: (0, i, 0)),
        ],
        out_shape=[
            jax.ShapeDtypeStruct((2, NPAD, ACC1W), _f32),
            jax.ShapeDtypeStruct((2, NPAD, 16), _f32),
        ],
    )(x, W1, acoef)


def _bcast_lane(vec, lane):
    idx = jnp.full((LANES,), lane, dtype=_i32)
    return vec.at[idx].get(mode="promise_in_bounds")


def _sc1_body(mt_hbm, atd_hbm, src3_hbm, dst3_hbm, zero_hbm, out_hbm,
              sidx0, sidx1, didx0, didx1, m0, m1, arow_d, acc,
              semi0, semi1, semg0, semg1, semd):
    c = lax.axis_index("c")
    s = lax.axis_index("s")
    r0 = s * RPT
    pltpu.sync_copy(zero_hbm.at[pl.ds(r0, RPT)], acc.at[pl.ds(r0, RPT)])
    plsc.subcore_barrier()

    mtab = mt_hbm.at[c]
    dtab = atd_hbm.at[c]
    semsI = (semi0, semi1)
    semsG = (semg0, semg1)
    sidxs = (sidx0, sidx1)
    didxs = (didx0, didx1)
    ms = (m0, m1)
    src_t = src3_hbm.at[s]
    dst_t = dst3_hbm.at[s]

    def issue_idx(i, q):
        pltpu.async_copy(src_t.at[i], sidxs[q], semsI[q])
        pltpu.async_copy(dst_t.at[i], didxs[q], semsI[q])

    def wait_idx(q):
        pltpu.make_async_copy(src_t.at[0], sidxs[q], semsI[q]).wait()
        pltpu.make_async_copy(dst_t.at[0], didxs[q], semsI[q]).wait()

    def issue_m(q):
        pltpu.async_copy(mtab.at[sidxs[q]], ms[q], semsG[q])

    def wait_m(q):
        pltpu.make_async_copy(mtab.at[sidxs[q]], ms[q], semsG[q]).wait()

    def issue_d(q):
        pltpu.async_copy(dtab.at[didxs[q]], arow_d, semd)

    def wait_d(q):
        pltpu.make_async_copy(dtab.at[didxs[q]], arow_d, semd).wait()

    issue_idx(0, 0)
    wait_idx(0)
    issue_m(0)
    issue_d(0)
    issue_idx(1, 1)

    def outer(t, carry):
        for q in range(2):
            i = 2 * t + q

            @pl.when(i + 1 < NCH1)
            def _():
                wait_idx(1 - q)
                issue_m(1 - q)

            wait_m(q)
            wait_d(q)
            m = ms[q]

            @plsc.parallel_loop(0, C1, step=1, unroll=4)
            def _edge(j):
                a = m[j, pl.ds(128, LANES)] + arow_d[j, :]
                a = jnp.maximum(a, 0.2 * a)
                ea = jnp.exp(a)
                m[j, pl.ds(128, LANES)] = ea
                for hd in range(4):
                    bc = _bcast_lane(ea, hd)
                    m[j, pl.ds(32 * hd, LANES)] = (
                        bc * m[j, pl.ds(32 * hd, LANES)])
                    m[j, pl.ds(32 * hd + 16, LANES)] = (
                        bc * m[j, pl.ds(32 * hd + 16, LANES)])

            @pl.when(i + 1 < NCH1)
            def _():
                issue_d(1 - q)

            pltpu.sync_copy(m, acc.at[didxs[q]], add=True)

            @pl.when(i + 2 < NCH1)
            def _():
                issue_idx(i + 2, q)
        return carry

    lax.fori_loop(0, NCH1 // 2, outer, 0)
    plsc.subcore_barrier()
    pltpu.sync_copy(acc.at[pl.ds(r0, RPT)], out_hbm.at[c].at[pl.ds(r0, RPT)])


def _run_sc1(mt, atd, src3, dst3, zeros1):
    mesh = plsc.VectorSubcoreMesh(core_axis_name="c", subcore_axis_name="s")
    kern = pl.kernel(
        _sc1_body,
        out_type=jax.ShapeDtypeStruct((NSC, NPAD, ACC1W), _f32),
        mesh=mesh,
        scratch_types=[
            pltpu.VMEM((C1,), _i32),
            pltpu.VMEM((C1,), _i32),
            pltpu.VMEM((C1,), _i32),
            pltpu.VMEM((C1,), _i32),
            pltpu.VMEM((C1, ACC1W), _f32),
            pltpu.VMEM((C1, ACC1W), _f32),
            pltpu.VMEM((C1, 16), _f32),
            pltpu.VMEM_SHARED((NPAD, ACC1W), _f32),
            pltpu.SemaphoreType.DMA,
            pltpu.SemaphoreType.DMA,
            pltpu.SemaphoreType.DMA,
            pltpu.SemaphoreType.DMA,
            pltpu.SemaphoreType.DMA,
        ],
        compiler_params=pltpu.CompilerParams(use_tc_tiling_on_sc=False),
    )
    return kern(mt, atd, src3, dst3, zeros1)


def _tc2a_body(acc_ref, b1_ref, h1_ref, sums_ref):
    i = pl.program_id(0)
    halves = []
    for cidx in range(2):
        blk = acc_ref[cidx]
        num = blk[:, :128]
        den = blk[:, 128:132]
        denb = jnp.concatenate(
            [jnp.broadcast_to(den[:, h:h + 1], (num.shape[0], 32)) for h in range(4)],
            axis=1)
        halves.append(num / (denb + 1e-16))
    h1 = jnp.concatenate(halves, axis=1) + b1_ref[...]
    h1_ref[...] = h1
    s1 = jnp.sum(h1, axis=0, keepdims=True)
    s2 = jnp.sum(h1 * h1, axis=0, keepdims=True)
    upd = jnp.concatenate([s1, s2, jnp.zeros((6, 256), _f32)], axis=0)

    @pl.when(i == 0)
    def _():
        sums_ref[...] = jnp.zeros((8, 256), _f32)

    sums_ref[...] += upd


def _run_tc2a(acc1, b1row):
    B = 2000
    return pl.pallas_call(
        _tc2a_body,
        grid=(N_NODES // B,),
        in_specs=[
            pl.BlockSpec((2, B, ACC1W), lambda i: (0, i, 0)),
            pl.BlockSpec((1, 256), lambda i: (0, 0)),
        ],
        out_specs=[
            pl.BlockSpec((B, 256), lambda i: (i, 0)),
            pl.BlockSpec((8, 256), lambda i: (0, 0)),
        ],
        out_shape=[
            jax.ShapeDtypeStruct((N_NODES, 256), _f32),
            jax.ShapeDtypeStruct((8, 256), _f32),
        ],
    )(acc1, b1row)


def _tc2b_body(h1_ref, sums_ref, g_ref, be_ref, w2_ref, d2_ref, p_ref, dt_ref):
    inv_n = 1.0 / N_NODES
    mu = sums_ref[0:1] * inv_n
    msq = sums_ref[1:2] * inv_n
    var = msq - mu * mu
    hn = (h1_ref[...] - mu) * lax.rsqrt(var + 1e-5) * g_ref[...] + be_ref[...]
    e = jnp.where(hn > 0, hn, jnp.exp(hn) - 1.0)
    p = jnp.dot(e, w2_ref[...], preferred_element_type=_f32)
    dt = jnp.dot(e, d2_ref[...], preferred_element_type=_f32)
    col = lax.broadcasted_iota(_i32, p.shape, 1)
    p_ref[...] = jnp.where(col == 41, 1.0, p)
    dt_ref[...] = dt


def _run_tc2b(h1, sums, grow, berow, W2e, d2coef):
    B = 2000
    return pl.pallas_call(
        _tc2b_body,
        grid=(N_NODES // B,),
        in_specs=[
            pl.BlockSpec((B, 256), lambda i: (i, 0)),
            pl.BlockSpec((8, 256), lambda i: (0, 0)),
            pl.BlockSpec((1, 256), lambda i: (0, 0)),
            pl.BlockSpec((1, 256), lambda i: (0, 0)),
            pl.BlockSpec((256, ACC2W), lambda i: (0, 0)),
            pl.BlockSpec((256, 16), lambda i: (0, 0)),
        ],
        out_specs=[
            pl.BlockSpec((B, ACC2W), lambda i: (i, 0)),
            pl.BlockSpec((B, 16), lambda i: (i, 0)),
        ],
        out_shape=[
            jax.ShapeDtypeStruct((NPAD, ACC2W), _f32),
            jax.ShapeDtypeStruct((NPAD, 16), _f32),
        ],
    )(h1, sums, grow, berow, W2e, d2coef)


def _sc2_body(ptab_hbm, dt_hbm, src3_hbm, dst3_hbm, zero_hbm, out_hbm,
              sidx0, sidx1, didx0, didx1, m0, m1, arow_d, acc,
              semi0, semi1, semg0, semg1, semd):
    c = lax.axis_index("c")
    s = lax.axis_index("s")
    r0 = s * RPT
    pltpu.sync_copy(zero_hbm.at[pl.ds(r0, RPT)], acc.at[pl.ds(r0, RPT)])
    plsc.subcore_barrier()

    w = c * NT + s
    semsI = (semi0, semi1)
    semsG = (semg0, semg1)
    sidxs = (sidx0, sidx1)
    didxs = (didx0, didx1)
    ms = (m0, m1)
    src_t = src3_hbm.at[w]
    dst_t = dst3_hbm.at[w]

    def issue_idx(i, q):
        pltpu.async_copy(src_t.at[i], sidxs[q], semsI[q])
        pltpu.async_copy(dst_t.at[i], didxs[q], semsI[q])

    def wait_idx(q):
        pltpu.make_async_copy(src_t.at[0], sidxs[q], semsI[q]).wait()
        pltpu.make_async_copy(dst_t.at[0], didxs[q], semsI[q]).wait()

    def issue_m(q):
        pltpu.async_copy(ptab_hbm.at[sidxs[q]], ms[q], semsG[q])

    def wait_m(q):
        pltpu.make_async_copy(ptab_hbm.at[sidxs[q]], ms[q], semsG[q]).wait()

    def issue_d(q):
        pltpu.async_copy(dt_hbm.at[didxs[q]], arow_d, semd)

    def wait_d(q):
        pltpu.make_async_copy(dt_hbm.at[didxs[q]], arow_d, semd).wait()

    issue_idx(0, 0)
    wait_idx(0)
    issue_m(0)
    issue_d(0)
    issue_idx(1, 1)

    def outer(t, carry):
        for q in range(2):
            i = 2 * t + q

            @pl.when(i + 1 < NCH2)
            def _():
                wait_idx(1 - q)
                issue_m(1 - q)

            wait_m(q)
            wait_d(q)
            m = ms[q]

            @plsc.parallel_loop(0, C2, step=1, unroll=4)
            def _edge(j):
                v2 = m[j, pl.ds(32, LANES)]
                a = _bcast_lane(v2, 8) + _bcast_lane(arow_d[j, :], 0)
                a = jnp.maximum(a, 0.2 * a)
                ea = jnp.exp(a)
                m[j, pl.ds(0, LANES)] = ea * m[j, pl.ds(0, LANES)]
                m[j, pl.ds(16, LANES)] = ea * m[j, pl.ds(16, LANES)]
                m[j, pl.ds(32, LANES)] = ea * v2
            @pl.when(i + 1 < NCH2)
            def _():
                issue_d(1 - q)

            pltpu.sync_copy(m, acc.at[didxs[q]], add=True)

            @pl.when(i + 2 < NCH2)
            def _():
                issue_idx(i + 2, q)
        return carry

    lax.fori_loop(0, NCH2 // 2, outer, 0)
    plsc.subcore_barrier()
    pltpu.sync_copy(acc.at[pl.ds(r0, RPT)], out_hbm.at[c].at[pl.ds(r0, RPT)])


def _run_sc2(ptab, dt, src3, dst3, zeros2):
    mesh = plsc.VectorSubcoreMesh(core_axis_name="c", subcore_axis_name="s")
    kern = pl.kernel(
        _sc2_body,
        out_type=jax.ShapeDtypeStruct((NSC, NPAD, ACC2W), _f32),
        mesh=mesh,
        scratch_types=[
            pltpu.VMEM((C2,), _i32),
            pltpu.VMEM((C2,), _i32),
            pltpu.VMEM((C2,), _i32),
            pltpu.VMEM((C2,), _i32),
            pltpu.VMEM((C2, ACC2W), _f32),
            pltpu.VMEM((C2, ACC2W), _f32),
            pltpu.VMEM((C2, 16), _f32),
            pltpu.VMEM_SHARED((NPAD, ACC2W), _f32),
            pltpu.SemaphoreType.DMA,
            pltpu.SemaphoreType.DMA,
            pltpu.SemaphoreType.DMA,
            pltpu.SemaphoreType.DMA,
            pltpu.SemaphoreType.DMA,
        ],
        compiler_params=pltpu.CompilerParams(use_tc_tiling_on_sc=False),
    )
    return kern(ptab, dt, src3, dst3, zeros2)


def _tc3_body(acc_ref, b2_ref, out_ref):
    ssum = acc_ref[0] + acc_ref[1]
    den = jnp.broadcast_to(ssum[:, 41:42], (ssum.shape[0], 40))
    out_ref[...] = ssum[:, :40] / (den + 1e-16) + b2_ref[...]


def _run_tc3(acc2, b2row):
    B = 2000
    return pl.pallas_call(
        _tc3_body,
        grid=(N_NODES // B,),
        in_specs=[
            pl.BlockSpec((2, B, ACC2W), lambda i: (0, i, 0)),
            pl.BlockSpec((1, 40), lambda i: (0, 0)),
        ],
        out_specs=pl.BlockSpec((B, 40), lambda i: (i, 0)),
        out_shape=jax.ShapeDtypeStruct((N_NODES, 40), _f32),
    )(acc2, b2row)


def kernel(x, edge_index, W1, a_src1, a_dst1, b1, gamma, beta, W2, a_src2, a_dst2, b2):
    acoef = jnp.zeros((HEADS1, CH1, 64), _f32)
    heads_idx = jnp.arange(HEADS1)
    j0 = (heads_idx // 4) * 16 + (heads_idx % 4)
    acoef = acoef.at[heads_idx, :, j0].set(a_src1)
    acoef = acoef.at[heads_idx, :, j0 + 32].set(a_dst1)
    acoef = acoef.reshape(HEADS1 * CH1, 64)

    W2e = jnp.zeros((256, ACC2W), _f32).at[:, :NUM_CLASSES].set(W2)
    W2e = W2e.at[:, NUM_CLASSES].set(W2 @ a_src2[0])
    d2coef = jnp.zeros((256, 16), _f32).at[:, 0].set(W2 @ a_dst2[0])

    npad_e = EP - N_EDGES
    k = jnp.arange(npad_e, dtype=_i32)
    srcp = jnp.concatenate([edge_index[0], k % N_NODES])
    dstp = jnp.concatenate([edge_index[1], N_NODES + k % (NPAD - N_NODES)])
    src3_1 = srcp.reshape(NT, NCH1, C1)
    dst3_1 = dstp.reshape(NT, NCH1, C1)
    src3_2 = srcp.reshape(NSC * NT, NCH2, C2)
    dst3_2 = dstp.reshape(NSC * NT, NCH2, C2)

    zeros1 = jnp.zeros((NPAD, ACC1W), _f32)
    zeros2 = jnp.zeros((NPAD, ACC2W), _f32)
    b1row = b1.reshape(1, 256)
    grow = gamma.reshape(1, 256)
    berow = beta.reshape(1, 256)
    b2row = b2.reshape(1, NUM_CLASSES)

    mt, atd = _run_tc1(x, W1, acoef)
    acc1 = _run_sc1(mt, atd, src3_1, dst3_1, zeros1)

    h1, sums = _run_tc2a(acc1, b1row)
    ptab, dt = _run_tc2b(h1, sums, grow, berow, W2e, d2coef)

    acc2 = _run_sc2(ptab, dt, src3_2, dst3_2, zeros2)
    out = _run_tc3(acc2, b2row)
    return out

# --- scband reference (transcript-rebuilt; emitter-appended) ---
"""Pipeline reference for scband-gat-36696200577383 (READ-ONLY COPY).

The authoritative reference and input builder live on the scoring server;
editing this copy changes nothing except your own understanding.
"""

import jax, jax.numpy as jnp
import numpy as np

N_NODES = 10000
N_EDGES = 320000
D_FEAT = 128
HEADS1 = 8
CH1 = 32
NUM_CLASSES = 40


def setup_inputs(seed: int = 0):
    key = jax.random.key(seed)
    ks = jax.random.split(key, 12)
    x = jax.random.normal(ks[0], (N_NODES, D_FEAT), dtype=jnp.float32)
    edge_index = jax.random.randint(ks[1], (2, N_EDGES), 0, N_NODES, dtype=jnp.int32)
    W1 = jax.random.normal(ks[2], (D_FEAT, HEADS1 * CH1), dtype=jnp.float32) * (1.0 / np.sqrt(D_FEAT))
    a_src1 = jax.random.normal(ks[3], (HEADS1, CH1), dtype=jnp.float32) * 0.1
    a_dst1 = jax.random.normal(ks[4], (HEADS1, CH1), dtype=jnp.float32) * 0.1
    b1 = jnp.zeros((HEADS1 * CH1,), dtype=jnp.float32)
    gamma = jnp.ones((HEADS1 * CH1,), dtype=jnp.float32)
    beta = jnp.zeros((HEADS1 * CH1,), dtype=jnp.float32)
    W2 = jax.random.normal(ks[5], (HEADS1 * CH1, NUM_CLASSES), dtype=jnp.float32) * (1.0 / np.sqrt(HEADS1 * CH1))
    a_src2 = jax.random.normal(ks[6], (1, NUM_CLASSES), dtype=jnp.float32) * 0.1
    a_dst2 = jax.random.normal(ks[7], (1, NUM_CLASSES), dtype=jnp.float32) * 0.1
    b2 = jnp.zeros((NUM_CLASSES,), dtype=jnp.float32)
    return {"x": x, "edge_index": edge_index, "W1": W1, "a_src1": a_src1, "a_dst1": a_dst1, "b1": b1, "gamma": gamma, "beta": beta, "W2": W2, "a_src2": a_src2, "a_dst2": a_dst2, "b2": b2}


def _gat_conv(x, src, dst, W, a_src, a_dst, b, heads, out_ch, concat, n_nodes):
    h = (x @ W).reshape(n_nodes, heads, out_ch)
    alpha_src = jnp.sum(h * a_src[None, :, :], axis=-1)
    alpha_dst = jnp.sum(h * a_dst[None, :, :], axis=-1)
    alpha = alpha_src[src] + alpha_dst[dst]
    alpha = jax.nn.leaky_relu(alpha, negative_slope=0.2)
    amax = jax.ops.segment_max(alpha, dst, num_segments=n_nodes)
    amax = jnp.where(jnp.isfinite(amax), amax, 0.0)
    ea = jnp.exp(alpha - amax[dst])
    denom = jax.ops.segment_sum(ea, dst, num_segments=n_nodes)
    att = ea / (denom[dst] + 1e-16)
    msg = h[src] * att[:, :, None]
    out = jax.ops.segment_sum(msg, dst, num_segments=n_nodes)
    if concat:
        out = out.reshape(n_nodes, heads * out_ch)
    else:
        out = jnp.mean(out, axis=1)
    return out + b


def reference(x, edge_index, W1, a_src1, a_dst1, b1, gamma, beta, W2, a_src2, a_dst2, b2):
    src = edge_index[0]
    dst = edge_index[1]
    h = _gat_conv(x, src, dst, W1, a_src1, a_dst1, b1, HEADS1, CH1, True, N_NODES)
    mu = jnp.mean(h, axis=0)
    var = jnp.var(h, axis=0)
    h = (h - mu) / jnp.sqrt(var + 1e-5) * gamma + beta
    h = jax.nn.elu(h)
    out = _gat_conv(h, src, dst, W2, a_src2, a_dst2, b2, 1, NUM_CLASSES, False, N_NODES)
    return out

if __name__ == "__main__":
    import jax
    _d = setup_inputs()
    print(jax.jit(kernel)(*tuple(_d.values())))

</pallas_src>

<mosaic_0001>
#map = affine_map<(d0, d1) -> (0, 0)>
#map1 = affine_map<(d0, d1) -> (0, 0, 0)>
module attributes {stable_mosaic.version = 14 : i64} {
  func.func @_sc2_body(%arg0: i32, %arg1: i32, %arg2: memref<10112x64xf32, #tpu.memory_space<hbm>>, %arg3: memref<10112x16xf32, #tpu.memory_space<hbm>>, %arg4: memref<32x80x128xi32, #tpu.memory_space<hbm>>, %arg5: memref<32x80x128xi32, #tpu.memory_space<hbm>>, %arg6: memref<10112x64xf32, #tpu.memory_space<hbm>>, %arg7: memref<2x10112x64xf32, #tpu.memory_space<hbm>>, %arg8: memref<128xi32, #tpu.memory_space<vmem>>, %arg9: memref<128xi32, #tpu.memory_space<vmem>>, %arg10: memref<128xi32, #tpu.memory_space<vmem>>, %arg11: memref<128xi32, #tpu.memory_space<vmem>>, %arg12: memref<128x64xf32, #tpu.memory_space<vmem>>, %arg13: memref<128x64xf32, #tpu.memory_space<vmem>>, %arg14: memref<128x16xf32, #tpu.memory_space<vmem>>, %arg15: memref<10112x64xf32, #tpu.memory_space<vmem_shared>>, %arg16: memref<!tpu.dma_semaphore, #tpu.memory_space<semaphore_mem>>, %arg17: memref<!tpu.dma_semaphore, #tpu.memory_space<semaphore_mem>>, %arg18: memref<!tpu.dma_semaphore, #tpu.memory_space<semaphore_mem>>, %arg19: memref<!tpu.dma_semaphore, #tpu.memory_space<semaphore_mem>>, %arg20: memref<!tpu.dma_semaphore, #tpu.memory_space<semaphore_mem>>) attributes {dimension_semantics = [#tpu.dimension_semantics<core_parallel>, #tpu.dimension_semantics<subcore_parallel>], iteration_bounds = array<i64: 2, 16>, scalar_prefetch = 0 : i64, scratch_operands = 13 : i64, tpu.core_type = #tpu.core_type<sc_vector_subcore>, window_params = [{transform_indices = #map}, {transform_indices = #map}, {transform_indices = #map1}, {transform_indices = #map1}, {transform_indices = #map}, {transform_indices = #map1}]} {
    %mul3A = arith.constant 632 : i32
    %mul3A_0 = arith.muli %arg1, %mul3A : i32
    "tpu.region"() ({
      %run_scoped3A = tpu.sem_alloc : memref<!tpu.dma_semaphore, #tpu.memory_space<semaphore_mem>>
      %dma_start3A_103 = arith.constant 0 : i32
      %dma_start3A_104 = tpu.memref_slice %arg15[%mul3A_0, %dma_start3A_103] : memref<10112x64xf32, #tpu.memory_space<vmem_shared>> -> memref<632x64xf32, #tpu.memory_space<vmem_shared>>
      %dma_start3A_105 = arith.constant 0 : i32
      %dma_start3A_106 = tpu.memref_slice %arg6[%mul3A_0, %dma_start3A_105] : memref<10112x64xf32, #tpu.memory_space<hbm>> -> memref<632x64xf32, #tpu.memory_space<hbm>>
      tpu.enqueue_dma source(%dma_start3A_106 : memref<632x64xf32, #tpu.memory_space<hbm>>) target(%dma_start3A_104 : memref<632x64xf32, #tpu.memory_space<vmem_shared>>) target_semaphore(%run_scoped3A : memref<!tpu.dma_semaphore, #tpu.memory_space<semaphore_mem>>)
      %dma_wait3A_107 = arith.constant 0 : i32
      %dma_wait3A_108 = tpu.memref_slice %arg15[%mul3A_0, %dma_wait3A_107] : memref<10112x64xf32, #tpu.memory_space<vmem_shared>> -> memref<632x64xf32, #tpu.memory_space<vmem_shared>>
      %dma_wait3A_109 = arith.constant 0 : i32
      %dma_wait3A_110 = tpu.memref_slice %arg6[%mul3A_0, %dma_wait3A_109] : memref<10112x64xf32, #tpu.memory_space<hbm>> -> memref<632x64xf32, #tpu.memory_space<hbm>>
      tpu.wait_dma2 semaphore(%run_scoped3A : memref<!tpu.dma_semaphore, #tpu.memory_space<semaphore_mem>>) src(%dma_wait3A_110 : memref<632x64xf32, #tpu.memory_space<hbm>>) dst(%dma_wait3A_108 : memref<632x64xf32, #tpu.memory_space<vmem_shared>>)
      tpu.yield
    }) : () -> ()
    %barrier3A = arith.constant 0 : index
    tpu.barrier barrier_id(%barrier3A)
    %mul3A_1 = arith.constant 16 : i32
    %mul3A_2 = arith.muli %arg0, %mul3A_1 : i32
    %add3A = arith.addi %mul3A_2, %arg1 : i32
    %dma_start3A = arith.constant 0 : i32
    %dma_start3A_3 = arith.constant 0 : i32
    %dma_start3A_4 = arith.constant 0 : i32
    %dma_start3A_5 = tpu.memref_slice %arg4[%add3A, %dma_start3A_3, %dma_start3A_4] : memref<32x80x128xi32, #tpu.memory_space<hbm>> -> memref<1x80x128xi32, #tpu.memory_space<hbm>>
    %dma_start3A_6 = tpu.memref_squeeze %dma_start3A_5 : memref<1x80x128xi32, #tpu.memory_space<hbm>> -> memref<80x128xi32, #tpu.memory_space<hbm>>
    %dma_start3A_7 = arith.constant 0 : i32
    %dma_start3A_8 = tpu.memref_slice %dma_start3A_6[%dma_start3A, %dma_start3A_7] : memref<80x128xi32, #tpu.memory_space<hbm>> -> memref<1x128xi32, #tpu.memory_space<hbm>>
    %dma_start3A_9 = tpu.memref_squeeze %dma_start3A_8 : memref<1x128xi32, #tpu.memory_space<hbm>> -> memref<128xi32, #tpu.memory_space<hbm>>
    %dma_start3A_10 = arith.constant 0 : i32
    %dma_start3A_11 = arith.constant 0 : i32
    %dma_start3A_12 = tpu.memref_slice %arg4[%add3A, %dma_start3A_10, %dma_start3A_11] : memref<32x80x128xi32, #tpu.memory_space<hbm>> -> memref<1x80x128xi32, #tpu.memory_space<hbm>>
    %dma_start3A_13 = tpu.memref_squeeze %dma_start3A_12 : memref<1x80x128xi32, #tpu.memory_space<hbm>> -> memref<80x128xi32, #tpu.memory_space<hbm>>
    %dma_start3A_14 = arith.constant 0 : i32
    %dma_start3A_15 = tpu.memref_slice %dma_start3A_13[%dma_start3A, %dma_start3A_14] : memref<80x128xi32, #tpu.memory_space<hbm>> -> memref<1x128xi32, #tpu.memory_space<hbm>>
    %dma_start3A_16 = tpu.memref_squeeze %dma_start3A_15 : memref<1x128xi32, #tpu.memory_space<hbm>> -> memref<128xi32, #tpu.memory_space<hbm>>
    tpu.enqueue_dma source(%dma_start3A_16 : memref<128xi32, #tpu.memory_space<hbm>>) target(%arg8 : memref<128xi32, #tpu.memory_space<vmem>>) target_semaphore(%arg16 : memref<!tpu.dma_semaphore, #tpu.memory_space<semaphore_mem>>)
    %dma_start3A_17 = arith.constant 0 : i32
    %dma_start3A_18 = arith.constant 0 : i32
    %dma_start3A_19 = arith.constant 0 : i32
    %dma_start3A_20 = tpu.memref_slice %arg5[%add3A, %dma_start3A_18, %dma_start3A_19] : memref<32x80x128xi32, #tpu.memory_space<hbm>> -> memref<1x80x128xi32, #tpu.memory_space<hbm>>
    %dma_start3A_21 = tpu.memref_squeeze %dma_start3A_20 : memref<1x80x128xi32, #tpu.memory_space<hbm>> -> memref<80x128xi32, #tpu.memory_space<hbm>>
    %dma_start3A_22 = arith.constant 0 : i32
    %dma_start3A_23 = tpu.memref_slice %dma_start3A_21[%dma_start3A_17, %dma_start3A_22] : memref<80x128xi32, #tpu.memory_space<hbm>> -> memref<1x128xi32, #tpu.memory_space<hbm>>
    %dma_start3A_24 = tpu.memref_squeeze %dma_start3A_23 : memref<1x128xi32, #tpu.memory_space<hbm>> -> memref<128xi32, #tpu.memory_space<hbm>>
    %dma_start3A_25 = arith.constant 0 : i32
    %dma_start3A_26 = arith.constant 0 : i32
    %dma_start3A_27 = tpu.memref_slice %arg5[%add3A, %dma_start3A_25, %dma_start3A_26] : memref<32x80x128xi32, #tpu.memory_space<hbm>> -> memref<1x80x128xi32, #tpu.memory_space<hbm>>
    %dma_start3A_28 = tpu.memref_squeeze %dma_start3A_27 : memref<1x80x128xi32, #tpu.memory_space<hbm>> -> memref<80x128xi32, #tpu.memory_space<hbm>>
    %dma_start3A_29 = arith.constant 0 : i32
    %dma_start3A_30 = tpu.memref_slice %dma_start3A_28[%dma_start3A_17, %dma_start3A_29] : memref<80x128xi32, #tpu.memory_space<hbm>> -> memref<1x128xi32, #tpu.memory_space<hbm>>
    %dma_start3A_31 = tpu.memref_squeeze %dma_start3A_30 : memref<1x128xi32, #tpu.memory_space<hbm>> -> memref<128xi32, #tpu.memory_space<hbm>>
    tpu.enqueue_dma source(%dma_start3A_31 : memref<128xi32, #tpu.memory_space<hbm>>) target(%arg10 : memref<128xi32, #tpu.memory_space<vmem>>) target_semaphore(%arg16 : memref<!tpu.dma_semaphore, #tpu.memory_space<semaphore_mem>>)
    %dma_wait3A = arith.constant 0 : i32
    %dma_wait3A_32 = arith.constant 0 : i32
    %dma_wait3A_33 = arith.constant 0 : i32
    %dma_wait3A_34 = tpu.memref_slice %arg4[%add3A, %dma_wait3A_32, %dma_wait3A_33] : memref<32x80x128xi32, #tpu.memory_space<hbm>> -> memref<1x80x128xi32, #tpu.memory_space<hbm>>
    %dma_wait3A_35 = tpu.memref_squeeze %dma_wait3A_34 : memref<1x80x128xi32, #tpu.memory_space<hbm>> -> memref<80x128xi32, #tpu.memory_space<hbm>>
    %dma_wait3A_36 = arith.constant 0 : i32
    %dma_wait3A_37 = tpu.memref_slice %dma_wait3A_35[%dma_wait3A, %dma_wait3A_36] : memref<80x128xi32, #tpu.memory_space<hbm>> -> memref<1x128xi32, #tpu.memory_space<hbm>>
    %dma_wait3A_38 = tpu.memref_squeeze %dma_wait3A_37 : memref<1x128xi32, #tpu.memory_space<hbm>> -> memref<128xi32, #tpu.memory_space<hbm>>
    %dma_wait3A_39 = arith.constant 0 : i32
    %dma_wait3A_40 = arith.constant 0 : i32
    %dma_wait3A_41 = tpu.memref_slice %arg4[%add3A, %dma_wait3A_39, %dma_wait3A_40] : memref<32x80x128xi32, #tpu.memory_space<hbm>> -> memref<1x80x128xi32, #tpu.memory_space<hbm>>
    %dma_wait3A_42 = tpu.memref_squeeze %dma_wait3A_41 : memref<1x80x128xi32, #tpu.memory_space<hbm>> -> memref<80x128xi32, #tpu.memory_space<hbm>>
    %dma_wait3A_43 = arith.constant 0 : i32
    %dma_wait3A_44 = tpu.memref_slice %dma_wait3A_42[%dma_wait3A, %dma_wait3A_43] : memref<80x128xi32, #tpu.memory_space<hbm>> -> memref<1x128xi32, #tpu.memory_space<hbm>>
    %dma_wait3A_45 = tpu.memref_squeeze %dma_wait3A_44 : memref<1x128xi32, #tpu.memory_space<hbm>> -> memref<128xi32, #tpu.memory_space<hbm>>
    tpu.wait_dma2 semaphore(%arg16 : memref<!tpu.dma_semaphore, #tpu.memory_space<semaphore_mem>>) src(%dma_wait3A_45 : memref<128xi32, #tpu.memory_space<hbm>>) dst(%arg8 : memref<128xi32, #tpu.memory_space<vmem>>)
    %dma_wait3A_46 = arith.constant 0 : i32
    %dma_wait3A_47 = arith.constant 0 : i32
    %dma_wait3A_48 = arith.constant 0 : i32
    %dma_wait3A_49 = tpu.memref_slice %arg5[%add3A, %dma_wait3A_47, %dma_wait3A_48] : memref<32x80x128xi32, #tpu.memory_space<hbm>> -> memref<1x80x128xi32, #tpu.memory_space<hbm>>
    %dma_wait3A_50 = tpu.memref_squeeze %dma_wait3A_49 : memref<1x80x128xi32, #tpu.memory_space<hbm>> -> memref<80x128xi32, #tpu.memory_space<hbm>>
    %dma_wait3A_51 = arith.constant 0 : i32
    %dma_wait3A_52 = tpu.memref_slice %dma_wait3A_50[%dma_wait3A_46, %dma_wait3A_51] : memref<80x128xi32, #tpu.memory_space<hbm>> -> memref<1x128xi32, #tpu.memory_space<hbm>>
    %dma_wait3A_53 = tpu.memref_squeeze %dma_wait3A_52 : memref<1x128xi32, #tpu.memory_space<hbm>> -> memref<128xi32, #tpu.memory_space<hbm>>
    %dma_wait3A_54 = arith.constant 0 : i32
    %dma_wait3A_55 = arith.constant 0 : i32
    %dma_wait3A_56 = tpu.memref_slice %arg5[%add3A, %dma_wait3A_54, %dma_wait3A_55] : memref<32x80x128xi32, #tpu.memory_space<hbm>> -> memref<1x80x128xi32, #tpu.memory_space<hbm>>
    %dma_wait3A_57 = tpu.memref_squeeze %dma_wait3A_56 : memref<1x80x128xi32, #tpu.memory_space<hbm>> -> memref<80x128xi32, #tpu.memory_space<hbm>>
    %dma_wait3A_58 = arith.constant 0 : i32
    %dma_wait3A_59 = tpu.memref_slice %dma_wait3A_57[%dma_wait3A_46, %dma_wait3A_58] : memref<80x128xi32, #tpu.memory_space<hbm>> -> memref<1x128xi32, #tpu.memory_space<hbm>>
    %dma_wait3A_60 = tpu.memref_squeeze %dma_wait3A_59 : memref<1x128xi32, #tpu.memory_space<hbm>> -> memref<128xi32, #tpu.memory_space<hbm>>
    tpu.wait_dma2 semaphore(%arg16 : memref<!tpu.dma_semaphore, #tpu.memory_space<semaphore_mem>>) src(%dma_wait3A_60 : memref<128xi32, #tpu.memory_space<hbm>>) dst(%arg10 : memref<128xi32, #tpu.memory_space<vmem>>)
    %dma_start3A_61 = arith.constant 0 : i32
    %dma_start3A_62 = arith.constant 0 : i32
    %dma_start3A_63 = tpu.memref_slice %arg2[%dma_start3A_61, %dma_start3A_62] : memref<10112x64xf32, #tpu.memory_space<hbm>> -> memref<10112x64xf32, #tpu.memory_space<hbm>>
    tpu.enqueue_indirect_dma source(%dma_start3A_63 : memref<10112x64xf32, #tpu.memory_space<hbm>>) target(%arg12 : memref<128x64xf32, #tpu.memory_space<vmem>>) offsets(%arg8 : memref<128xi32, #tpu.memory_space<vmem>>) semaphore(%arg18 : memref<!tpu.dma_semaphore, #tpu.memory_space<semaphore_mem>>)
    %dma_start3A_64 = arith.constant 0 : i32
    %dma_start3A_65 = arith.constant 0 : i32
    %dma_start3A_66 = tpu.memref_slice %arg3[%dma_start3A_64, %dma_start3A_65] : memref<10112x16xf32, #tpu.memory_space<hbm>> -> memref<10112x16xf32, #tpu.memory_space<hbm>>
    tpu.enqueue_indirect_dma source(%dma_start3A_66 : memref<10112x16xf32, #tpu.memory_space<hbm>>) target(%arg14 : memref<128x16xf32, #tpu.memory_space<vmem>>) offsets(%arg10 : memref<128xi32, #tpu.memory_space<vmem>>) semaphore(%arg20 : memref<!tpu.dma_semaphore, #tpu.memory_space<semaphore_mem>>)
    %dma_start3A_67 = arith.constant 1 : i32
    %dma_start3A_68 = arith.constant 0 : i32
    %dma_start3A_69 = arith.constant 0 : i32
    %dma_start3A_70 = tpu.memref_slice %arg4[%add3A, %dma_start3A_68, %dma_start3A_69] : memref<32x80x128xi32, #tpu.memory_space<hbm>> -> memref<1x80x128xi32, #tpu.memory_space<hbm>>
    %dma_start3A_71 = tpu.memref_squeeze %dma_start3A_70 : memref<1x80x128xi32, #tpu.memory_space<hbm>> -> memref<80x128xi32, #tpu.memory_space<hbm>>
    %dma_start3A_72 = arith.constant 0 : i32
    %dma_start3A_73 = tpu.memref_slice %dma_start3A_71[%dma_start3A_67, %dma_start3A_72] : memref<80x128xi32, #tpu.memory_space<hbm>> -> memref<1x128xi32, #tpu.memory_space<hbm>>
    %dma_start3A_74 = tpu.memref_squeeze %dma_start3A_73 : memref<1x128xi32, #tpu.memory_space<hbm>> -> memref<128xi32, #tpu.memory_space<hbm>>
    %dma_start3A_75 = arith.constant 0 : i32
    %dma_start3A_76 = arith.constant 0 : i32
    %dma_start3A_77 = tpu.memref_slice %arg4[%add3A, %dma_start3A_75, %dma_start3A_76] : memref<32x80x128xi32, #tpu.memory_space<hbm>> -> memref<1x80x128xi32, #tpu.memory_space<hbm>>
    %dma_start3A_78 = tpu.memref_squeeze %dma_start3A_77 : memref<1x80x128xi32, #tpu.memory_space<hbm>> -> memref<80x128xi32, #tpu.memory_space<hbm>>
    %dma_start3A_79 = arith.constant 0 : i32
    %dma_start3A_80 = tpu.memref_slice %dma_start3A_78[%dma_start3A_67, %dma_start3A_79] : memref<80x128xi32, #tpu.memory_space<hbm>> -> memref<1x128xi32, #tpu.memory_space<hbm>>
    %dma_start3A_81 = tpu.memref_squeeze %dma_start3A_80 : memref<1x128xi32, #tpu.memory_space<hbm>> -> memref<128xi32, #tpu.memory_space<hbm>>
    tpu.enqueue_dma source(%dma_start3A_81 : memref<128xi32, #tpu.memory_space<hbm>>) target(%arg9 : memref<128xi32, #tpu.memory_space<vmem>>) target_semaphore(%arg17 : memref<!tpu.dma_semaphore, #tpu.memory_space<semaphore_mem>>)
    %dma_start3A_82 = arith.constant 1 : i32
    %dma_start3A_83 = arith.constant 0 : i32
    %dma_start3A_84 = arith.constant 0 : i32
    %dma_start3A_85 = tpu.memref_slice %arg5[%add3A, %dma_start3A_83, %dma_start3A_84] : memref<32x80x128xi32, #tpu.memory_space<hbm>> -> memref<1x80x128xi32, #tpu.memory_space<hbm>>
    %dma_start3A_86 = tpu.memref_squeeze %dma_start3A_85 : memref<1x80x128xi32, #tpu.memory_space<hbm>> -> memref<80x128xi32, #tpu.memory_space<hbm>>
    %dma_start3A_87 = arith.constant 0 : i32
    %dma_start3A_88 = tpu.memref_slice %dma_start3A_86[%dma_start3A_82, %dma_start3A_87] : memref<80x128xi32, #tpu.memory_space<hbm>> -> memref<1x128xi32, #tpu.memory_space<hbm>>
    %dma_start3A_89 = tpu.memref_squeeze %dma_start3A_88 : memref<1x128xi32, #tpu.memory_space<hbm>> -> memref<128xi32, #tpu.memory_space<hbm>>
    %dma_start3A_90 = arith.constant 0 : i32
    %dma_start3A_91 = arith.constant 0 : i32
    %dma_start3A_92 = tpu.memref_slice %arg5[%add3A, %dma_start3A_90, %dma_start3A_91] : memref<32x80x128xi32, #tpu.memory_space<hbm>> -> memref<1x80x128xi32, #tpu.memory_space<hbm>>
    %dma_start3A_93 = tpu.memref_squeeze %dma_start3A_92 : memref<1x80x128xi32, #tpu.memory_space<hbm>> -> memref<80x128xi32, #tpu.memory_space<hbm>>
    %dma_start3A_94 = arith.constant 0 : i32
    %dma_start3A_95 = tpu.memref_slice %dma_start3A_93[%dma_start3A_82, %dma_start3A_94] : memref<80x128xi32, #tpu.memory_space<hbm>> -> memref<1x128xi32, #tpu.memory_space<hbm>>
    %dma_start3A_96 = tpu.memref_squeeze %dma_start3A_95 : memref<1x128xi32, #tpu.memory_space<hbm>> -> memref<128xi32, #tpu.memory_space<hbm>>
    tpu.enqueue_dma source(%dma_start3A_96 : memref<128xi32, #tpu.memory_space<hbm>>) target(%arg11 : memref<128xi32, #tpu.memory_space<vmem>>) target_semaphore(%arg17 : memref<!tpu.dma_semaphore, #tpu.memory_space<semaphore_mem>>)
    %scan3A = arith.constant 0 : i32
    %scan3A_97 = arith.constant 0 : i32
    %scan3A_98 = arith.constant 40 : i32
    %scan3A_99 = arith.addi %scan3A_97, %scan3A_98 : i32
    %scan3A_100 = arith.constant 1 : i32
    scf.for %scan3A_103 = %scan3A_97 to %scan3A_99 step %scan3A_100  : i32 {
      %mul3A_104 = arith.constant 2 : i32
      %mul3A_105 = arith.muli %mul3A_104, %scan3A_103 : i32
      %add3A_106 = arith.constant 0 : i32
      %add3A_107 = arith.addi %mul3A_105, %add3A_106 : i32
      %add3A_108 = arith.constant 1 : i32
      %add3A_109 = arith.addi %add3A_107, %add3A_108 : i32
      %lt3A = arith.constant 80 : i32
      %lt3A_110 = arith.cmpi slt, %add3A_109, %lt3A : i32
      %convert_element_type3A = arith.extui %lt3A_110 : i1 to i32
      %cond3A = arith.constant 0 : i32
      %cond3A_111 = arith.cmpi ne, %convert_element_type3A, %cond3A : i32
      scf.if %cond3A_111 {
        %dma_wait3A_168 = arith.constant 0 : i32
        %dma_wait3A_169 = arith.constant 0 : i32
        %dma_wait3A_170 = arith.constant 0 : i32
        %dma_wait3A_171 = tpu.memref_slice %arg4[%add3A, %dma_wait3A_169, %dma_wait3A_170] : memref<32x80x128xi32, #tpu.memory_space<hbm>> -> memref<1x80x128xi32, #tpu.memory_space<hbm>>
        %dma_wait3A_172 = tpu.memref_squeeze %dma_wait3A_171 : memref<1x80x128xi32, #tpu.memory_space<hbm>> -> memref<80x128xi32, #tpu.memory_space<hbm>>
        %dma_wait3A_173 = arith.constant 0 : i32
        %dma_wait3A_174 = tpu.memref_slice %dma_wait3A_172[%dma_wait3A_168, %dma_wait3A_173] : memref<80x128xi32, #tpu.memory_space<hbm>> -> memref<1x128xi32, #tpu.memory_space<hbm>>
        %dma_wait3A_175 = tpu.memref_squeeze %dma_wait3A_174 : memref<1x128xi32, #tpu.memory_space<hbm>> -> memref<128xi32, #tpu.memory_space<hbm>>
        %dma_wait3A_176 = arith.constant 0 : i32
        %dma_wait3A_177 = arith.constant 0 : i32
        %dma_wait3A_178 = tpu.memref_slice %arg4[%add3A, %dma_wait3A_176, %dma_wait3A_177] : memref<32x80x128xi32, #tpu.memory_space<hbm>> -> memref<1x80x128xi32, #tpu.memory_space<hbm>>
        %dma_wait3A_179 = tpu.memref_squeeze %dma_wait3A_178 : memref<1x80x128xi32, #tpu.memory_space<hbm>> -> memref<80x128xi32, #tpu.memory_space<hbm>>
        %dma_wait3A_180 = arith.constant 0 : i32
        %dma_wait3A_181 = tpu.memref_slice %dma_wait3A_179[%dma_wait3A_168, %dma_wait3A_180] : memref<80x128xi32, #tpu.memory_space<hbm>> -> memref<1x128xi32, #tpu.memory_space<hbm>>
        %dma_wait3A_182 = tpu.memref_squeeze %dma_wait3A_181 : memref<1x128xi32, #tpu.memory_space<hbm>> -> memref<128xi32, #tpu.memory_space<hbm>>
        tpu.wait_dma2 semaphore(%arg17 : memref<!tpu.dma_semaphore, #tpu.memory_space<semaphore_mem>>) src(%dma_wait3A_182 : memref<128xi32, #tpu.memory_space<hbm>>) dst(%arg9 : memref<128xi32, #tpu.memory_space<vmem>>)
        %dma_wait3A_183 = arith.constant 0 : i32
        %dma_wait3A_184 = arith.constant 0 : i32
        %dma_wait3A_185 = arith.constant 0 : i32
        %dma_wait3A_186 = tpu.memref_slice %arg5[%add3A, %dma_wait3A_184, %dma_wait3A_185] : memref<32x80x128xi32, #tpu.memory_space<hbm>> -> memref<1x80x128xi32, #tpu.memory_space<hbm>>
        %dma_wait3A_187 = tpu.memref_squeeze %dma_wait3A_186 : memref<1x80x128xi32, #tpu.memory_space<hbm>> -> memref<80x128xi32, #tpu.memory_space<hbm>>
        %dma_wait3A_188 = arith.constant 0 : i32
        %dma_wait3A_189 = tpu.memref_slice %dma_wait3A_187[%dma_wait3A_183, %dma_wait3A_188] : memref<80x128xi32, #tpu.memory_space<hbm>> -> memref<1x128xi32, #tpu.memory_space<hbm>>
        %dma_wait3A_190 = tpu.memref_squeeze %dma_wait3A_189 : memref<1x128xi32, #tpu.memory_space<hbm>> -> memref<128xi32, #tpu.memory_space<hbm>>
        %dma_wait3A_191 = arith.constant 0 : i32
        %dma_wait3A_192 = arith.constant 0 : i32
        %dma_wait3A_193 = tpu.memref_slice %arg5[%add3A, %dma_wait3A_191, %dma_wait3A_192] : memref<32x80x128xi32, #tpu.memory_space<hbm>> -> memref<1x80x128xi32, #tpu.memory_space<hbm>>
        %dma_wait3A_194 = tpu.memref_squeeze %dma_wait3A_193 : memref<1x80x128xi32, #tpu.memory_space<hbm>> -> memref<80x128xi32, #tpu.memory_space<hbm>>
        %dma_wait3A_195 = arith.constant 0 : i32
        %dma_wait3A_196 = tpu.memref_slice %dma_wait3A_194[%dma_wait3A_183, %dma_wait3A_195] : memref<80x128xi32, #tpu.memory_space<hbm>> -> memref<1x128xi32, #tpu.memory_space<hbm>>
        %dma_wait3A_197 = tpu.memref_squeeze %dma_wait3A_196 : memref<1x128xi32, #tpu.memory_space<hbm>> -> memref<128xi32, #tpu.memory_space<hbm>>
        tpu.wait_dma2 semaphore(%arg17 : memref<!tpu.dma_semaphore, #tpu.memory_space<semaphore_mem>>) src(%dma_wait3A_197 : memref<128xi32, #tpu.memory_space<hbm>>) dst(%arg11 : memref<128xi32, #tpu.memory_space<vmem>>)
        %dma_start3A_198 = arith.constant 0 : i32
        %dma_start3A_199 = arith.constant 0 : i32
        %dma_start3A_200 = tpu.memref_slice %arg2[%dma_start3A_198, %dma_start3A_199] : memref<10112x64xf32, #tpu.memory_space<hbm>> -> memref<10112x64xf32, #tpu.memory_space<hbm>>
        tpu.enqueue_indirect_dma source(%dma_start3A_200 : memref<10112x64xf32, #tpu.memory_space<hbm>>) target(%arg13 : memref<128x64xf32, #tpu.memory_space<vmem>>) offsets(%arg9 : memref<128xi32, #tpu.memory_space<vmem>>) semaphore(%arg19 : memref<!tpu.dma_semaphore, #tpu.memory_space<semaphore_mem>>)
      } else {
      }
      %dma_wait3A_112 = arith.constant 0 : i32
      %dma_wait3A_113 = arith.constant 0 : i32
      %dma_wait3A_114 = tpu.memref_slice %arg2[%dma_wait3A_112, %dma_wait3A_113] : memref<10112x64xf32, #tpu.memory_space<hbm>> -> memref<10112x64xf32, #tpu.memory_space<hbm>>
      tpu.wait_indirect_dma semaphore(%arg18 : memref<!tpu.dma_semaphore, #tpu.memory_space<semaphore_mem>>) src(%dma_wait3A_114 : memref<10112x64xf32, #tpu.memory_space<hbm>>) dst(%arg12 : memref<128x64xf32, #tpu.memory_space<vmem>>)
      %dma_wait3A_115 = arith.constant 0 : i32
      %dma_wait3A_116 = arith.constant 0 : i32
      %dma_wait3A_117 = tpu.memref_slice %arg3[%dma_wait3A_115, %dma_wait3A_116] : memref<10112x16xf32, #tpu.memory_space<hbm>> -> memref<10112x16xf32, #tpu.memory_space<hbm>>
      tpu.wait_indirect_dma semaphore(%arg20 : memref<!tpu.dma_semaphore, #tpu.memory_space<semaphore_mem>>) src(%dma_wait3A_117 : memref<10112x16xf32, #tpu.memory_space<hbm>>) dst(%arg14 : memref<128x16xf32, #tpu.memory_space<vmem>>)
      %parallel_loop3A = arith.constant 0 : i32
      %parallel_loop3A_118 = arith.constant 128 : i32
      %parallel_loop3A_119 = arith.constant 1 : i32
      scf.for %parallel_loop3A_168 = %parallel_loop3A to %parallel_loop3A_118 step %parallel_loop3A_119  : i32 {
        %parallel_loop3A_169 = arith.index_cast %parallel_loop3A_168 : i32 to index
        %parallel_loop3A_170 = arith.constant 32 : index
        %parallel_loop3A_171 = tpu.vector_load %arg12[%parallel_loop3A_169, %parallel_loop3A_170] {strides = array<i32>} : memref<128x64xf32, #tpu.memory_space<vmem>>, vector<1x16xf32>,
        %parallel_loop3A_172 = vector.shape_cast %parallel_loop3A_171 : vector<1x16xf32> to vector<16xf32>
        %parallel_loop3A_173 = arith.constant 8 : i32
        %parallel_loop3A_174 = vector.broadcast %parallel_loop3A_173 : i32 to vector<16xi32>
        %parallel_loop3A_175 = arith.constant 0 : i32
        %parallel_loop3A_176 = vector.broadcast %parallel_loop3A_175 : i32 to vector<16xi32>
        %parallel_loop3A_177 = arith.cmpi slt, %parallel_loop3A_174, %parallel_loop3A_176 : vector<16xi32>
        %parallel_loop3A_178 = arith.constant 16 : i32
        %parallel_loop3A_179 = vector.broadcast %parallel_loop3A_178 : i32 to vector<16xi32>
        %parallel_loop3A_180 = arith.addi %parallel_loop3A_174, %parallel_loop3A_179 : vector<16xi32>
        %parallel_loop3A_181 = arith.select %parallel_loop3A_177, %parallel_loop3A_180, %parallel_loop3A_174 : vector<16xi1>, vector<16xi32>
        %parallel_loop3A_182 = vector.shape_cast %parallel_loop3A_181 : vector<16xi32> to vector<16x1xi32>
        %parallel_loop3A_183 = vector.shape_cast %parallel_loop3A_182 : vector<16x1xi32> to vector<16xi32>
        %parallel_loop3A_184 = tpu.dynamic_gather %parallel_loop3A_172[%parallel_loop3A_183] in [0] : vector<16xf32>, vector<16xi32> -> vector<16xf32>
        %parallel_loop3A_185 = arith.index_cast %parallel_loop3A_168 : i32 to index
        %parallel_loop3A_186 = arith.constant 0 : index
        %parallel_loop3A_187 = tpu.vector_load %arg14[%parallel_loop3A_185, %parallel_loop3A_186] {strides = array<i32>} : memref<128x16xf32, #tpu.memory_space<vmem>>, vector<1x16xf32>,
        %parallel_loop3A_188 = vector.shape_cast %parallel_loop3A_187 : vector<1x16xf32> to vector<16xf32>
        %parallel_loop3A_189 = arith.constant 0 : i32
        %parallel_loop3A_190 = vector.broadcast %parallel_loop3A_189 : i32 to vector<16xi32>
        %parallel_loop3A_191 = arith.constant 0 : i32
        %parallel_loop3A_192 = vector.broadcast %parallel_loop3A_191 : i32 to vector<16xi32>
        %parallel_loop3A_193 = arith.cmpi slt, %parallel_loop3A_190, %parallel_loop3A_192 : vector<16xi32>
        %parallel_loop3A_194 = arith.constant 16 : i32
        %parallel_loop3A_195 = vector.broadcast %parallel_loop3A_194 : i32 to vector<16xi32>
        %parallel_loop3A_196 = arith.addi %parallel_loop3A_190, %parallel_loop3A_195 : vector<16xi32>
        %parallel_loop3A_197 = arith.select %parallel_loop3A_193, %parallel_loop3A_196, %parallel_loop3A_190 : vector<16xi1>, vector<16xi32>
        %parallel_loop3A_198 = vector.shape_cast %parallel_loop3A_197 : vector<16xi32> to vector<16x1xi32>
        %parallel_loop3A_199 = vector.shape_cast %parallel_loop3A_198 : vector<16x1xi32> to vector<16xi32>
        %parallel_loop3A_200 = tpu.dynamic_gather %parallel_loop3A_188[%parallel_loop3A_199] in [0] : vector<16xf32>, vector<16xi32> -> vector<16xf32>
        %parallel_loop3A_201 = arith.addf %parallel_loop3A_184, %parallel_loop3A_200 : vector<16xf32>
        %parallel_loop3A_202 = arith.constant 2.000000e-01 : f32
        %parallel_loop3A_203 = vector.broadcast %parallel_loop3A_202 : f32 to vector<16xf32>
        %parallel_loop3A_204 = arith.mulf %parallel_loop3A_203, %parallel_loop3A_201 : vector<16xf32>
        %parallel_loop3A_205 = arith.maximumf %parallel_loop3A_201, %parallel_loop3A_204 : vector<16xf32>
        %parallel_loop3A_206 = math.exp %parallel_loop3A_205 : vector<16xf32>
        %parallel_loop3A_207 = arith.index_cast %parallel_loop3A_168 : i32 to index
        %parallel_loop3A_208 = arith.constant 0 : index
        %parallel_loop3A_209 = tpu.vector_load %arg12[%parallel_loop3A_207, %parallel_loop3A_208] {strides = array<i32>} : memref<128x64xf32, #tpu.memory_space<vmem>>, vector<1x16xf32>,
        %parallel_loop3A_210 = vector.shape_cast %parallel_loop3A_209 : vector<1x16xf32> to vector<16xf32>
        %parallel_loop3A_211 = arith.mulf %parallel_loop3A_206, %parallel_loop3A_210 : vector<16xf32>
        %parallel_loop3A_212 = arith.index_cast %parallel_loop3A_168 : i32 to index
        %parallel_loop3A_213 = arith.constant 0 : index
        %parallel_loop3A_214 = tpu.vector_load %arg12[%parallel_loop3A_212, %parallel_loop3A_213] {strides = array<i32>} : memref<128x64xf32, #tpu.memory_space<vmem>>, vector<1x16xf32>,
        %parallel_loop3A_215 = vector.shape_cast %parallel_loop3A_214 : vector<1x16xf32> to vector<16xf32>
        %parallel_loop3A_216 = vector.shape_cast %parallel_loop3A_211 : vector<16xf32> to vector<1x16xf32>
        tpu.vector_store %arg12[%parallel_loop3A_212, %parallel_loop3A_213], %parallel_loop3A_216 {strides = array<i32>} : memref<128x64xf32, #tpu.memory_space<vmem>>, vector<1x16xf32>,
        %parallel_loop3A_217 = arith.index_cast %parallel_loop3A_168 : i32 to index
        %parallel_loop3A_218 = arith.constant 16 : index
        %parallel_loop3A_219 = tpu.vector_load %arg12[%parallel_loop3A_217, %parallel_loop3A_218] {strides = array<i32>} : memref<128x64xf32, #tpu.memory_space<vmem>>, vector<1x16xf32>,
        %parallel_loop3A_220 = vector.shape_cast %parallel_loop3A_219 : vector<1x16xf32> to vector<16xf32>
        %parallel_loop3A_221 = arith.mulf %parallel_loop3A_206, %parallel_loop3A_220 : vector<16xf32>
        %parallel_loop3A_222 = arith.index_cast %parallel_loop3A_168 : i32 to index
        %parallel_loop3A_223 = arith.constant 16 : index
        %parallel_loop3A_224 = tpu.vector_load %arg12[%parallel_loop3A_222, %parallel_loop3A_223] {strides = array<i32>} : memref<128x64xf32, #tpu.memory_space<vmem>>, vector<1x16xf32>,
        %parallel_loop3A_225 = vector.shape_cast %parallel_loop3A_224 : vector<1x16xf32> to vector<16xf32>
        %parallel_loop3A_226 = vector.shape_cast %parallel_loop3A_221 : vector<16xf32> to vector<1x16xf32>
        tpu.vector_store %arg12[%parallel_loop3A_222, %parallel_loop3A_223], %parallel_loop3A_226 {strides = array<i32>} : memref<128x64xf32, #tpu.memory_space<vmem>>, vector<1x16xf32>,
        %parallel_loop3A_227 = arith.mulf %parallel_loop3A_206, %parallel_loop3A_172 : vector<16xf32>
        %parallel_loop3A_228 = arith.index_cast %parallel_loop3A_168 : i32 to index
        %parallel_loop3A_229 = arith.constant 32 : index
        %parallel_loop3A_230 = tpu.vector_load %arg12[%parallel_loop3A_228, %parallel_loop3A_229] {strides = array<i32>} : memref<128x64xf32, #tpu.memory_space<vmem>>, vector<1x16xf32>,
        %parallel_loop3A_231 = vector.shape_cast %parallel_loop3A_230 : vector<1x16xf32> to vector<16xf32>
        %parallel_loop3A_232 = vector.shape_cast %parallel_loop3A_227 : vector<16xf32> to vector<1x16xf32>
        tpu.vector_store %arg12[%parallel_loop3A_228, %parallel_loop3A_229], %parallel_loop3A_232 {strides = array<i32>} : memref<128x64xf32, #tpu.memory_space<vmem>>, vector<1x16xf32>,
      } {sc.loop_unroll_factor = 4 : i64, sc.parallel_access}
      %add3A_120 = arith.constant 1 : i32
      %add3A_121 = arith.addi %add3A_107, %add3A_120 : i32
      %lt3A_122 = arith.constant 80 : i32
      %lt3A_123 = arith.cmpi slt, %add3A_121, %lt3A_122 : i32
      %convert_element_type3A_124 = arith.extui %lt3A_123 : i1 to i32
      %cond3A_125 = arith.constant 0 : i32
      %cond3A_126 = arith.cmpi ne, %convert_element_type3A_124, %cond3A_125 : i32
      scf.if %cond3A_126 {
        %dma_start3A_168 = arith.constant 0 : i32
        %dma_start3A_169 = arith.constant 0 : i32
        %dma_start3A_170 = tpu.memref_slice %arg3[%dma_start3A_168, %dma_start3A_169] : memref<10112x16xf32, #tpu.memory_space<hbm>> -> memref<10112x16xf32, #tpu.memory_space<hbm>>
        tpu.enqueue_indirect_dma source(%dma_start3A_170 : memref<10112x16xf32, #tpu.memory_space<hbm>>) target(%arg14 : memref<128x16xf32, #tpu.memory_space<vmem>>) offsets(%arg11 : memref<128xi32, #tpu.memory_space<vmem>>) semaphore(%arg20 : memref<!tpu.dma_semaphore, #tpu.memory_space<semaphore_mem>>)
      } else {
      }
      "tpu.region"() ({
        %run_scoped3A = tpu.sem_alloc : memref<!tpu.dma_semaphore, #tpu.memory_space<semaphore_mem>>
        %dma_start3A_168 = arith.constant 0 : i32
        %dma_start3A_169 = arith.constant 0 : i32
        %dma_start3A_170 = tpu.memref_slice %arg15[%dma_start3A_168, %dma_start3A_169] : memref<10112x64xf32, #tpu.memory_space<vmem_shared>> -> memref<10112x64xf32, #tpu.memory_space<vmem_shared>>
        tpu.enqueue_indirect_dma source(%arg12 : memref<128x64xf32, #tpu.memory_space<vmem>>) target(%dma_start3A_170 : memref<10112x64xf32, #tpu.memory_space<vmem_shared>>) offsets(%arg10 : memref<128xi32, #tpu.memory_space<vmem>>) semaphore(%run_scoped3A : memref<!tpu.dma_semaphore, #tpu.memory_space<semaphore_mem>>) {add = true}
        %dma_wait3A_171 = arith.constant 0 : i32
        %dma_wait3A_172 = arith.constant 0 : i32
        %dma_wait3A_173 = tpu.memref_slice %arg15[%dma_wait3A_171, %dma_wait3A_172] : memref<10112x64xf32, #tpu.memory_space<vmem_shared>> -> memref<10112x64xf32, #tpu.memory_space<vmem_shared>>
        tpu.wait_indirect_dma semaphore(%run_scoped3A : memref<!tpu.dma_semaphore, #tpu.memory_space<semaphore_mem>>) src(%arg12 : memref<128x64xf32, #tpu.memory_space<vmem>>) dst(%dma_wait3A_173 : memref<10112x64xf32, #tpu.memory_space<vmem_shared>>)
        tpu.yield
      }) : () -> ()
      %add3A_127 = arith.constant 2 : i32
      %add3A_128 = arith.addi %add3A_107, %add3A_127 : i32
      %lt3A_129 = arith.constant 80 : i32
      %lt3A_130 = arith.cmpi slt, %add3A_128, %lt3A_129 : i32
      %convert_element_type3A_131 = arith.extui %lt3A_130 : i1 to i32
      %cond3A_132 = arith.constant 0 : i32
      %cond3A_133 = arith.cmpi ne, %convert_element_type3A_131, %cond3A_132 : i32
      scf.if %cond3A_133 {
        %add3A_168 = arith.constant 2 : i32
        %add3A_169 = arith.addi %add3A_107, %add3A_168 : i32
        %dma_start3A_170 = arith.constant 0 : i32
        %dma_start3A_171 = arith.constant 0 : i32
        %dma_start3A_172 = tpu.memref_slice %arg4[%add3A, %dma_start3A_170, %dma_start3A_171] : memref<32x80x128xi32, #tpu.memory_space<hbm>> -> memref<1x80x128xi32, #tpu.memory_space<hbm>>
        %dma_start3A_173 = tpu.memref_squeeze %dma_start3A_172 : memref<1x80x128xi32, #tpu.memory_space<hbm>> -> memref<80x128xi32, #tpu.memory_space<hbm>>
        %dma_start3A_174 = arith.constant 0 : i32
        %dma_start3A_175 = tpu.memref_slice %dma_start3A_173[%add3A_169, %dma_start3A_174] : memref<80x128xi32, #tpu.memory_space<hbm>> -> memref<1x128xi32, #tpu.memory_space<hbm>>
        %dma_start3A_176 = tpu.memref_squeeze %dma_start3A_175 : memref<1x128xi32, #tpu.memory_space<hbm>> -> memref<128xi32, #tpu.memory_space<hbm>>
        %dma_start3A_177 = arith.constant 0 : i32
        %dma_start3A_178 = arith.constant 0 : i32
        %dma_start3A_179 = tpu.memref_slice %arg4[%add3A, %dma_start3A_177, %dma_start3A_178] : memref<32x80x128xi32, #tpu.memory_space<hbm>> -> memref<1x80x128xi32, #tpu.memory_space<hbm>>
        %dma_start3A_180 = tpu.memref_squeeze %dma_start3A_179 : memref<1x80x128xi32, #tpu.memory_space<hbm>> -> memref<80x128xi32, #tpu.memory_space<hbm>>
        %dma_start3A_181 = arith.constant 0 : i32
        %dma_start3A_182 = tpu.memref_slice %dma_start3A_180[%add3A_169, %dma_start3A_181] : memref<80x128xi32, #tpu.memory_space<hbm>> -> memref<1x128xi32, #tpu.memory_space<hbm>>
        %dma_start3A_183 = tpu.memref_squeeze %dma_start3A_182 : memref<1x128xi32, #tpu.memory_space<hbm>> -> memref<128xi32, #tpu.memory_space<hbm>>
        tpu.enqueue_dma source(%dma_start3A_183 : memref<128xi32, #tpu.memory_space<hbm>>) target(%arg8 : memref<128xi32, #tpu.memory_space<vmem>>) target_semaphore(%arg16 : memref<!tpu.dma_semaphore, #tpu.memory_space<semaphore_mem>>)
        %dma_start3A_184 = arith.constant 0 : i32
        %dma_start3A_185 = arith.constant 0 : i32
        %dma_start3A_186 = tpu.memref_slice %arg5[%add3A, %dma_start3A_184, %dma_start3A_185] : memref<32x80x128xi32, #tpu.memory_space<hbm>> -> memref<1x80x128xi32, #tpu.memory_space<hbm>>
        %dma_start3A_187 = tpu.memref_squeeze %dma_start3A_186 : memref<1x80x128xi32, #tpu.memory_space<hbm>> -> memref<80x128xi32, #tpu.memory_space<hbm>>
        %dma_start3A_188 = arith.constant 0 : i32
        %dma_start3A_189 = tpu.memref_slice %dma_start3A_187[%add3A_169, %dma_start3A_188] : memref<80x128xi32, #tpu.memory_space<hbm>> -> memref<1x128xi32, #tpu.memory_space<hbm>>
        %dma_start3A_190 = tpu.memref_squeeze %dma_start3A_189 : memref<1x128xi32, #tpu.memory_space<hbm>> -> memref<128xi32, #tpu.memory_space<hbm>>
        %dma_start3A_191 = arith.constant 0 : i32
        %dma_start3A_192 = arith.constant 0 : i32
        %dma_start3A_193 = tpu.memref_slice %arg5[%add3A, %dma_start3A_191, %dma_start3A_192] : memref<32x80x128xi32, #tpu.memory_space<hbm>> -> memref<1x80x128xi32, #tpu.memory_space<hbm>>
        %dma_start3A_194 = tpu.memref_squeeze %dma_start3A_193 : memref<1x80x128xi32, #tpu.memory_space<hbm>> -> memref<80x128xi32, #tpu.memory_space<hbm>>
        %dma_start3A_195 = arith.constant 0 : i32
        %dma_start3A_196 = tpu.memref_slice %dma_start3A_194[%add3A_169, %dma_start3A_195] : memref<80x128xi32, #tpu.memory_space<hbm>> -> memref<1x128xi32, #tpu.memory_space<hbm>>
        %dma_start3A_197 = tpu.memref_squeeze %dma_start3A_196 : memref<1x128xi32, #tpu.memory_space<hbm>> -> memref<128xi32, #tpu.memory_space<hbm>>
        tpu.enqueue_dma source(%dma_start3A_197 : memref<128xi32, #tpu.memory_space<hbm>>) target(%arg10 : memref<128xi32, #tpu.memory_space<vmem>>) target_semaphore(%arg16 : memref<!tpu.dma_semaphore, #tpu.memory_space<semaphore_mem>>)
      } else {
      }
      %mul3A_134 = arith.constant 2 : i32
      %mul3A_135 = arith.muli %mul3A_134, %scan3A_103 : i32
      %add3A_136 = arith.constant 1 : i32
      %add3A_137 = arith.addi %mul3A_135, %add3A_136 : i32
      %add3A_138 = arith.constant 1 : i32
      %add3A_139 = arith.addi %add3A_137, %add3A_138 : i32
      %lt3A_140 = arith.constant 80 : i32
      %lt3A_141 = arith.cmpi slt, %add3A_139, %lt3A_140 : i32
      %convert_element_type3A_142 = arith.extui %lt3A_141 : i1 to i32
      %cond3A_143 = arith.constant 0 : i32
      %cond3A_144 = arith.cmpi ne, %convert_element_type3A_142, %cond3A_143 : i32
      scf.if %cond3A_144 {
        %dma_wait3A_168 = arith.constant 0 : i32
        %dma_wait3A_169 = arith.constant 0 : i32
        %dma_wait3A_170 = arith.constant 0 : i32
        %dma_wait3A_171 = tpu.memref_slice %arg4[%add3A, %dma_wait3A_169, %dma_wait3A_170] : memref<32x80x128xi32, #tpu.memory_space<hbm>> -> memref<1x80x128xi32, #tpu.memory_space<hbm>>
        %dma_wait3A_172 = tpu.memref_squeeze %dma_wait3A_171 : memref<1x80x128xi32, #tpu.memory_space<hbm>> -> memref<80x128xi32, #tpu.memory_space<hbm>>
        %dma_wait3A_173 = arith.constant 0 : i32
        %dma_wait3A_174 = tpu.memref_slice %dma_wait3A_172[%dma_wait3A_168, %dma_wait3A_173] : memref<80x128xi32, #tpu.memory_space<hbm>> -> memref<1x128xi32, #tpu.memory_space<hbm>>
        %dma_wait3A_175 = tpu.memref_squeeze %dma_wait3A_174 : memref<1x128xi32, #tpu.memory_space<hbm>> -> memref<128xi32, #tpu.memory_space<hbm>>
        %dma_wait3A_176 = arith.constant 0 : i32
        %dma_wait3A_177 = arith.constant 0 : i32
        %dma_wait3A_178 = tpu.memref_slice %arg4[%add3A, %dma_wait3A_176, %dma_wait3A_177] : memref<32x80x128xi32, #tpu.memory_space<hbm>> -> memref<1x80x128xi32, #tpu.memory_space<hbm>>
        %dma_wait3A_179 = tpu.memref_squeeze %dma_wait3A_178 : memref<1x80x128xi32, #tpu.memory_space<hbm>> -> memref<80x128xi32, #tpu.memory_space<hbm>>
        %dma_wait3A_180 = arith.constant 0 : i32
        %dma_wait3A_181 = tpu.memref_slice %dma_wait3A_179[%dma_wait3A_168, %dma_wait3A_180] : memref<80x128xi32, #tpu.memory_space<hbm>> -> memref<1x128xi32, #tpu.memory_space<hbm>>
        %dma_wait3A_182 = tpu.memref_squeeze %dma_wait3A_181 : memref<1x128xi32, #tpu.memory_space<hbm>> -> memref<128xi32, #tpu.memory_space<hbm>>
        tpu.wait_dma2 semaphore(%arg16 : memref<!tpu.dma_semaphore, #tpu.memory_space<semaphore_mem>>) src(%dma_wait3A_182 : memref<128xi32, #tpu.memory_space<hbm>>) dst(%arg8 : memref<128xi32, #tpu.memory_space<vmem>>)
        %dma_wait3A_183 = arith.constant 0 : i32
        %dma_wait3A_184 = arith.constant 0 : i32
        %dma_wait3A_185 = arith.constant 0 : i32
        %dma_wait3A_186 = tpu.memref_slice %arg5[%add3A, %dma_wait3A_184, %dma_wait3A_185] : memref<32x80x128xi32, #tpu.memory_space<hbm>> -> memref<1x80x128xi32, #tpu.memory_space<hbm>>
        %dma_wait3A_187 = tpu.memref_squeeze %dma_wait3A_186 : memref<1x80x128xi32, #tpu.memory_space<hbm>> -> memref<80x128xi32, #tpu.memory_space<hbm>>
        %dma_wait3A_188 = arith.constant 0 : i32
        %dma_wait3A_189 = tpu.memref_slice %dma_wait3A_187[%dma_wait3A_183, %dma_wait3A_188] : memref<80x128xi32, #tpu.memory_space<hbm>> -> memref<1x128xi32, #tpu.memory_space<hbm>>
        %dma_wait3A_190 = tpu.memref_squeeze %dma_wait3A_189 : memref<1x128xi32, #tpu.memory_space<hbm>> -> memref<128xi32, #tpu.memory_space<hbm>>
        %dma_wait3A_191 = arith.constant 0 : i32
        %dma_wait3A_192 = arith.constant 0 : i32
        %dma_wait3A_193 = tpu.memref_slice %arg5[%add3A, %dma_wait3A_191, %dma_wait3A_192] : memref<32x80x128xi32, #tpu.memory_space<hbm>> -> memref<1x80x128xi32, #tpu.memory_space<hbm>>
        %dma_wait3A_194 = tpu.memref_squeeze %dma_wait3A_193 : memref<1x80x128xi32, #tpu.memory_space<hbm>> -> memref<80x128xi32, #tpu.memory_space<hbm>>
        %dma_wait3A_195 = arith.constant 0 : i32
        %dma_wait3A_196 = tpu.memref_slice %dma_wait3A_194[%dma_wait3A_183, %dma_wait3A_195] : memref<80x128xi32, #tpu.memory_space<hbm>> -> memref<1x128xi32, #tpu.memory_space<hbm>>
        %dma_wait3A_197 = tpu.memref_squeeze %dma_wait3A_196 : memref<1x128xi32, #tpu.memory_space<hbm>> -> memref<128xi32, #tpu.memory_space<hbm>>
        tpu.wait_dma2 semaphore(%arg16 : memref<!tpu.dma_semaphore, #tpu.memory_space<semaphore_mem>>) src(%dma_wait3A_197 : memref<128xi32, #tpu.memory_space<hbm>>) dst(%arg10 : memref<128xi32, #tpu.memory_space<vmem>>)
        %dma_start3A_198 = arith.constant 0 : i32
        %dma_start3A_199 = arith.constant 0 : i32
        %dma_start3A_200 = tpu.memref_slice %arg2[%dma_start3A_198, %dma_start3A_199] : memref<10112x64xf32, #tpu.memory_space<hbm>> -> memref<10112x64xf32, #tpu.memory_space<hbm>>
        tpu.enqueue_indirect_dma source(%dma_start3A_200 : memref<10112x64xf32, #tpu.memory_space<hbm>>) target(%arg12 : memref<128x64xf32, #tpu.memory_space<vmem>>) offsets(%arg8 : memref<128xi32, #tpu.memory_space<vmem>>) semaphore(%arg18 : memref<!tpu.dma_semaphore, #tpu.memory_space<semaphore_mem>>)
      } else {
      }
      %dma_wait3A_145 = arith.constant 0 : i32
      %dma_wait3A_146 = arith.constant 0 : i32
      %dma_wait3A_147 = tpu.memref_slice %arg2[%dma_wait3A_145, %dma_wait3A_146] : memref<10112x64xf32, #tpu.memory_space<hbm>> -> memref<10112x64xf32, #tpu.memory_space<hbm>>
      tpu.wait_indirect_dma semaphore(%arg19 : memref<!tpu.dma_semaphore, #tpu.memory_space<semaphore_mem>>) src(%dma_wait3A_147 : memref<10112x64xf32, #tpu.memory_space<hbm>>) dst(%arg13 : memref<128x64xf32, #tpu.memory_space<vmem>>)
      %dma_wait3A_148 = arith.constant 0 : i32
      %dma_wait3A_149 = arith.constant 0 : i32
      %dma_wait3A_150 = tpu.memref_slice %arg3[%dma_wait3A_148, %dma_wait3A_149] : memref<10112x16xf32, #tpu.memory_space<hbm>> -> memref<10112x16xf32, #tpu.memory_space<hbm>>
      tpu.wait_indirect_dma semaphore(%arg20 : memref<!tpu.dma_semaphore, #tpu.memory_space<semaphore_mem>>) src(%dma_wait3A_150 : memref<10112x16xf32, #tpu.memory_space<hbm>>) dst(%arg14 : memref<128x16xf32, #tpu.memory_space<vmem>>)
      %parallel_loop3A_151 = arith.constant 0 : i32
      %parallel_loop3A_152 = arith.constant 128 : i32
      %parallel_loop3A_153 = arith.constant 1 : i32
      scf.for %parallel_loop3A_168 = %parallel_loop3A_151 to %parallel_loop3A_152 step %parallel_loop3A_153  : i32 {
        %parallel_loop3A_169 = arith.index_cast %parallel_loop3A_168 : i32 to index
        %parallel_loop3A_170 = arith.constant 32 : index
        %parallel_loop3A_171 = tpu.vector_load %arg13[%parallel_loop3A_169, %parallel_loop3A_170] {strides = array<i32>} : memref<128x64xf32, #tpu.memory_space<vmem>>, vector<1x16xf32>,
        %parallel_loop3A_172 = vector.shape_cast %parallel_loop3A_171 : vector<1x16xf32> to vector<16xf32>
        %parallel_loop3A_173 = arith.constant 8 : i32
        %parallel_loop3A_174 = vector.broadcast %parallel_loop3A_173 : i32 to vector<16xi32>
        %parallel_loop3A_175 = arith.constant 0 : i32
        %parallel_loop3A_176 = vector.broadcast %parallel_loop3A_175 : i32 to vector<16xi32>
        %parallel_loop3A_177 = arith.cmpi slt, %parallel_loop3A_174, %parallel_loop3A_176 : vector<16xi32>
        %parallel_loop3A_178 = arith.constant 16 : i32
        %parallel_loop3A_179 = vector.broadcast %parallel_loop3A_178 : i32 to vector<16xi32>
        %parallel_loop3A_180 = arith.addi %parallel_loop3A_174, %parallel_loop3A_179 : vector<16xi32>
        %parallel_loop3A_181 = arith.select %parallel_loop3A_177, %parallel_loop3A_180, %parallel_loop3A_174 : vector<16xi1>, vector<16xi32>
        %parallel_loop3A_182 = vector.shape_cast %parallel_loop3A_181 : vector<16xi32> to vector<16x1xi32>
        %parallel_loop3A_183 = vector.shape_cast %parallel_loop3A_182 : vector<16x1xi32> to vector<16xi32>
        %parallel_loop3A_184 = tpu.dynamic_gather %parallel_loop3A_172[%parallel_loop3A_183] in [0] : vector<16xf32>, vector<16xi32> -> vector<16xf32>
        %parallel_loop3A_185 = arith.index_cast %parallel_loop3A_168 : i32 to index
        %parallel_loop3A_186 = arith.constant 0 : index
        %parallel_loop3A_187 = tpu.vector_load %arg14[%parallel_loop3A_185, %parallel_loop3A_186] {strides = array<i32>} : memref<128x16xf32, #tpu.memory_space<vmem>>, vector<1x16xf32>,
        %parallel_loop3A_188 = vector.shape_cast %parallel_loop3A_187 : vector<1x16xf32> to vector<16xf32>
        %parallel_loop3A_189 = arith.constant 0 : i32
        %parallel_loop3A_190 = vector.broadcast %parallel_loop3A_189 : i32 to vector<16xi32>
        %parallel_loop3A_191 = arith.constant 0 : i32
        %parallel_loop3A_192 = vector.broadcast %parallel_loop3A_191 : i32 to vector<16xi32>
        %parallel_loop3A_193 = arith.cmpi slt, %parallel_loop3A_190, %parallel_loop3A_192 : vector<16xi32>
        %parallel_loop3A_194 = arith.constant 16 : i32
        %parallel_loop3A_195 = vector.broadcast %parallel_loop3A_194 : i32 to vector<16xi32>
        %parallel_loop3A_196 = arith.addi %parallel_loop3A_190, %parallel_loop3A_195 : vector<16xi32>
        %parallel_loop3A_197 = arith.select %parallel_loop3A_193, %parallel_loop3A_196, %parallel_loop3A_190 : vector<16xi1>, vector<16xi32>
        %parallel_loop3A_198 = vector.shape_cast %parallel_loop3A_197 : vector<16xi32> to vector<16x1xi32>
        %parallel_loop3A_199 = vector.shape_cast %parallel_loop3A_198 : vector<16x1xi32> to vector<16xi32>
        %parallel_loop3A_200 = tpu.dynamic_gather %parallel_loop3A_188[%parallel_loop3A_199] in [0] : vector<16xf32>, vector<16xi32> -> vector<16xf32>
        %parallel_loop3A_201 = arith.addf %parallel_loop3A_184, %parallel_loop3A_200 : vector<16xf32>
        %parallel_loop3A_202 = arith.constant 2.000000e-01 : f32
        %parallel_loop3A_203 = vector.broadcast %parallel_loop3A_202 : f32 to vector<16xf32>
        %parallel_loop3A_204 = arith.mulf %parallel_loop3A_203, %parallel_loop3A_201 : vector<16xf32>
        %parallel_loop3A_205 = arith.maximumf %parallel_loop3A_201, %parallel_loop3A_204 : vector<16xf32>
        %parallel_loop3A_206 = math.exp %parallel_loop3A_205 : vector<16xf32>
        %parallel_loop3A_207 = arith.index_cast %parallel_loop3A_168 : i32 to index
        %parallel_loop3A_208 = arith.constant 0 : index
        %parallel_loop3A_209 = tpu.vector_load %arg13[%parallel_loop3A_207, %parallel_loop3A_208] {strides = array<i32>} : memref<128x64xf32, #tpu.memory_space<vmem>>, vector<1x16xf32>,
        %parallel_loop3A_210 = vector.shape_cast %parallel_loop3A_209 : vector<1x16xf32> to vector<16xf32>
        %parallel_loop3A_211 = arith.mulf %parallel_loop3A_206, %parallel_loop3A_210 : vector<16xf32>
        %parallel_loop3A_212 = arith.index_cast %parallel_loop3A_168 : i32 to index
        %parallel_loop3A_213 = arith.constant 0 : index
        %parallel_loop3A_214 = tpu.vector_load %arg13[%parallel_loop3A_212, %parallel_loop3A_213] {strides = array<i32>} : memref<128x64xf32, #tpu.memory_space<vmem>>, vector<1x16xf32>,
        %parallel_loop3A_215 = vector.shape_cast %parallel_loop3A_214 : vector<1x16xf32> to vector<16xf32>
        %parallel_loop3A_216 = vector.shape_cast %parallel_loop3A_211 : vector<16xf32> to vector<1x16xf32>
        tpu.vector_store %arg13[%parallel_loop3A_212, %parallel_loop3A_213], %parallel_loop3A_216 {strides = array<i32>} : memref<128x64xf32, #tpu.memory_space<vmem>>, vector<1x16xf32>,
        %parallel_loop3A_217 = arith.index_cast %parallel_loop3A_168 : i32 to index
        %parallel_loop3A_218 = arith.constant 16 : index
        %parallel_loop3A_219 = tpu.vector_load %arg13[%parallel_loop3A_217, %parallel_loop3A_218] {strides = array<i32>} : memref<128x64xf32, #tpu.memory_space<vmem>>, vector<1x16xf32>,
        %parallel_loop3A_220 = vector.shape_cast %parallel_loop3A_219 : vector<1x16xf32> to vector<16xf32>
        %parallel_loop3A_221 = arith.mulf %parallel_loop3A_206, %parallel_loop3A_220 : vector<16xf32>
        %parallel_loop3A_222 = arith.index_cast %parallel_loop3A_168 : i32 to index
        %parallel_loop3A_223 = arith.constant 16 : index
        %parallel_loop3A_224 = tpu.vector_load %arg13[%parallel_loop3A_222, %parallel_loop3A_223] {strides = array<i32>} : memref<128x64xf32, #tpu.memory_space<vmem>>, vector<1x16xf32>,
        %parallel_loop3A_225 = vector.shape_cast %parallel_loop3A_224 : vector<1x16xf32> to vector<16xf32>
        %parallel_loop3A_226 = vector.shape_cast %parallel_loop3A_221 : vector<16xf32> to vector<1x16xf32>
        tpu.vector_store %arg13[%parallel_loop3A_222, %parallel_loop3A_223], %parallel_loop3A_226 {strides = array<i32>} : memref<128x64xf32, #tpu.memory_space<vmem>>, vector<1x16xf32>,
        %parallel_loop3A_227 = arith.mulf %parallel_loop3A_206, %parallel_loop3A_172 : vector<16xf32>
        %parallel_loop3A_228 = arith.index_cast %parallel_loop3A_168 : i32 to index
        %parallel_loop3A_229 = arith.constant 32 : index
        %parallel_loop3A_230 = tpu.vector_load %arg13[%parallel_loop3A_228, %parallel_loop3A_229] {strides = array<i32>} : memref<128x64xf32, #tpu.memory_space<vmem>>, vector<1x16xf32>,
        %parallel_loop3A_231 = vector.shape_cast %parallel_loop3A_230 : vector<1x16xf32> to vector<16xf32>
        %parallel_loop3A_232 = vector.shape_cast %parallel_loop3A_227 : vector<16xf32> to vector<1x16xf32>
        tpu.vector_store %arg13[%parallel_loop3A_228, %parallel_loop3A_229], %parallel_loop3A_232 {strides = array<i32>} : memref<128x64xf32, #tpu.memory_space<vmem>>, vector<1x16xf32>,
      } {sc.loop_unroll_factor = 4 : i64, sc.parallel_access}
      %add3A_154 = arith.constant 1 : i32
      %add3A_155 = arith.addi %add3A_137, %add3A_154 : i32
      %lt3A_156 = arith.constant 80 : i32
      %lt3A_157 = arith.cmpi slt, %add3A_155, %lt3A_156 : i32
      %convert_element_type3A_158 = arith.extui %lt3A_157 : i1 to i32
      %cond3A_159 = arith.constant 0 : i32
      %cond3A_160 = arith.cmpi ne, %convert_element_type3A_158, %cond3A_159 : i32
      scf.if %cond3A_160 {
        %dma_start3A_168 = arith.constant 0 : i32
        %dma_start3A_169 = arith.constant 0 : i32
        %dma_start3A_170 = tpu.memref_slice %arg3[%dma_start3A_168, %dma_start3A_169] : memref<10112x16xf32, #tpu.memory_space<hbm>> -> memref<10112x16xf32, #tpu.memory_space<hbm>>
        tpu.enqueue_indirect_dma source(%dma_start3A_170 : memref<10112x16xf32, #tpu.memory_space<hbm>>) target(%arg14 : memref<128x16xf32, #tpu.memory_space<vmem>>) offsets(%arg10 : memref<128xi32, #tpu.memory_space<vmem>>) semaphore(%arg20 : memref<!tpu.dma_semaphore, #tpu.memory_space<semaphore_mem>>)
      } else {
      }
      "tpu.region"() ({
        %run_scoped3A = tpu.sem_alloc : memref<!tpu.dma_semaphore, #tpu.memory_space<semaphore_mem>>
        %dma_start3A_168 = arith.constant 0 : i32
        %dma_start3A_169 = arith.constant 0 : i32
        %dma_start3A_170 = tpu.memref_slice %arg15[%dma_start3A_168, %dma_start3A_169] : memref<10112x64xf32, #tpu.memory_space<vmem_shared>> -> memref<10112x64xf32, #tpu.memory_space<vmem_shared>>
        tpu.enqueue_indirect_dma source(%arg13 : memref<128x64xf32, #tpu.memory_space<vmem>>) target(%dma_start3A_170 : memref<10112x64xf32, #tpu.memory_space<vmem_shared>>) offsets(%arg11 : memref<128xi32, #tpu.memory_space<vmem>>) semaphore(%run_scoped3A : memref<!tpu.dma_semaphore, #tpu.memory_space<semaphore_mem>>) {add = true}
        %dma_wait3A_171 = arith.constant 0 : i32
        %dma_wait3A_172 = arith.constant 0 : i32
        %dma_wait3A_173 = tpu.memref_slice %arg15[%dma_wait3A_171, %dma_wait3A_172] : memref<10112x64xf32, #tpu.memory_space<vmem_shared>> -> memref<10112x64xf32, #tpu.memory_space<vmem_shared>>
        tpu.wait_indirect_dma semaphore(%run_scoped3A : memref<!tpu.dma_semaphore, #tpu.memory_space<semaphore_mem>>) src(%arg13 : memref<128x64xf32, #tpu.memory_space<vmem>>) dst(%dma_wait3A_173 : memref<10112x64xf32, #tpu.memory_space<vmem_shared>>)
        tpu.yield
      }) : () -> ()
      %add3A_161 = arith.constant 2 : i32
      %add3A_162 = arith.addi %add3A_137, %add3A_161 : i32
      %lt3A_163 = arith.constant 80 : i32
      %lt3A_164 = arith.cmpi slt, %add3A_162, %lt3A_163 : i32
      %convert_element_type3A_165 = arith.extui %lt3A_164 : i1 to i32
      %cond3A_166 = arith.constant 0 : i32
      %cond3A_167 = arith.cmpi ne, %convert_element_type3A_165, %cond3A_166 : i32
      scf.if %cond3A_167 {
        %add3A_168 = arith.constant 2 : i32
        %add3A_169 = arith.addi %add3A_137, %add3A_168 : i32
        %dma_start3A_170 = arith.constant 0 : i32
        %dma_start3A_171 = arith.constant 0 : i32
        %dma_start3A_172 = tpu.memref_slice %arg4[%add3A, %dma_start3A_170, %dma_start3A_171] : memref<32x80x128xi32, #tpu.memory_space<hbm>> -> memref<1x80x128xi32, #tpu.memory_space<hbm>>
        %dma_start3A_173 = tpu.memref_squeeze %dma_start3A_172 : memref<1x80x128xi32, #tpu.memory_space<hbm>> -> memref<80x128xi32, #tpu.memory_space<hbm>>
        %dma_start3A_174 = arith.constant 0 : i32
        %dma_start3A_175 = tpu.memref_slice %dma_start3A_173[%add3A_169, %dma_start3A_174] : memref<80x128xi32, #tpu.memory_space<hbm>> -> memref<1x128xi32, #tpu.memory_space<hbm>>
        %dma_start3A_176 = tpu.memref_squeeze %dma_start3A_175 : memref<1x128xi32, #tpu.memory_space<hbm>> -> memref<128xi32, #tpu.memory_space<hbm>>
        %dma_start3A_177 = arith.constant 0 : i32
        %dma_start3A_178 = arith.constant 0 : i32
        %dma_start3A_179 = tpu.memref_slice %arg4[%add3A, %dma_start3A_177, %dma_start3A_178] : memref<32x80x128xi32, #tpu.memory_space<hbm>> -> memref<1x80x128xi32, #tpu.memory_space<hbm>>
        %dma_start3A_180 = tpu.memref_squeeze %dma_start3A_179 : memref<1x80x128xi32, #tpu.memory_space<hbm>> -> memref<80x128xi32, #tpu.memory_space<hbm>>
        %dma_start3A_181 = arith.constant 0 : i32
        %dma_start3A_182 = tpu.memref_slice %dma_start3A_180[%add3A_169, %dma_start3A_181] : memref<80x128xi32, #tpu.memory_space<hbm>> -> memref<1x128xi32, #tpu.memory_space<hbm>>
        %dma_start3A_183 = tpu.memref_squeeze %dma_start3A_182 : memref<1x128xi32, #tpu.memory_space<hbm>> -> memref<128xi32, #tpu.memory_space<hbm>>
        tpu.enqueue_dma source(%dma_start3A_183 : memref<128xi32, #tpu.memory_space<hbm>>) target(%arg9 : memref<128xi32, #tpu.memory_space<vmem>>) target_semaphore(%arg17 : memref<!tpu.dma_semaphore, #tpu.memory_space<semaphore_mem>>)
        %dma_start3A_184 = arith.constant 0 : i32
        %dma_start3A_185 = arith.constant 0 : i32
        %dma_start3A_186 = tpu.memref_slice %arg5[%add3A, %dma_start3A_184, %dma_start3A_185] : memref<32x80x128xi32, #tpu.memory_space<hbm>> -> memref<1x80x128xi32, #tpu.memory_space<hbm>>
        %dma_start3A_187 = tpu.memref_squeeze %dma_start3A_186 : memref<1x80x128xi32, #tpu.memory_space<hbm>> -> memref<80x128xi32, #tpu.memory_space<hbm>>
        %dma_start3A_188 = arith.constant 0 : i32
        %dma_start3A_189 = tpu.memref_slice %dma_start3A_187[%add3A_169, %dma_start3A_188] : memref<80x128xi32, #tpu.memory_space<hbm>> -> memref<1x128xi32, #tpu.memory_space<hbm>>
        %dma_start3A_190 = tpu.memref_squeeze %dma_start3A_189 : memref<1x128xi32, #tpu.memory_space<hbm>> -> memref<128xi32, #tpu.memory_space<hbm>>
        %dma_start3A_191 = arith.constant 0 : i32
        %dma_start3A_192 = arith.constant 0 : i32
        %dma_start3A_193 = tpu.memref_slice %arg5[%add3A, %dma_start3A_191, %dma_start3A_192] : memref<32x80x128xi32, #tpu.memory_space<hbm>> -> memref<1x80x128xi32, #tpu.memory_space<hbm>>
        %dma_start3A_194 = tpu.memref_squeeze %dma_start3A_193 : memref<1x80x128xi32, #tpu.memory_space<hbm>> -> memref<80x128xi32, #tpu.memory_space<hbm>>
        %dma_start3A_195 = arith.constant 0 : i32
        %dma_start3A_196 = tpu.memref_slice %dma_start3A_194[%add3A_169, %dma_start3A_195] : memref<80x128xi32, #tpu.memory_space<hbm>> -> memref<1x128xi32, #tpu.memory_space<hbm>>
        %dma_start3A_197 = tpu.memref_squeeze %dma_start3A_196 : memref<1x128xi32, #tpu.memory_space<hbm>> -> memref<128xi32, #tpu.memory_space<hbm>>
        tpu.enqueue_dma source(%dma_start3A_197 : memref<128xi32, #tpu.memory_space<hbm>>) target(%arg11 : memref<128xi32, #tpu.memory_space<vmem>>) target_semaphore(%arg17 : memref<!tpu.dma_semaphore, #tpu.memory_space<semaphore_mem>>)
      } else {
      }
    }
    %scan3A_101 = arith.constant 40 : i32
    %barrier3A_102 = arith.constant 0 : index
    tpu.barrier barrier_id(%barrier3A_102)
    "tpu.region"() ({
      %run_scoped3A = tpu.sem_alloc : memref<!tpu.dma_semaphore, #tpu.memory_space<semaphore_mem>>
      %dma_start3A_103 = arith.constant 0 : i32
      %dma_start3A_104 = arith.constant 0 : i32
      %dma_start3A_105 = tpu.memref_slice %arg7[%arg0, %dma_start3A_103, %dma_start3A_104] : memref<2x10112x64xf32, #tpu.memory_space<hbm>> -> memref<1x10112x64xf32, #tpu.memory_space<hbm>>
      %dma_start3A_106 = tpu.memref_squeeze %dma_start3A_105 : memref<1x10112x64xf32, #tpu.memory_space<hbm>> -> memref<10112x64xf32, #tpu.memory_space<hbm>>
      %dma_start3A_107 = arith.constant 0 : i32
      %dma_start3A_108 = tpu.memref_slice %dma_start3A_106[%mul3A_0, %dma_start3A_107] : memref<10112x64xf32, #tpu.memory_space<hbm>> -> memref<632x64xf32, #tpu.memory_space<hbm>>
      %dma_start3A_109 = arith.constant 0 : i32
      %dma_start3A_110 = tpu.memref_slice %arg15[%mul3A_0, %dma_start3A_109] : memref<10112x64xf32, #tpu.memory_space<vmem_shared>> -> memref<632x64xf32, #tpu.memory_space<vmem_shared>>
      tpu.enqueue_dma source(%dma_start3A_110 : memref<632x64xf32, #tpu.memory_space<vmem_shared>>) target(%dma_start3A_108 : memref<632x64xf32, #tpu.memory_space<hbm>>) target_semaphore(%run_scoped3A : memref<!tpu.dma_semaphore, #tpu.memory_space<semaphore_mem>>)
      %dma_wait3A_111 = arith.constant 0 : i32
      %dma_wait3A_112 = arith.constant 0 : i32
      %dma_wait3A_113 = tpu.memref_slice %arg7[%arg0, %dma_wait3A_111, %dma_wait3A_112] : memref<2x10112x64xf32, #tpu.memory_space<hbm>> -> memref<1x10112x64xf32, #tpu.memory_space<hbm>>
      %dma_wait3A_114 = tpu.memref_squeeze %dma_wait3A_113 : memref<1x10112x64xf32, #tpu.memory_space<hbm>> -> memref<10112x64xf32, #tpu.memory_space<hbm>>
      %dma_wait3A_115 = arith.constant 0 : i32
      %dma_wait3A_116 = tpu.memref_slice %dma_wait3A_114[%mul3A_0, %dma_wait3A_115] : memref<10112x64xf32, #tpu.memory_space<hbm>> -> memref<632x64xf32, #tpu.memory_space<hbm>>
      %dma_wait3A_117 = arith.constant 0 : i32
      %dma_wait3A_118 = tpu.memref_slice %arg15[%mul3A_0, %dma_wait3A_117] : memref<10112x64xf32, #tpu.memory_space<vmem_shared>> -> memref<632x64xf32, #tpu.memory_space<vmem_shared>>
      tpu.wait_dma2 semaphore(%run_scoped3A : memref<!tpu.dma_semaphore, #tpu.memory_space<semaphore_mem>>) src(%dma_wait3A_118 : memref<632x64xf32, #tpu.memory_space<vmem_shared>>) dst(%dma_wait3A_116 : memref<632x64xf32, #tpu.memory_space<hbm>>)
      tpu.yield
    }) : () -> ()
    return
  }
}

#map = affine_map<(d0, d1) -> (0, 0, 0)>
#map1 = affine_map<(d0, d1) -> (0, 0)>
module attributes {stable_mosaic.version = 14 : i64} {
  func.func @_sc1_body(%arg0: i32, %arg1: i32, %arg2: memref<2x10112x144xf32, #tpu.memory_space<hbm>>, %arg3: memref<2x10112x16xf32, #tpu.memory_space<hbm>>, %arg4: memref<16x160x128xi32, #tpu.memory_space<hbm>>, %arg5: memref<16x160x128xi32, #tpu.memory_space<hbm>>, %arg6: memref<10112x144xf32, #tpu.memory_space<hbm>>, %arg7: memref<2x10112x144xf32, #tpu.memory_space<hbm>>, %arg8: memref<128xi32, #tpu.memory_space<vmem>>, %arg9: memref<128xi32, #tpu.memory_space<vmem>>, %arg10: memref<128xi32, #tpu.memory_space<vmem>>, %arg11: memref<128xi32, #tpu.memory_space<vmem>>, %arg12: memref<128x144xf32, #tpu.memory_space<vmem>>, %arg13: memref<128x144xf32, #tpu.memory_space<vmem>>, %arg14: memref<128x16xf32, #tpu.memory_space<vmem>>, %arg15: memref<10112x144xf32, #tpu.memory_space<vmem_shared>>, %arg16: memref<!tpu.dma_semaphore, #tpu.memory_space<semaphore_mem>>, %arg17: memref<!tpu.dma_semaphore, #tpu.memory_space<semaphore_mem>>, %arg18: memref<!tpu.dma_semaphore, #tpu.memory_space<semaphore_mem>>, %arg19: memref<!tpu.dma_semaphore, #tpu.memory_space<semaphore_mem>>, %arg20: memref<!tpu.dma_semaphore, #tpu.memory_space<semaphore_mem>>) attributes {dimension_semantics = [#tpu.dimension_semantics<core_parallel>, #tpu.dimension_semantics<subcore_parallel>], iteration_bounds = array<i64: 2, 16>, scalar_prefetch = 0 : i64, scratch_operands = 13 : i64, tpu.core_type = #tpu.core_type<sc_vector_subcore>, window_params = [{transform_indices = #map}, {transform_indices = #map}, {transform_indices = #map}, {transform_indices = #map}, {transform_indices = #map1}, {transform_indices = #map}]} {
    %mul3A = arith.constant 632 : i32
    %mul3A_0 = arith.muli %arg1, %mul3A : i32
    "tpu.region"() ({
      %run_scoped3A = tpu.sem_alloc : memref<!tpu.dma_semaphore, #tpu.memory_space<semaphore_mem>>
      %dma_start3A_109 = arith.constant 0 : i32
      %dma_start3A_110 = tpu.memref_slice %arg15[%mul3A_0, %dma_start3A_109] : memref<10112x144xf32, #tpu.memory_space<vmem_shared>> -> memref<632x144xf32, #tpu.memory_space<vmem_shared>>
      %dma_start3A_111 = arith.constant 0 : i32
      %dma_start3A_112 = tpu.memref_slice %arg6[%mul3A_0, %dma_start3A_111] : memref<10112x144xf32, #tpu.memory_space<hbm>> -> memref<632x144xf32, #tpu.memory_space<hbm>>
      tpu.enqueue_dma source(%dma_start3A_112 : memref<632x144xf32, #tpu.memory_space<hbm>>) target(%dma_start3A_110 : memref<632x144xf32, #tpu.memory_space<vmem_shared>>) target_semaphore(%run_scoped3A : memref<!tpu.dma_semaphore, #tpu.memory_space<semaphore_mem>>)
      %dma_wait3A_113 = arith.constant 0 : i32
      %dma_wait3A_114 = tpu.memref_slice %arg15[%mul3A_0, %dma_wait3A_113] : memref<10112x144xf32, #tpu.memory_space<vmem_shared>> -> memref<632x144xf32, #tpu.memory_space<vmem_shared>>
      %dma_wait3A_115 = arith.constant 0 : i32
      %dma_wait3A_116 = tpu.memref_slice %arg6[%mul3A_0, %dma_wait3A_115] : memref<10112x144xf32, #tpu.memory_space<hbm>> -> memref<632x144xf32, #tpu.memory_space<hbm>>
      tpu.wait_dma2 semaphore(%run_scoped3A : memref<!tpu.dma_semaphore, #tpu.memory_space<semaphore_mem>>) src(%dma_wait3A_116 : memref<632x144xf32, #tpu.memory_space<hbm>>) dst(%dma_wait3A_114 : memref<632x144xf32, #tpu.memory_space<vmem_shared>>)
      tpu.yield
    }) : () -> ()
    %barrier3A = arith.constant 0 : index
    tpu.barrier barrier_id(%barrier3A)
    %dma_start3A = arith.constant 0 : i32
    %dma_start3A_1 = arith.constant 0 : i32
    %dma_start3A_2 = arith.constant 0 : i32
    %dma_start3A_3 = tpu.memref_slice %arg4[%arg1, %dma_start3A_1, %dma_start3A_2] : memref<16x160x128xi32, #tpu.memory_space<hbm>> -> memref<1x160x128xi32, #tpu.memory_space<hbm>>
    %dma_start3A_4 = tpu.memref_squeeze %dma_start3A_3 : memref<1x160x128xi32, #tpu.memory_space<hbm>> -> memref<160x128xi32, #tpu.memory_space<hbm>>
    %dma_start3A_5 = arith.constant 0 : i32
    %dma_start3A_6 = tpu.memref_slice %dma_start3A_4[%dma_start3A, %dma_start3A_5] : memref<160x128xi32, #tpu.memory_space<hbm>> -> memref<1x128xi32, #tpu.memory_space<hbm>>
    %dma_start3A_7 = tpu.memref_squeeze %dma_start3A_6 : memref<1x128xi32, #tpu.memory_space<hbm>> -> memref<128xi32, #tpu.memory_space<hbm>>
    %dma_start3A_8 = arith.constant 0 : i32
    %dma_start3A_9 = arith.constant 0 : i32
    %dma_start3A_10 = tpu.memref_slice %arg4[%arg1, %dma_start3A_8, %dma_start3A_9] : memref<16x160x128xi32, #tpu.memory_space<hbm>> -> memref<1x160x128xi32, #tpu.memory_space<hbm>>
    %dma_start3A_11 = tpu.memref_squeeze %dma_start3A_10 : memref<1x160x128xi32, #tpu.memory_space<hbm>> -> memref<160x128xi32, #tpu.memory_space<hbm>>
    %dma_start3A_12 = arith.constant 0 : i32
    %dma_start3A_13 = tpu.memref_slice %dma_start3A_11[%dma_start3A, %dma_start3A_12] : memref<160x128xi32, #tpu.memory_space<hbm>> -> memref<1x128xi32, #tpu.memory_space<hbm>>
    %dma_start3A_14 = tpu.memref_squeeze %dma_start3A_13 : memref<1x128xi32, #tpu.memory_space<hbm>> -> memref<128xi32, #tpu.memory_space<hbm>>
    tpu.enqueue_dma source(%dma_start3A_14 : memref<128xi32, #tpu.memory_space<hbm>>) target(%arg8 : memref<128xi32, #tpu.memory_space<vmem>>) target_semaphore(%arg16 : memref<!tpu.dma_semaphore, #tpu.memory_space<semaphore_mem>>)
    %dma_start3A_15 = arith.constant 0 : i32
    %dma_start3A_16 = arith.constant 0 : i32
    %dma_start3A_17 = arith.constant 0 : i32
    %dma_start3A_18 = tpu.memref_slice %arg5[%arg1, %dma_start3A_16, %dma_start3A_17] : memref<16x160x128xi32, #tpu.memory_space<hbm>> -> memref<1x160x128xi32, #tpu.memory_space<hbm>>
    %dma_start3A_19 = tpu.memref_squeeze %dma_start3A_18 : memref<1x160x128xi32, #tpu.memory_space<hbm>> -> memref<160x128xi32, #tpu.memory_space<hbm>>
    %dma_start3A_20 = arith.constant 0 : i32
    %dma_start3A_21 = tpu.memref_slice %dma_start3A_19[%dma_start3A_15, %dma_start3A_20] : memref<160x128xi32, #tpu.memory_space<hbm>> -> memref<1x128xi32, #tpu.memory_space<hbm>>
    %dma_start3A_22 = tpu.memref_squeeze %dma_start3A_21 : memref<1x128xi32, #tpu.memory_space<hbm>> -> memref<128xi32, #tpu.memory_space<hbm>>
    %dma_start3A_23 = arith.constant 0 : i32
    %dma_start3A_24 = arith.constant 0 : i32
    %dma_start3A_25 = tpu.memref_slice %arg5[%arg1, %dma_start3A_23, %dma_start3A_24] : memref<16x160x128xi32, #tpu.memory_space<hbm>> -> memref<1x160x128xi32, #tpu.memory_space<hbm>>
    %dma_start3A_26 = tpu.memref_squeeze %dma_start3A_25 : memref<1x160x128xi32, #tpu.memory_space<hbm>> -> memref<160x128xi32, #tpu.memory_space<hbm>>
    %dma_start3A_27 = arith.constant 0 : i32
    %dma_start3A_28 = tpu.memref_slice %dma_start3A_26[%dma_start3A_15, %dma_start3A_27] : memref<160x128xi32, #tpu.memory_space<hbm>> -> memref<1x128xi32, #tpu.memory_space<hbm>>
    %dma_start3A_29 = tpu.memref_squeeze %dma_start3A_28 : memref<1x128xi32, #tpu.memory_space<hbm>> -> memref<128xi32, #tpu.memory_space<hbm>>
    tpu.enqueue_dma source(%dma_start3A_29 : memref<128xi32, #tpu.memory_space<hbm>>) target(%arg10 : memref<128xi32, #tpu.memory_space<vmem>>) target_semaphore(%arg16 : memref<!tpu.dma_semaphore, #tpu.memory_space<semaphore_mem>>)
    %dma_wait3A = arith.constant 0 : i32
    %dma_wait3A_30 = arith.constant 0 : i32
    %dma_wait3A_31 = arith.constant 0 : i32
    %dma_wait3A_32 = tpu.memref_slice %arg4[%arg1, %dma_wait3A_30, %dma_wait3A_31] : memref<16x160x128xi32, #tpu.memory_space<hbm>> -> memref<1x160x128xi32, #tpu.memory_space<hbm>>
    %dma_wait3A_33 = tpu.memref_squeeze %dma_wait3A_32 : memref<1x160x128xi32, #tpu.memory_space<hbm>> -> memref<160x128xi32, #tpu.memory_space<hbm>>
    %dma_wait3A_34 = arith.constant 0 : i32
    %dma_wait3A_35 = tpu.memref_slice %dma_wait3A_33[%dma_wait3A, %dma_wait3A_34] : memref<160x128xi32, #tpu.memory_space<hbm>> -> memref<1x128xi32, #tpu.memory_space<hbm>>
    %dma_wait3A_36 = tpu.memref_squeeze %dma_wait3A_35 : memref<1x128xi32, #tpu.memory_space<hbm>> -> memref<128xi32, #tpu.memory_space<hbm>>
    %dma_wait3A_37 = arith.constant 0 : i32
    %dma_wait3A_38 = arith.constant 0 : i32
    %dma_wait3A_39 = tpu.memref_slice %arg4[%arg1, %dma_wait3A_37, %dma_wait3A_38] : memref<16x160x128xi32, #tpu.memory_space<hbm>> -> memref<1x160x128xi32, #tpu.memory_space<hbm>>
    %dma_wait3A_40 = tpu.memref_squeeze %dma_wait3A_39 : memref<1x160x128xi32, #tpu.memory_space<hbm>> -> memref<160x128xi32, #tpu.memory_space<hbm>>
    %dma_wait3A_41 = arith.constant 0 : i32
    %dma_wait3A_42 = tpu.memref_slice %dma_wait3A_40[%dma_wait3A, %dma_wait3A_41] : memref<160x128xi32, #tpu.memory_space<hbm>> -> memref<1x128xi32, #tpu.memory_space<hbm>>
    %dma_wait3A_43 = tpu.memref_squeeze %dma_wait3A_42 : memref<1x128xi32, #tpu.memory_space<hbm>> -> memref<128xi32, #tpu.memory_space<hbm>>
    tpu.wait_dma2 semaphore(%arg16 : memref<!tpu.dma_semaphore, #tpu.memory_space<semaphore_mem>>) src(%dma_wait3A_43 : memref<128xi32, #tpu.memory_space<hbm>>) dst(%arg8 : memref<128xi32, #tpu.memory_space<vmem>>)
    %dma_wait3A_44 = arith.constant 0 : i32
    %dma_wait3A_45 = arith.constant 0 : i32
    %dma_wait3A_46 = arith.constant 0 : i32
    %dma_wait3A_47 = tpu.memref_slice %arg5[%arg1, %dma_wait3A_45, %dma_wait3A_46] : memref<16x160x128xi32, #tpu.memory_space<hbm>> -> memref<1x160x128xi32, #tpu.memory_space<hbm>>
    %dma_wait3A_48 = tpu.memref_squeeze %dma_wait3A_47 : memref<1x160x128xi32, #tpu.memory_space<hbm>> -> memref<160x128xi32, #tpu.memory_space<hbm>>
    %dma_wait3A_49 = arith.constant 0 : i32
    %dma_wait3A_50 = tpu.memref_slice %dma_wait3A_48[%dma_wait3A_44, %dma_wait3A_49] : memref<160x128xi32, #tpu.memory_space<hbm>> -> memref<1x128xi32, #tpu.memory_space<hbm>>
    %dma_wait3A_51 = tpu.memref_squeeze %dma_wait3A_50 : memref<1x128xi32, #tpu.memory_space<hbm>> -> memref<128xi32, #tpu.memory_space<hbm>>
    %dma_wait3A_52 = arith.constant 0 : i32
    %dma_wait3A_53 = arith.constant 0 : i32
    %dma_wait3A_54 = tpu.memref_slice %arg5[%arg1, %dma_wait3A_52, %dma_wait3A_53] : memref<16x160x128xi32, #tpu.memory_space<hbm>> -> memref<1x160x128xi32, #tpu.memory_space<hbm>>
    %dma_wait3A_55 = tpu.memref_squeeze %dma_wait3A_54 : memref<1x160x128xi32, #tpu.memory_space<hbm>> -> memref<160x128xi32, #tpu.memory_space<hbm>>
    %dma_wait3A_56 = arith.constant 0 : i32
    %dma_wait3A_57 = tpu.memref_slice %dma_wait3A_55[%dma_wait3A_44, %dma_wait3A_56] : memref<160x128xi32, #tpu.memory_space<hbm>> -> memref<1x128xi32, #tpu.memory_space<hbm>>
    %dma_wait3A_58 = tpu.memref_squeeze %dma_wait3A_57 : memref<1x128xi32, #tpu.memory_space<hbm>> -> memref<128xi32, #tpu.memory_space<hbm>>
    tpu.wait_dma2 semaphore(%arg16 : memref<!tpu.dma_semaphore, #tpu.memory_space<semaphore_mem>>) src(%dma_wait3A_58 : memref<128xi32, #tpu.memory_space<hbm>>) dst(%arg10 : memref<128xi32, #tpu.memory_space<vmem>>)
    %dma_start3A_59 = arith.constant 0 : i32
    %dma_start3A_60 = arith.constant 0 : i32
    %dma_start3A_61 = tpu.memref_slice %arg2[%arg0, %dma_start3A_59, %dma_start3A_60] : memref<2x10112x144xf32, #tpu.memory_space<hbm>> -> memref<1x10112x144xf32, #tpu.memory_space<hbm>>
    %dma_start3A_62 = tpu.memref_squeeze %dma_start3A_61 : memref<1x10112x144xf32, #tpu.memory_space<hbm>> -> memref<10112x144xf32, #tpu.memory_space<hbm>>
    %dma_start3A_63 = arith.constant 0 : i32
    %dma_start3A_64 = arith.constant 0 : i32
    %dma_start3A_65 = tpu.memref_slice %dma_start3A_62[%dma_start3A_63, %dma_start3A_64] : memref<10112x144xf32, #tpu.memory_space<hbm>> -> memref<10112x144xf32, #tpu.memory_space<hbm>>
    tpu.enqueue_indirect_dma source(%dma_start3A_65 : memref<10112x144xf32, #tpu.memory_space<hbm>>) target(%arg12 : memref<128x144xf32, #tpu.memory_space<vmem>>) offsets(%arg8 : memref<128xi32, #tpu.memory_space<vmem>>) semaphore(%arg18 : memref<!tpu.dma_semaphore, #tpu.memory_space<semaphore_mem>>)
    %dma_start3A_66 = arith.constant 0 : i32
    %dma_start3A_67 = arith.constant 0 : i32
    %dma_start3A_68 = tpu.memref_slice %arg3[%arg0, %dma_start3A_66, %dma_start3A_67] : memref<2x10112x16xf32, #tpu.memory_space<hbm>> -> memref<1x10112x16xf32, #tpu.memory_space<hbm>>
    %dma_start3A_69 = tpu.memref_squeeze %dma_start3A_68 : memref<1x10112x16xf32, #tpu.memory_space<hbm>> -> memref<10112x16xf32, #tpu.memory_space<hbm>>
    %dma_start3A_70 = arith.constant 0 : i32
    %dma_start3A_71 = arith.constant 0 : i32
    %dma_start3A_72 = tpu.memref_slice %dma_start3A_69[%dma_start3A_70, %dma_start3A_71] : memref<10112x16xf32, #tpu.memory_space<hbm>> -> memref<10112x16xf32, #tpu.memory_space<hbm>>
    tpu.enqueue_indirect_dma source(%dma_start3A_72 : memref<10112x16xf32, #tpu.memory_space<hbm>>) target(%arg14 : memref<128x16xf32, #tpu.memory_space<vmem>>) offsets(%arg10 : memref<128xi32, #tpu.memory_space<vmem>>) semaphore(%arg20 : memref<!tpu.dma_semaphore, #tpu.memory_space<semaphore_mem>>)
    %dma_start3A_73 = arith.constant 1 : i32
    %dma_start3A_74 = arith.constant 0 : i32
    %dma_start3A_75 = arith.constant 0 : i32
    %dma_start3A_76 = tpu.memref_slice %arg4[%arg1, %dma_start3A_74, %dma_start3A_75] : memref<16x160x128xi32, #tpu.memory_space<hbm>> -> memref<1x160x128xi32, #tpu.memory_space<hbm>>
    %dma_start3A_77 = tpu.memref_squeeze %dma_start3A_76 : memref<1x160x128xi32, #tpu.memory_space<hbm>> -> memref<160x128xi32, #tpu.memory_space<hbm>>
    %dma_start3A_78 = arith.constant 0 : i32
    %dma_start3A_79 = tpu.memref_slice %dma_start3A_77[%dma_start3A_73, %dma_start3A_78] : memref<160x128xi32, #tpu.memory_space<hbm>> -> memref<1x128xi32, #tpu.memory_space<hbm>>
    %dma_start3A_80 = tpu.memref_squeeze %dma_start3A_79 : memref<1x128xi32, #tpu.memory_space<hbm>> -> memref<128xi32, #tpu.memory_space<hbm>>
    %dma_start3A_81 = arith.constant 0 : i32
    %dma_start3A_82 = arith.constant 0 : i32
    %dma_start3A_83 = tpu.memref_slice %arg4[%arg1, %dma_start3A_81, %dma_start3A_82] : memref<16x160x128xi32, #tpu.memory_space<hbm>> -> memref<1x160x128xi32, #tpu.memory_space<hbm>>
    %dma_start3A_84 = tpu.memref_squeeze %dma_start3A_83 : memref<1x160x128xi32, #tpu.memory_space<hbm>> -> memref<160x128xi32, #tpu.memory_space<hbm>>
    %dma_start3A_85 = arith.constant 0 : i32
    %dma_start3A_86 = tpu.memref_slice %dma_start3A_84[%dma_start3A_73, %dma_start3A_85] : memref<160x128xi32, #tpu.memory_space<hbm>> -> memref<1x128xi32, #tpu.memory_space<hbm>>
    %dma_start3A_87 = tpu.memref_squeeze %dma_start3A_86 : memref<1x128xi32, #tpu.memory_space<hbm>> -> memref<128xi32, #tpu.memory_space<hbm>>
    tpu.enqueue_dma source(%dma_start3A_87 : memref<128xi32, #tpu.memory_space<hbm>>) target(%arg9 : memref<128xi32, #tpu.memory_space<vmem>>) target_semaphore(%arg17 : memref<!tpu.dma_semaphore, #tpu.memory_space<semaphore_mem>>)
    %dma_start3A_88 = arith.constant 1 : i32
    %dma_start3A_89 = arith.constant 0 : i32
    %dma_start3A_90 = arith.constant 0 : i32
    %dma_start3A_91 = tpu.memref_slice %arg5[%arg1, %dma_start3A_89, %dma_start3A_90] : memref<16x160x128xi32, #tpu.memory_space<hbm>> -> memref<1x160x128xi32, #tpu.memory_space<hbm>>
    %dma_start3A_92 = tpu.memref_squeeze %dma_start3A_91 : memref<1x160x128xi32, #tpu.memory_space<hbm>> -> memref<160x128xi32, #tpu.memory_space<hbm>>
    %dma_start3A_93 = arith.constant 0 : i32
    %dma_start3A_94 = tpu.memref_slice %dma_start3A_92[%dma_start3A_88, %dma_start3A_93] : memref<160x128xi32, #tpu.memory_space<hbm>> -> memref<1x128xi32, #tpu.memory_space<hbm>>
    %dma_start3A_95 = tpu.memref_squeeze %dma_start3A_94 : memref<1x128xi32, #tpu.memory_space<hbm>> -> memref<128xi32, #tpu.memory_space<hbm>>
    %dma_start3A_96 = arith.constant 0 : i32
    %dma_start3A_97 = arith.constant 0 : i32
    %dma_start3A_98 = tpu.memref_slice %arg5[%arg1, %dma_start3A_96, %dma_start3A_97] : memref<16x160x128xi32, #tpu.memory_space<hbm>> -> memref<1x160x128xi32, #tpu.memory_space<hbm>>
    %dma_start3A_99 = tpu.memref_squeeze %dma_start3A_98 : memref<1x160x128xi32, #tpu.memory_space<hbm>> -> memref<160x128xi32, #tpu.memory_space<hbm>>
    %dma_start3A_100 = arith.constant 0 : i32
    %dma_start3A_101 = tpu.memref_slice %dma_start3A_99[%dma_start3A_88, %dma_start3A_100] : memref<160x128xi32, #tpu.memory_space<hbm>> -> memref<1x128xi32, #tpu.memory_space<hbm>>
    %dma_start3A_102 = tpu.memref_squeeze %dma_start3A_101 : memref<1x128xi32, #tpu.memory_space<hbm>> -> memref<128xi32, #tpu.memory_space<hbm>>
    tpu.enqueue_dma source(%dma_start3A_102 : memref<128xi32, #tpu.memory_space<hbm>>) target(%arg11 : memref<128xi32, #tpu.memory_space<vmem>>) target_semaphore(%arg17 : memref<!tpu.dma_semaphore, #tpu.memory_space<semaphore_mem>>)
    %scan3A = arith.constant 0 : i32
    %scan3A_103 = arith.constant 0 : i32
    %scan3A_104 = arith.constant 80 : i32
    %scan3A_105 = arith.addi %scan3A_103, %scan3A_104 : i32
    %scan3A_106 = arith.constant 1 : i32
    scf.for %scan3A_109 = %scan3A_103 to %scan3A_105 step %scan3A_106  : i32 {
      %mul3A_110 = arith.constant 2 : i32
      %mul3A_111 = arith.muli %mul3A_110, %scan3A_109 : i32
      %add3A = arith.constant 0 : i32
      %add3A_112 = arith.addi %mul3A_111, %add3A : i32
      %add3A_113 = arith.constant 1 : i32
      %add3A_114 = arith.addi %add3A_112, %add3A_113 : i32
      %lt3A = arith.constant 160 : i32
      %lt3A_115 = arith.cmpi slt, %add3A_114, %lt3A : i32
      %convert_element_type3A = arith.extui %lt3A_115 : i1 to i32
      %cond3A = arith.constant 0 : i32
      %cond3A_116 = arith.cmpi ne, %convert_element_type3A, %cond3A : i32
      scf.if %cond3A_116 {
        %dma_wait3A_189 = arith.constant 0 : i32
        %dma_wait3A_190 = arith.constant 0 : i32
        %dma_wait3A_191 = arith.constant 0 : i32
        %dma_wait3A_192 = tpu.memref_slice %arg4[%arg1, %dma_wait3A_190, %dma_wait3A_191] : memref<16x160x128xi32, #tpu.memory_space<hbm>> -> memref<1x160x128xi32, #tpu.memory_space<hbm>>
        %dma_wait3A_193 = tpu.memref_squeeze %dma_wait3A_192 : memref<1x160x128xi32, #tpu.memory_space<hbm>> -> memref<160x128xi32, #tpu.memory_space<hbm>>
        %dma_wait3A_194 = arith.constant 0 : i32
        %dma_wait3A_195 = tpu.memref_slice %dma_wait3A_193[%dma_wait3A_189, %dma_wait3A_194] : memref<160x128xi32, #tpu.memory_space<hbm>> -> memref<1x128xi32, #tpu.memory_space<hbm>>
        %dma_wait3A_196 = tpu.memref_squeeze %dma_wait3A_195 : memref<1x128xi32, #tpu.memory_space<hbm>> -> memref<128xi32, #tpu.memory_space<hbm>>
        %dma_wait3A_197 = arith.constant 0 : i32
        %dma_wait3A_198 = arith.constant 0 : i32
        %dma_wait3A_199 = tpu.memref_slice %arg4[%arg1, %dma_wait3A_197, %dma_wait3A_198] : memref<16x160x128xi32, #tpu.memory_space<hbm>> -> memref<1x160x128xi32, #tpu.memory_space<hbm>>
        %dma_wait3A_200 = tpu.memref_squeeze %dma_wait3A_199 : memref<1x160x128xi32, #tpu.memory_space<hbm>> -> memref<160x128xi32, #tpu.memory_space<hbm>>
        %dma_wait3A_201 = arith.constant 0 : i32
        %dma_wait3A_202 = tpu.memref_slice %dma_wait3A_200[%dma_wait3A_189, %dma_wait3A_201] : memref<160x128xi32, #tpu.memory_space<hbm>> -> memref<1x128xi32, #tpu.memory_space<hbm>>
        %dma_wait3A_203 = tpu.memref_squeeze %dma_wait3A_202 : memref<1x128xi32, #tpu.memory_space<hbm>> -> memref<128xi32, #tpu.memory_space<hbm>>
        tpu.wait_dma2 semaphore(%arg17 : memref<!tpu.dma_semaphore, #tpu.memory_space<semaphore_mem>>) src(%dma_wait3A_203 : memref<128xi32, #tpu.memory_space<hbm>>) dst(%arg9 : memref<128xi32, #tpu.memory_space<vmem>>)
        %dma_wait3A_204 = arith.constant 0 : i32
        %dma_wait3A_205 = arith.constant 0 : i32
        %dma_wait3A_206 = arith.constant 0 : i32
        %dma_wait3A_207 = tpu.memref_slice %arg5[%arg1, %dma_wait3A_205, %dma_wait3A_206] : memref<16x160x128xi32, #tpu.memory_space<hbm>> -> memref<1x160x128xi32, #tpu.memory_space<hbm>>
        %dma_wait3A_208 = tpu.memref_squeeze %dma_wait3A_207 : memref<1x160x128xi32, #tpu.memory_space<hbm>> -> memref<160x128xi32, #tpu.memory_space<hbm>>
        %dma_wait3A_209 = arith.constant 0 : i32
        %dma_wait3A_210 = tpu.memref_slice %dma_wait3A_208[%dma_wait3A_204, %dma_wait3A_209] : memref<160x128xi32, #tpu.memory_space<hbm>> -> memref<1x128xi32, #tpu.memory_space<hbm>>
        %dma_wait3A_211 = tpu.memref_squeeze %dma_wait3A_210 : memref<1x128xi32, #tpu.memory_space<hbm>> -> memref<128xi32, #tpu.memory_space<hbm>>
        %dma_wait3A_212 = arith.constant 0 : i32
        %dma_wait3A_213 = arith.constant 0 : i32
        %dma_wait3A_214 = tpu.memref_slice %arg5[%arg1, %dma_wait3A_212, %dma_wait3A_213] : memref<16x160x128xi32, #tpu.memory_space<hbm>> -> memref<1x160x128xi32, #tpu.memory_space<hbm>>
        %dma_wait3A_215 = tpu.memref_squeeze %dma_wait3A_214 : memref<1x160x128xi32, #tpu.memory_space<hbm>> -> memref<160x128xi32, #tpu.memory_space<hbm>>
        %dma_wait3A_216 = arith.constant 0 : i32
        %dma_wait3A_217 = tpu.memref_slice %dma_wait3A_215[%dma_wait3A_204, %dma_wait3A_216] : memref<160x128xi32, #tpu.memory_space<hbm>> -> memref<1x128xi32, #tpu.memory_space<hbm>>
        %dma_wait3A_218 = tpu.memref_squeeze %dma_wait3A_217 : memref<1x128xi32, #tpu.memory_space<hbm>> -> memref<128xi32, #tpu.memory_space<hbm>>
        tpu.wait_dma2 semaphore(%arg17 : memref<!tpu.dma_semaphore, #tpu.memory_space<semaphore_mem>>) src(%dma_wait3A_218 : memref<128xi32, #tpu.memory_space<hbm>>) dst(%arg11 : memref<128xi32, #tpu.memory_space<vmem>>)
        %dma_start3A_219 = arith.constant 0 : i32
        %dma_start3A_220 = arith.constant 0 : i32
        %dma_start3A_221 = tpu.memref_slice %arg2[%arg0, %dma_start3A_219, %dma_start3A_220] : memref<2x10112x144xf32, #tpu.memory_space<hbm>> -> memref<1x10112x144xf32, #tpu.memory_space<hbm>>
        %dma_start3A_222 = tpu.memref_squeeze %dma_start3A_221 : memref<1x10112x144xf32, #tpu.memory_space<hbm>> -> memref<10112x144xf32, #tpu.memory_space<hbm>>
        %dma_start3A_223 = arith.constant 0 : i32
        %dma_start3A_224 = arith.constant 0 : i32
        %dma_start3A_225 = tpu.memref_slice %dma_start3A_222[%dma_start3A_223, %dma_start3A_224] : memref<10112x144xf32, #tpu.memory_space<hbm>> -> memref<10112x144xf32, #tpu.memory_space<hbm>>
        tpu.enqueue_indirect_dma source(%dma_start3A_225 : memref<10112x144xf32, #tpu.memory_space<hbm>>) target(%arg13 : memref<128x144xf32, #tpu.memory_space<vmem>>) offsets(%arg9 : memref<128xi32, #tpu.memory_space<vmem>>) semaphore(%arg19 : memref<!tpu.dma_semaphore, #tpu.memory_space<semaphore_mem>>)
      } else {
      }
      %dma_wait3A_117 = arith.constant 0 : i32
      %dma_wait3A_118 = arith.constant 0 : i32
      %dma_wait3A_119 = tpu.memref_slice %arg2[%arg0, %dma_wait3A_117, %dma_wait3A_118] : memref<2x10112x144xf32, #tpu.memory_space<hbm>> -> memref<1x10112x144xf32, #tpu.memory_space<hbm>>
      %dma_wait3A_120 = tpu.memref_squeeze %dma_wait3A_119 : memref<1x10112x144xf32, #tpu.memory_space<hbm>> -> memref<10112x144xf32, #tpu.memory_space<hbm>>
      %dma_wait3A_121 = arith.constant 0 : i32
      %dma_wait3A_122 = arith.constant 0 : i32
      %dma_wait3A_123 = tpu.memref_slice %dma_wait3A_120[%dma_wait3A_121, %dma_wait3A_122] : memref<10112x144xf32, #tpu.memory_space<hbm>> -> memref<10112x144xf32, #tpu.memory_space<hbm>>
      tpu.wait_indirect_dma semaphore(%arg18 : memref<!tpu.dma_semaphore, #tpu.memory_space<semaphore_mem>>) src(%dma_wait3A_123 : memref<10112x144xf32, #tpu.memory_space<hbm>>) dst(%arg12 : memref<128x144xf32, #tpu.memory_space<vmem>>)
      %dma_wait3A_124 = arith.constant 0 : i32
      %dma_wait3A_125 = arith.constant 0 : i32
      %dma_wait3A_126 = tpu.memref_slice %arg3[%arg0, %dma_wait3A_124, %dma_wait3A_125] : memref<2x10112x16xf32, #tpu.memory_space<hbm>> -> memref<1x10112x16xf32, #tpu.memory_space<hbm>>
      %dma_wait3A_127 = tpu.memref_squeeze %dma_wait3A_126 : memref<1x10112x16xf32, #tpu.memory_space<hbm>> -> memref<10112x16xf32, #tpu.memory_space<hbm>>
      %dma_wait3A_128 = arith.constant 0 : i32
      %dma_wait3A_129 = arith.constant 0 : i32
      %dma_wait3A_130 = tpu.memref_slice %dma_wait3A_127[%dma_wait3A_128, %dma_wait3A_129] : memref<10112x16xf32, #tpu.memory_space<hbm>> -> memref<10112x16xf32, #tpu.memory_space<hbm>>
      tpu.wait_indirect_dma semaphore(%arg20 : memref<!tpu.dma_semaphore, #tpu.memory_space<semaphore_mem>>) src(%dma_wait3A_130 : memref<10112x16xf32, #tpu.memory_space<hbm>>) dst(%arg14 : memref<128x16xf32, #tpu.memory_space<vmem>>)
      %parallel_loop3A = arith.constant 0 : i32
      %parallel_loop3A_131 = arith.constant 128 : i32
      %parallel_loop3A_132 = arith.constant 1 : i32
      scf.for %parallel_loop3A_189 = %parallel_loop3A to %parallel_loop3A_131 step %parallel_loop3A_132  : i32 {
        %parallel_loop3A_190 = arith.index_cast %parallel_loop3A_189 : i32 to index
        %parallel_loop3A_191 = arith.constant 128 : index
        %parallel_loop3A_192 = tpu.vector_load %arg12[%parallel_loop3A_190, %parallel_loop3A_191] {strides = array<i32>} : memref<128x144xf32, #tpu.memory_space<vmem>>, vector<1x16xf32>,
        %parallel_loop3A_193 = vector.shape_cast %parallel_loop3A_192 : vector<1x16xf32> to vector<16xf32>
        %parallel_loop3A_194 = arith.index_cast %parallel_loop3A_189 : i32 to index
        %parallel_loop3A_195 = arith.constant 0 : index
        %parallel_loop3A_196 = tpu.vector_load %arg14[%parallel_loop3A_194, %parallel_loop3A_195] {strides = array<i32>} : memref<128x16xf32, #tpu.memory_space<vmem>>, vector<1x16xf32>,
        %parallel_loop3A_197 = vector.shape_cast %parallel_loop3A_196 : vector<1x16xf32> to vector<16xf32>
        %parallel_loop3A_198 = arith.addf %parallel_loop3A_193, %parallel_loop3A_197 : vector<16xf32>
        %parallel_loop3A_199 = arith.constant 2.000000e-01 : f32
        %parallel_loop3A_200 = vector.broadcast %parallel_loop3A_199 : f32 to vector<16xf32>
        %parallel_loop3A_201 = arith.mulf %parallel_loop3A_200, %parallel_loop3A_198 : vector<16xf32>
        %parallel_loop3A_202 = arith.maximumf %parallel_loop3A_198, %parallel_loop3A_201 : vector<16xf32>
        %parallel_loop3A_203 = math.exp %parallel_loop3A_202 : vector<16xf32>
        %parallel_loop3A_204 = arith.index_cast %parallel_loop3A_189 : i32 to index
        %parallel_loop3A_205 = arith.constant 128 : index
        %parallel_loop3A_206 = tpu.vector_load %arg12[%parallel_loop3A_204, %parallel_loop3A_205] {strides = array<i32>} : memref<128x144xf32, #tpu.memory_space<vmem>>, vector<1x16xf32>,
        %parallel_loop3A_207 = vector.shape_cast %parallel_loop3A_206 : vector<1x16xf32> to vector<16xf32>
        %parallel_loop3A_208 = vector.shape_cast %parallel_loop3A_203 : vector<16xf32> to vector<1x16xf32>
        tpu.vector_store %arg12[%parallel_loop3A_204, %parallel_loop3A_205], %parallel_loop3A_208 {strides = array<i32>} : memref<128x144xf32, #tpu.memory_space<vmem>>, vector<1x16xf32>,
        %parallel_loop3A_209 = arith.constant 0 : i32
        %parallel_loop3A_210 = vector.broadcast %parallel_loop3A_209 : i32 to vector<16xi32>
        %parallel_loop3A_211 = arith.constant 0 : i32
        %parallel_loop3A_212 = vector.broadcast %parallel_loop3A_211 : i32 to vector<16xi32>
        %parallel_loop3A_213 = arith.cmpi slt, %parallel_loop3A_210, %parallel_loop3A_212 : vector<16xi32>
        %parallel_loop3A_214 = arith.constant 16 : i32
        %parallel_loop3A_215 = vector.broadcast %parallel_loop3A_214 : i32 to vector<16xi32>
        %parallel_loop3A_216 = arith.addi %parallel_loop3A_210, %parallel_loop3A_215 : vector<16xi32>
        %parallel_loop3A_217 = arith.select %parallel_loop3A_213, %parallel_loop3A_216, %parallel_loop3A_210 : vector<16xi1>, vector<16xi32>
        %parallel_loop3A_218 = vector.shape_cast %parallel_loop3A_217 : vector<16xi32> to vector<16x1xi32>
        %parallel_loop3A_219 = vector.shape_cast %parallel_loop3A_218 : vector<16x1xi32> to vector<16xi32>
        %parallel_loop3A_220 = tpu.dynamic_gather %parallel_loop3A_203[%parallel_loop3A_219] in [0] : vector<16xf32>, vector<16xi32> -> vector<16xf32>
        %parallel_loop3A_221 = arith.index_cast %parallel_loop3A_189 : i32 to index
        %parallel_loop3A_222 = arith.constant 0 : index
        %parallel_loop3A_223 = tpu.vector_load %arg12[%parallel_loop3A_221, %parallel_loop3A_222] {strides = array<i32>} : memref<128x144xf32, #tpu.memory_space<vmem>>, vector<1x16xf32>,
        %parallel_loop3A_224 = vector.shape_cast %parallel_loop3A_223 : vector<1x16xf32> to vector<16xf32>
        %parallel_loop3A_225 = arith.mulf %parallel_loop3A_220, %parallel_loop3A_224 : vector<16xf32>
        %parallel_loop3A_226 = arith.index_cast %parallel_loop3A_189 : i32 to index
        %parallel_loop3A_227 = arith.constant 0 : index
        %parallel_loop3A_228 = tpu.vector_load %arg12[%parallel_loop3A_226, %parallel_loop3A_227] {strides = array<i32>} : memref<128x144xf32, #tpu.memory_space<vmem>>, vector<1x16xf32>,
        %parallel_loop3A_229 = vector.shape_cast %parallel_loop3A_228 : vector<1x16xf32> to vector<16xf32>
        %parallel_loop3A_230 = vector.shape_cast %parallel_loop3A_225 : vector<16xf32> to vector<1x16xf32>
        tpu.vector_store %arg12[%parallel_loop3A_226, %parallel_loop3A_227], %parallel_loop3A_230 {strides = array<i32>} : memref<128x144xf32, #tpu.memory_space<vmem>>, vector<1x16xf32>,
        %parallel_loop3A_231 = arith.index_cast %parallel_loop3A_189 : i32 to index
        %parallel_loop3A_232 = arith.constant 16 : index
        %parallel_loop3A_233 = tpu.vector_load %arg12[%parallel_loop3A_231, %parallel_loop3A_232] {strides = array<i32>} : memref<128x144xf32, #tpu.memory_space<vmem>>, vector<1x16xf32>,
        %parallel_loop3A_234 = vector.shape_cast %parallel_loop3A_233 : vector<1x16xf32> to vector<16xf32>
        %parallel_loop3A_235 = arith.mulf %parallel_loop3A_220, %parallel_loop3A_234 : vector<16xf32>
        %parallel_loop3A_236 = arith.index_cast %parallel_loop3A_189 : i32 to index
        %parallel_loop3A_237 = arith.constant 16 : index
        %parallel_loop3A_238 = tpu.vector_load %arg12[%parallel_loop3A_236, %parallel_loop3A_237] {strides = array<i32>} : memref<128x144xf32, #tpu.memory_space<vmem>>, vector<1x16xf32>,
        %parallel_loop3A_239 = vector.shape_cast %parallel_loop3A_238 : vector<1x16xf32> to vector<16xf32>
        %parallel_loop3A_240 = vector.shape_cast %parallel_loop3A_235 : vector<16xf32> to vector<1x16xf32>
        tpu.vector_store %arg12[%parallel_loop3A_236, %parallel_loop3A_237], %parallel_loop3A_240 {strides = array<i32>} : memref<128x144xf32, #tpu.memory_space<vmem>>, vector<1x16xf32>,
        %parallel_loop3A_241 = arith.constant 1 : i32
        %parallel_loop3A_242 = vector.broadcast %parallel_loop3A_241 : i32 to vector<16xi32>
        %parallel_loop3A_243 = arith.constant 0 : i32
        %parallel_loop3A_244 = vector.broadcast %parallel_loop3A_243 : i32 to vector<16xi32>
        %parallel_loop3A_245 = arith.cmpi slt, %parallel_loop3A_242, %parallel_loop3A_244 : vector<16xi32>
        %parallel_loop3A_246 = arith.constant 16 : i32
        %parallel_loop3A_247 = vector.broadcast %parallel_loop3A_246 : i32 to vector<16xi32>
        %parallel_loop3A_248 = arith.addi %parallel_loop3A_242, %parallel_loop3A_247 : vector<16xi32>
        %parallel_loop3A_249 = arith.select %parallel_loop3A_245, %parallel_loop3A_248, %parallel_loop3A_242 : vector<16xi1>, vector<16xi32>
        %parallel_loop3A_250 = vector.shape_cast %parallel_loop3A_249 : vector<16xi32> to vector<16x1xi32>
        %parallel_loop3A_251 = vector.shape_cast %parallel_loop3A_250 : vector<16x1xi32> to vector<16xi32>
        %parallel_loop3A_252 = tpu.dynamic_gather %parallel_loop3A_203[%parallel_loop3A_251] in [0] : vector<16xf32>, vector<16xi32> -> vector<16xf32>
        %parallel_loop3A_253 = arith.index_cast %parallel_loop3A_189 : i32 to index
        %parallel_loop3A_254 = arith.constant 32 : index
        %parallel_loop3A_255 = tpu.vector_load %arg12[%parallel_loop3A_253, %parallel_loop3A_254] {strides = array<i32>} : memref<128x144xf32, #tpu.memory_space<vmem>>, vector<1x16xf32>,
        %parallel_loop3A_256 = vector.shape_cast %parallel_loop3A_255 : vector<1x16xf32> to vector<16xf32>
        %parallel_loop3A_257 = arith.mulf %parallel_loop3A_252, %parallel_loop3A_256 : vector<16xf32>
        %parallel_loop3A_258 = arith.index_cast %parallel_loop3A_189 : i32 to index
        %parallel_loop3A_259 = arith.constant 32 : index
        %parallel_loop3A_260 = tpu.vector_load %arg12[%parallel_loop3A_258, %parallel_loop3A_259] {strides = array<i32>} : memref<128x144xf32, #tpu.memory_space<vmem>>, vector<1x16xf32>,
        %parallel_loop3A_261 = vector.shape_cast %parallel_loop3A_260 : vector<1x16xf32> to vector<16xf32>
        %parallel_loop3A_262 = vector.shape_cast %parallel_loop3A_257 : vector<16xf32> to vector<1x16xf32>
        tpu.vector_store %arg12[%parallel_loop3A_258, %parallel_loop3A_259], %parallel_loop3A_262 {strides = array<i32>} : memref<128x144xf32, #tpu.memory_space<vmem>>, vector<1x16xf32>,
        %parallel_loop3A_263 = arith.index_cast %parallel_loop3A_189 : i32 to index
        %parallel_loop3A_264 = arith.constant 48 : index
        %parallel_loop3A_265 = tpu.vector_load %arg12[%parallel_loop3A_263, %parallel_loop3A_264] {strides = array<i32>} : memref<128x144xf32, #tpu.memory_space<vmem>>, vector<1x16xf32>,
        %parallel_loop3A_266 = vector.shape_cast %parallel_loop3A_265 : vector<1x16xf32> to vector<16xf32>
        %parallel_loop3A_267 = arith.mulf %parallel_loop3A_252, %parallel_loop3A_266 : vector<16xf32>
        %parallel_loop3A_268 = arith.index_cast %parallel_loop3A_189 : i32 to index
        %parallel_loop3A_269 = arith.constant 48 : index
        %parallel_loop3A_270 = tpu.vector_load %arg12[%parallel_loop3A_268, %parallel_loop3A_269] {strides = array<i32>} : memref<128x144xf32, #tpu.memory_space<vmem>>, vector<1x16xf32>,
        %parallel_loop3A_271 = vector.shape_cast %parallel_loop3A_270 : vector<1x16xf32> to vector<16xf32>
        %parallel_loop3A_272 = vector.shape_cast %parallel_loop3A_267 : vector<16xf32> to vector<1x16xf32>
        tpu.vector_store %arg12[%parallel_loop3A_268, %parallel_loop3A_269], %parallel_loop3A_272 {strides = array<i32>} : memref<128x144xf32, #tpu.memory_space<vmem>>, vector<1x16xf32>,
        %parallel_loop3A_273 = arith.constant 2 : i32
        %parallel_loop3A_274 = vector.broadcast %parallel_loop3A_273 : i32 to vector<16xi32>
        %parallel_loop3A_275 = arith.constant 0 : i32
        %parallel_loop3A_276 = vector.broadcast %parallel_loop3A_275 : i32 to vector<16xi32>
        %parallel_loop3A_277 = arith.cmpi slt, %parallel_loop3A_274, %parallel_loop3A_276 : vector<16xi32>
        %parallel_loop3A_278 = arith.constant 16 : i32
        %parallel_loop3A_279 = vector.broadcast %parallel_loop3A_278 : i32 to vector<16xi32>
        %parallel_loop3A_280 = arith.addi %parallel_loop3A_274, %parallel_loop3A_279 : vector<16xi32>
        %parallel_loop3A_281 = arith.select %parallel_loop3A_277, %parallel_loop3A_280, %parallel_loop3A_274 : vector<16xi1>, vector<16xi32>
        %parallel_loop3A_282 = vector.shape_cast %parallel_loop3A_281 : vector<16xi32> to vector<16x1xi32>
        %parallel_loop3A_283 = vector.shape_cast %parallel_loop3A_282 : vector<16x1xi32> to vector<16xi32>
        %parallel_loop3A_284 = tpu.dynamic_gather %parallel_loop3A_203[%parallel_loop3A_283] in [0] : vector<16xf32>, vector<16xi32> -> vector<16xf32>
        %parallel_loop3A_285 = arith.index_cast %parallel_loop3A_189 : i32 to index
        %parallel_loop3A_286 = arith.constant 64 : index
        %parallel_loop3A_287 = tpu.vector_load %arg12[%parallel_loop3A_285, %parallel_loop3A_286] {strides = array<i32>} : memref<128x144xf32, #tpu.memory_space<vmem>>, vector<1x16xf32>,
        %parallel_loop3A_288 = vector.shape_cast %parallel_loop3A_287 : vector<1x16xf32> to vector<16xf32>
        %parallel_loop3A_289 = arith.mulf %parallel_loop3A_284, %parallel_loop3A_288 : vector<16xf32>
        %parallel_loop3A_290 = arith.index_cast %parallel_loop3A_189 : i32 to index
        %parallel_loop3A_291 = arith.constant 64 : index
        %parallel_loop3A_292 = tpu.vector_load %arg12[%parallel_loop3A_290, %parallel_loop3A_291] {strides = array<i32>} : memref<128x144xf32, #tpu.memory_space<vmem>>, vector<1x16xf32>,
        %parallel_loop3A_293 = vector.shape_cast %parallel_loop3A_292 : vector<1x16xf32> to vector<16xf32>
        %parallel_loop3A_294 = vector.shape_cast %parallel_loop3A_289 : vector<16xf32> to vector<1x16xf32>
        tpu.vector_store %arg12[%parallel_loop3A_290, %parallel_loop3A_291], %parallel_loop3A_294 {strides = array<i32>} : memref<128x144xf32, #tpu.memory_space<vmem>>, vector<1x16xf32>,
        %parallel_loop3A_295 = arith.index_cast %parallel_loop3A_189 : i32 to index
        %parallel_loop3A_296 = arith.constant 80 : index
        %parallel_loop3A_297 = tpu.vector_load %arg12[%parallel_loop3A_295, %parallel_loop3A_296] {strides = array<i32>} : memref<128x144xf32, #tpu.memory_space<vmem>>, vector<1x16xf32>,
        %parallel_loop3A_298 = vector.shape_cast %parallel_loop3A_297 : vector<1x16xf32> to vector<16xf32>
        %parallel_loop3A_299 = arith.mulf %parallel_loop3A_284, %parallel_loop3A_298 : vector<16xf32>
        %parallel_loop3A_300 = arith.index_cast %parallel_loop3A_189 : i32 to index
        %parallel_loop3A_301 = arith.constant 80 : index
        %parallel_loop3A_302 = tpu.vector_load %arg12[%parallel_loop3A_300, %parallel_loop3A_301] {strides = array<i32>} : memref<128x144xf32, #tpu.memory_space<vmem>>, vector<1x16xf32>,
        %parallel_loop3A_303 = vector.shape_cast %parallel_loop3A_302 : vector<1x16xf32> to vector<16xf32>
        %parallel_loop3A_304 = vector.shape_cast %parallel_loop3A_299 : vector<16xf32> to vector<1x16xf32>
        tpu.vector_store %arg12[%parallel_loop3A_300, %parallel_loop3A_301], %parallel_loop3A_304 {strides = array<i32>} : memref<128x144xf32, #tpu.memory_space<vmem>>, vector<1x16xf32>,
        %parallel_loop3A_305 = arith.constant 3 : i32
        %parallel_loop3A_306 = vector.broadcast %parallel_loop3A_305 : i32 to vector<16xi32>
        %parallel_loop3A_307 = arith.constant 0 : i32
        %parallel_loop3A_308 = vector.broadcast %parallel_loop3A_307 : i32 to vector<16xi32>
        %parallel_loop3A_309 = arith.cmpi slt, %parallel_loop3A_306, %parallel_loop3A_308 : vector<16xi32>
        %parallel_loop3A_310 = arith.constant 16 : i32
        %parallel_loop3A_311 = vector.broadcast %parallel_loop3A_310 : i32 to vector<16xi32>
        %parallel_loop3A_312 = arith.addi %parallel_loop3A_306, %parallel_loop3A_311 : vector<16xi32>
        %parallel_loop3A_313 = arith.select %parallel_loop3A_309, %parallel_loop3A_312, %parallel_loop3A_306 : vector<16xi1>, vector<16xi32>
        %parallel_loop3A_314 = vector.shape_cast %parallel_loop3A_313 : vector<16xi32> to vector<16x1xi32>
        %parallel_loop3A_315 = vector.shape_cast %parallel_loop3A_314 : vector<16x1xi32> to vector<16xi32>
        %parallel_loop3A_316 = tpu.dynamic_gather %parallel_loop3A_203[%parallel_loop3A_315] in [0] : vector<16xf32>, vector<16xi32> -> vector<16xf32>
        %parallel_loop3A_317 = arith.index_cast %parallel_loop3A_189 : i32 to index
        %parallel_loop3A_318 = arith.constant 96 : index
        %parallel_loop3A_319 = tpu.vector_load %arg12[%parallel_loop3A_317, %parallel_loop3A_318] {strides = array<i32>} : memref<128x144xf32, #tpu.memory_space<vmem>>, vector<1x16xf32>,
        %parallel_loop3A_320 = vector.shape_cast %parallel_loop3A_319 : vector<1x16xf32> to vector<16xf32>
        %parallel_loop3A_321 = arith.mulf %parallel_loop3A_316, %parallel_loop3A_320 : vector<16xf32>
        %parallel_loop3A_322 = arith.index_cast %parallel_loop3A_189 : i32 to index
        %parallel_loop3A_323 = arith.constant 96 : index
        %parallel_loop3A_324 = tpu.vector_load %arg12[%parallel_loop3A_322, %parallel_loop3A_323] {strides = array<i32>} : memref<128x144xf32, #tpu.memory_space<vmem>>, vector<1x16xf32>,
        %parallel_loop3A_325 = vector.shape_cast %parallel_loop3A_324 : vector<1x16xf32> to vector<16xf32>
        %parallel_loop3A_326 = vector.shape_cast %parallel_loop3A_321 : vector<16xf32> to vector<1x16xf32>
        tpu.vector_store %arg12[%parallel_loop3A_322, %parallel_loop3A_323], %parallel_loop3A_326 {strides = array<i32>} : memref<128x144xf32, #tpu.memory_space<vmem>>, vector<1x16xf32>,
        %parallel_loop3A_327 = arith.index_cast %parallel_loop3A_189 : i32 to index
        %parallel_loop3A_328 = arith.constant 112 : index
        %parallel_loop3A_329 = tpu.vector_load %arg12[%parallel_loop3A_327, %parallel_loop3A_328] {strides = array<i32>} : memref<128x144xf32, #tpu.memory_space<vmem>>, vector<1x16xf32>,
        %parallel_loop3A_330 = vector.shape_cast %parallel_loop3A_329 : vector<1x16xf32> to vector<16xf32>
        %parallel_loop3A_331 = arith.mulf %parallel_loop3A_316, %parallel_loop3A_330 : vector<16xf32>
        %parallel_loop3A_332 = arith.index_cast %parallel_loop3A_189 : i32 to index
        %parallel_loop3A_333 = arith.constant 112 : index
        %parallel_loop3A_334 = tpu.vector_load %arg12[%parallel_loop3A_332, %parallel_loop3A_333] {strides = array<i32>} : memref<128x144xf32, #tpu.memory_space<vmem>>, vector<1x16xf32>,
        %parallel_loop3A_335 = vector.shape_cast %parallel_loop3A_334 : vector<1x16xf32> to vector<16xf32>
        %parallel_loop3A_336 = vector.shape_cast %parallel_loop3A_331 : vector<16xf32> to vector<1x16xf32>
        tpu.vector_store %arg12[%parallel_loop3A_332, %parallel_loop3A_333], %parallel_loop3A_336 {strides = array<i32>} : memref<128x144xf32, #tpu.memory_space<vmem>>, vector<1x16xf32>,
      } {sc.loop_unroll_factor = 4 : i64, sc.parallel_access}
      %add3A_133 = arith.constant 1 : i32
      %add3A_134 = arith.addi %add3A_112, %add3A_133 : i32
      %lt3A_135 = arith.constant 160 : i32
      %lt3A_136 = arith.cmpi slt, %add3A_134, %lt3A_135 : i32
      %convert_element_type3A_137 = arith.extui %lt3A_136 : i1 to i32
      %cond3A_138 = arith.constant 0 : i32
      %cond3A_139 = arith.cmpi ne, %convert_element_type3A_137, %cond3A_138 : i32
      scf.if %cond3A_139 {
        %dma_start3A_189 = arith.constant 0 : i32
        %dma_start3A_190 = arith.constant 0 : i32
        %dma_start3A_191 = tpu.memref_slice %arg3[%arg0, %dma_start3A_189, %dma_start3A_190] : memref<2x10112x16xf32, #tpu.memory_space<hbm>> -> memref<1x10112x16xf32, #tpu.memory_space<hbm>>
        %dma_start3A_192 = tpu.memref_squeeze %dma_start3A_191 : memref<1x10112x16xf32, #tpu.memory_space<hbm>> -> memref<10112x16xf32, #tpu.memory_space<hbm>>
        %dma_start3A_193 = arith.constant 0 : i32
        %dma_start3A_194 = arith.constant 0 : i32
        %dma_start3A_195 = tpu.memref_slice %dma_start3A_192[%dma_start3A_193, %dma_start3A_194] : memref<10112x16xf32, #tpu.memory_space<hbm>> -> memref<10112x16xf32, #tpu.memory_space<hbm>>
        tpu.enqueue_indirect_dma source(%dma_start3A_195 : memref<10112x16xf32, #tpu.memory_space<hbm>>) target(%arg14 : memref<128x16xf32, #tpu.memory_space<vmem>>) offsets(%arg11 : memref<128xi32, #tpu.memory_space<vmem>>) semaphore(%arg20 : memref<!tpu.dma_semaphore, #tpu.memory_space<semaphore_mem>>)
      } else {
      }
      "tpu.region"() ({
        %run_scoped3A = tpu.sem_alloc : memref<!tpu.dma_semaphore, #tpu.memory_space<semaphore_mem>>
        %dma_start3A_189 = arith.constant 0 : i32
        %dma_start3A_190 = arith.constant 0 : i32
        %dma_start3A_191 = tpu.memref_slice %arg15[%dma_start3A_189, %dma_start3A_190] : memref<10112x144xf32, #tpu.memory_space<vmem_shared>> -> memref<10112x144xf32, #tpu.memory_space<vmem_shared>>
        tpu.enqueue_indirect_dma source(%arg12 : memref<128x144xf32, #tpu.memory_space<vmem>>) target(%dma_start3A_191 : memref<10112x144xf32, #tpu.memory_space<vmem_shared>>) offsets(%arg10 : memref<128xi32, #tpu.memory_space<vmem>>) semaphore(%run_scoped3A : memref<!tpu.dma_semaphore, #tpu.memory_space<semaphore_mem>>) {add = true}
        %dma_wait3A_192 = arith.constant 0 : i32
        %dma_wait3A_193 = arith.constant 0 : i32
        %dma_wait3A_194 = tpu.memref_slice %arg15[%dma_wait3A_192, %dma_wait3A_193] : memref<10112x144xf32, #tpu.memory_space<vmem_shared>> -> memref<10112x144xf32, #tpu.memory_space<vmem_shared>>
        tpu.wait_indirect_dma semaphore(%run_scoped3A : memref<!tpu.dma_semaphore, #tpu.memory_space<semaphore_mem>>) src(%arg12 : memref<128x144xf32, #tpu.memory_space<vmem>>) dst(%dma_wait3A_194 : memref<10112x144xf32, #tpu.memory_space<vmem_shared>>)
        tpu.yield
      }) : () -> ()
      %add3A_140 = arith.constant 2 : i32
      %add3A_141 = arith.addi %add3A_112, %add3A_140 : i32
      %lt3A_142 = arith.constant 160 : i32
      %lt3A_143 = arith.cmpi slt, %add3A_141, %lt3A_142 : i32
      %convert_element_type3A_144 = arith.extui %lt3A_143 : i1 to i32
      %cond3A_145 = arith.constant 0 : i32
      %cond3A_146 = arith.cmpi ne, %convert_element_type3A_144, %cond3A_145 : i32
      scf.if %cond3A_146 {
        %add3A_189 = arith.constant 2 : i32
        %add3A_190 = arith.addi %add3A_112, %add3A_189 : i32
        %dma_start3A_191 = arith.constant 0 : i32
        %dma_start3A_192 = arith.constant 0 : i32
        %dma_start3A_193 = tpu.memref_slice %arg4[%arg1, %dma_start3A_191, %dma_start3A_192] : memref<16x160x128xi32, #tpu.memory_space<hbm>> -> memref<1x160x128xi32, #tpu.memory_space<hbm>>
        %dma_start3A_194 = tpu.memref_squeeze %dma_start3A_193 : memref<1x160x128xi32, #tpu.memory_space<hbm>> -> memref<160x128xi32, #tpu.memory_space<hbm>>
        %dma_start3A_195 = arith.constant 0 : i32
        %dma_start3A_196 = tpu.memref_slice %dma_start3A_194[%add3A_190, %dma_start3A_195] : memref<160x128xi32, #tpu.memory_space<hbm>> -> memref<1x128xi32, #tpu.memory_space<hbm>>
        %dma_start3A_197 = tpu.memref_squeeze %dma_start3A_196 : memref<1x128xi32, #tpu.memory_space<hbm>> -> memref<128xi32, #tpu.memory_space<hbm>>
        %dma_start3A_198 = arith.constant 0 : i32
        %dma_start3A_199 = arith.constant 0 : i32
        %dma_start3A_200 = tpu.memref_slice %arg4[%arg1, %dma_start3A_198, %dma_start3A_199] : memref<16x160x128xi32, #tpu.memory_space<hbm>> -> memref<1x160x128xi32, #tpu.memory_space<hbm>>
        %dma_start3A_201 = tpu.memref_squeeze %dma_start3A_200 : memref<1x160x128xi32, #tpu.memory_space<hbm>> -> memref<160x128xi32, #tpu.memory_space<hbm>>
        %dma_start3A_202 = arith.constant 0 : i32
        %dma_start3A_203 = tpu.memref_slice %dma_start3A_201[%add3A_190, %dma_start3A_202] : memref<160x128xi32, #tpu.memory_space<hbm>> -> memref<1x128xi32, #tpu.memory_space<hbm>>
        %dma_start3A_204 = tpu.memref_squeeze %dma_start3A_203 : memref<1x128xi32, #tpu.memory_space<hbm>> -> memref<128xi32, #tpu.memory_space<hbm>>
        tpu.enqueue_dma source(%dma_start3A_204 : memref<128xi32, #tpu.memory_space<hbm>>) target(%arg8 : memref<128xi32, #tpu.memory_space<vmem>>) target_semaphore(%arg16 : memref<!tpu.dma_semaphore, #tpu.memory_space<semaphore_mem>>)
        %dma_start3A_205 = arith.constant 0 : i32
        %dma_start3A_206 = arith.constant 0 : i32
        %dma_start3A_207 = tpu.memref_slice %arg5[%arg1, %dma_start3A_205, %dma_start3A_206] : memref<16x160x128xi32, #tpu.memory_space<hbm>> -> memref<1x160x128xi32, #tpu.memory_space<hbm>>
        %dma_start3A_208 = tpu.memref_squeeze %dma_start3A_207 : memref<1x160x128xi32, #tpu.memory_space<hbm>> -> memref<160x128xi32, #tpu.memory_space<hbm>>
        %dma_start3A_209 = arith.constant 0 : i32
        %dma_start3A_210 = tpu.memref_slice %dma_start3A_208[%add3A_190, %dma_start3A_209] : memref<160x128xi32, #tpu.memory_space<hbm>> -> memref<1x128xi32, #tpu.memory_space<hbm>>
        %dma_start3A_211 = tpu.memref_squeeze %dma_start3A_210 : memref<1x128xi32, #tpu.memory_space<hbm>> -> memref<128xi32, #tpu.memory_space<hbm>>
        %dma_start3A_212 = arith.constant 0 : i32
        %dma_start3A_213 = arith.constant 0 : i32
        %dma_start3A_214 = tpu.memref_slice %arg5[%arg1, %dma_start3A_212, %dma_start3A_213] : memref<16x160x128xi32, #tpu.memory_space<hbm>> -> memref<1x160x128xi32, #tpu.memory_space<hbm>>
        %dma_start3A_215 = tpu.memref_squeeze %dma_start3A_214 : memref<1x160x128xi32, #tpu.memory_space<hbm>> -> memref<160x128xi32, #tpu.memory_space<hbm>>
        %dma_start3A_216 = arith.constant 0 : i32
        %dma_start3A_217 = tpu.memref_slice %dma_start3A_215[%add3A_190, %dma_start3A_216] : memref<160x128xi32, #tpu.memory_space<hbm>> -> memref<1x128xi32, #tpu.memory_space<hbm>>
        %dma_start3A_218 = tpu.memref_squeeze %dma_start3A_217 : memref<1x128xi32, #tpu.memory_space<hbm>> -> memref<128xi32, #tpu.memory_space<hbm>>
        tpu.enqueue_dma source(%dma_start3A_218 : memref<128xi32, #tpu.memory_space<hbm>>) target(%arg10 : memref<128xi32, #tpu.memory_space<vmem>>) target_semaphore(%arg16 : memref<!tpu.dma_semaphore, #tpu.memory_space<semaphore_mem>>)
      } else {
      }
      %mul3A_147 = arith.constant 2 : i32
      %mul3A_148 = arith.muli %mul3A_147, %scan3A_109 : i32
      %add3A_149 = arith.constant 1 : i32
      %add3A_150 = arith.addi %mul3A_148, %add3A_149 : i32
      %add3A_151 = arith.constant 1 : i32
      %add3A_152 = arith.addi %add3A_150, %add3A_151 : i32
      %lt3A_153 = arith.constant 160 : i32
      %lt3A_154 = arith.cmpi slt, %add3A_152, %lt3A_153 : i32
      %convert_element_type3A_155 = arith.extui %lt3A_154 : i1 to i32
      %cond3A_156 = arith.constant 0 : i32
      %cond3A_157 = arith.cmpi ne, %convert_element_type3A_155, %cond3A_156 : i32
      scf.if %cond3A_157 {
        %dma_wait3A_189 = arith.constant 0 : i32
        %dma_wait3A_190 = arith.constant 0 : i32
        %dma_wait3A_191 = arith.constant 0 : i32
        %dma_wait3A_192 = tpu.memref_slice %arg4[%arg1, %dma_wait3A_190, %dma_wait3A_191] : memref<16x160x128xi32, #tpu.memory_space<hbm>> -> memref<1x160x128xi32, #tpu.memory_space<hbm>>
        %dma_wait3A_193 = tpu.memref_squeeze %dma_wait3A_192 : memref<1x160x128xi32, #tpu.memory_space<hbm>> -> memref<160x128xi32, #tpu.memory_space<hbm>>
        %dma_wait3A_194 = arith.constant 0 : i32
        %dma_wait3A_195 = tpu.memref_slice %dma_wait3A_193[%dma_wait3A_189, %dma_wait3A_194] : memref<160x128xi32, #tpu.memory_space<hbm>> -> memref<1x128xi32, #tpu.memory_space<hbm>>
        %dma_wait3A_196 = tpu.memref_squeeze %dma_wait3A_195 : memref<1x128xi32, #tpu.memory_space<hbm>> -> memref<128xi32, #tpu.memory_space<hbm>>
        %dma_wait3A_197 = arith.constant 0 : i32
        %dma_wait3A_198 = arith.constant 0 : i32
        %dma_wait3A_199 = tpu.memref_slice %arg4[%arg1, %dma_wait3A_197, %dma_wait3A_198] : memref<16x160x128xi32, #tpu.memory_space<hbm>> -> memref<1x160x128xi32, #tpu.memory_space<hbm>>
        %dma_wait3A_200 = tpu.memref_squeeze %dma_wait3A_199 : memref<1x160x128xi32, #tpu.memory_space<hbm>> -> memref<160x128xi32, #tpu.memory_space<hbm>>
        %dma_wait3A_201 = arith.constant 0 : i32
        %dma_wait3A_202 = tpu.memref_slice %dma_wait3A_200[%dma_wait3A_189, %dma_wait3A_201] : memref<160x128xi32, #tpu.memory_space<hbm>> -> memref<1x128xi32, #tpu.memory_space<hbm>>
        %dma_wait3A_203 = tpu.memref_squeeze %dma_wait3A_202 : memref<1x128xi32, #tpu.memory_space<hbm>> -> memref<128xi32, #tpu.memory_space<hbm>>
        tpu.wait_dma2 semaphore(%arg16 : memref<!tpu.dma_semaphore, #tpu.memory_space<semaphore_mem>>) src(%dma_wait3A_203 : memref<128xi32, #tpu.memory_space<hbm>>) dst(%arg8 : memref<128xi32, #tpu.memory_space<vmem>>)
        %dma_wait3A_204 = arith.constant 0 : i32
        %dma_wait3A_205 = arith.constant 0 : i32
        %dma_wait3A_206 = arith.constant 0 : i32
        %dma_wait3A_207 = tpu.memref_slice %arg5[%arg1, %dma_wait3A_205, %dma_wait3A_206] : memref<16x160x128xi32, #tpu.memory_space<hbm>> -> memref<1x160x128xi32, #tpu.memory_space<hbm>>
        %dma_wait3A_208 = tpu.memref_squeeze %dma_wait3A_207 : memref<1x160x128xi32, #tpu.memory_space<hbm>> -> memref<160x128xi32, #tpu.memory_space<hbm>>
        %dma_wait3A_209 = arith.constant 0 : i32
        %dma_wait3A_210 = tpu.memref_slice %dma_wait3A_208[%dma_wait3A_204, %dma_wait3A_209] : memref<160x128xi32, #tpu.memory_space<hbm>> -> memref<1x128xi32, #tpu.memory_space<hbm>>
        %dma_wait3A_211 = tpu.memref_squeeze %dma_wait3A_210 : memref<1x128xi32, #tpu.memory_space<hbm>> -> memref<128xi32, #tpu.memory_space<hbm>>
        %dma_wait3A_212 = arith.constant 0 : i32
        %dma_wait3A_213 = arith.constant 0 : i32
        %dma_wait3A_214 = tpu.memref_slice %arg5[%arg1, %dma_wait3A_212, %dma_wait3A_213] : memref<16x160x128xi32, #tpu.memory_space<hbm>> -> memref<1x160x128xi32, #tpu.memory_space<hbm>>
        %dma_wait3A_215 = tpu.memref_squeeze %dma_wait3A_214 : memref<1x160x128xi32, #tpu.memory_space<hbm>> -> memref<160x128xi32, #tpu.memory_space<hbm>>
        %dma_wait3A_216 = arith.constant 0 : i32
        %dma_wait3A_217 = tpu.memref_slice %dma_wait3A_215[%dma_wait3A_204, %dma_wait3A_216] : memref<160x128xi32, #tpu.memory_space<hbm>> -> memref<1x128xi32, #tpu.memory_space<hbm>>
        %dma_wait3A_218 = tpu.memref_squeeze %dma_wait3A_217 : memref<1x128xi32, #tpu.memory_space<hbm>> -> memref<128xi32, #tpu.memory_space<hbm>>
        tpu.wait_dma2 semaphore(%arg16 : memref<!tpu.dma_semaphore, #tpu.memory_space<semaphore_mem>>) src(%dma_wait3A_218 : memref<128xi32, #tpu.memory_space<hbm>>) dst(%arg10 : memref<128xi32, #tpu.memory_space<vmem>>)
        %dma_start3A_219 = arith.constant 0 : i32
        %dma_start3A_220 = arith.constant 0 : i32
        %dma_start3A_221 = tpu.memref_slice %arg2[%arg0, %dma_start3A_219, %dma_start3A_220] : memref<2x10112x144xf32, #tpu.memory_space<hbm>> -> memref<1x10112x144xf32, #tpu.memory_space<hbm>>
        %dma_start3A_222 = tpu.memref_squeeze %dma_start3A_221 : memref<1x10112x144xf32, #tpu.memory_space<hbm>> -> memref<10112x144xf32, #tpu.memory_space<hbm>>
        %dma_start3A_223 = arith.constant 0 : i32
        %dma_start3A_224 = arith.constant 0 : i32
        %dma_start3A_225 = tpu.memref_slice %dma_start3A_222[%dma_start3A_223, %dma_start3A_224] : memref<10112x144xf32, #tpu.memory_space<hbm>> -> memref<10112x144xf32, #tpu.memory_space<hbm>>
        tpu.enqueue_indirect_dma source(%dma_start3A_225 : memref<10112x144xf32, #tpu.memory_space<hbm>>) target(%arg12 : memref<128x144xf32, #tpu.memory_space<vmem>>) offsets(%arg8 : memref<128xi32, #tpu.memory_space<vmem>>) semaphore(%arg18 : memref<!tpu.dma_semaphore, #tpu.memory_space<semaphore_mem>>)
      } else {
      }
      %dma_wait3A_158 = arith.constant 0 : i32
      %dma_wait3A_159 = arith.constant 0 : i32
      %dma_wait3A_160 = tpu.memref_slice %arg2[%arg0, %dma_wait3A_158, %dma_wait3A_159] : memref<2x10112x144xf32, #tpu.memory_space<hbm>> -> memref<1x10112x144xf32, #tpu.memory_space<hbm>>
      %dma_wait3A_161 = tpu.memref_squeeze %dma_wait3A_160 : memref<1x10112x144xf32, #tpu.memory_space<hbm>> -> memref<10112x144xf32, #tpu.memory_space<hbm>>
      %dma_wait3A_162 = arith.constant 0 : i32
      %dma_wait3A_163 = arith.constant 0 : i32
      %dma_wait3A_164 = tpu.memref_slice %dma_wait3A_161[%dma_wait3A_162, %dma_wait3A_163] : memref<10112x144xf32, #tpu.memory_space<hbm>> -> memref<10112x144xf32, #tpu.memory_space<hbm>>
      tpu.wait_indirect_dma semaphore(%arg19 : memref<!tpu.dma_semaphore, #tpu.memory_space<semaphore_mem>>) src(%dma_wait3A_164 : memref<10112x144xf32, #tpu.memory_space<hbm>>) dst(%arg13 : memref<128x144xf32, #tpu.memory_space<vmem>>)
      %dma_wait3A_165 = arith.constant 0 : i32
      %dma_wait3A_166 = arith.constant 0 : i32
      %dma_wait3A_167 = tpu.memref_slice %arg3[%arg0, %dma_wait3A_165, %dma_wait3A_166] : memref<2x10112x16xf32, #tpu.memory_space<hbm>> -> memref<1x10112x16xf32, #tpu.memory_space<hbm>>
      %dma_wait3A_168 = tpu.memref_squeeze %dma_wait3A_167 : memref<1x10112x16xf32, #tpu.memory_space<hbm>> -> memref<10112x16xf32, #tpu.memory_space<hbm>>
      %dma_wait3A_169 = arith.constant 0 : i32
      %dma_wait3A_170 = arith.constant 0 : i32
      %dma_wait3A_171 = tpu.memref_slice %dma_wait3A_168[%dma_wait3A_169, %dma_wait3A_170] : memref<10112x16xf32, #tpu.memory_space<hbm>> -> memref<10112x16xf32, #tpu.memory_space<hbm>>
      tpu.wait_indirect_dma semaphore(%arg20 : memref<!tpu.dma_semaphore, #tpu.memory_space<semaphore_mem>>) src(%dma_wait3A_171 : memref<10112x16xf32, #tpu.memory_space<hbm>>) dst(%arg14 : memref<128x16xf32, #tpu.memory_space<vmem>>)
      %parallel_loop3A_172 = arith.constant 0 : i32
      %parallel_loop3A_173 = arith.constant 128 : i32
      %parallel_loop3A_174 = arith.constant 1 : i32
      scf.for %parallel_loop3A_189 = %parallel_loop3A_172 to %parallel_loop3A_173 step %parallel_loop3A_174  : i32 {
        %parallel_loop3A_190 = arith.index_cast %parallel_loop3A_189 : i32 to index
        %parallel_loop3A_191 = arith.constant 128 : index
        %parallel_loop3A_192 = tpu.vector_load %arg13[%parallel_loop3A_190, %parallel_loop3A_191] {strides = array<i32>} : memref<128x144xf32, #tpu.memory_space<vmem>>, vector<1x16xf32>,
        %parallel_loop3A_193 = vector.shape_cast %parallel_loop3A_192 : vector<1x16xf32> to vector<16xf32>
        %parallel_loop3A_194 = arith.index_cast %parallel_loop3A_189 : i32 to index
        %parallel_loop3A_195 = arith.constant 0 : index
        %parallel_loop3A_196 = tpu.vector_load %arg14[%parallel_loop3A_194, %parallel_loop3A_195] {strides = array<i32>} : memref<128x16xf32, #tpu.memory_space<vmem>>, vector<1x16xf32>,
        %parallel_loop3A_197 = vector.shape_cast %parallel_loop3A_196 : vector<1x16xf32> to vector<16xf32>
        %parallel_loop3A_198 = arith.addf %parallel_loop3A_193, %parallel_loop3A_197 : vector<16xf32>
        %parallel_loop3A_199 = arith.constant 2.000000e-01 : f32
        %parallel_loop3A_200 = vector.broadcast %parallel_loop3A_199 : f32 to vector<16xf32>
        %parallel_loop3A_201 = arith.mulf %parallel_loop3A_200, %parallel_loop3A_198 : vector<16xf32>
        %parallel_loop3A_202 = arith.maximumf %parallel_loop3A_198, %parallel_loop3A_201 : vector<16xf32>
        %parallel_loop3A_203 = math.exp %parallel_loop3A_202 : vector<16xf32>
        %parallel_loop3A_204 = arith.index_cast %parallel_loop3A_189 : i32 to index
        %parallel_loop3A_205 = arith.constant 128 : index
        %parallel_loop3A_206 = tpu.vector_load %arg13[%parallel_loop3A_204, %parallel_loop3A_205] {strides = array<i32>} : memref<128x144xf32, #tpu.memory_space<vmem>>, vector<1x16xf32>,
        %parallel_loop3A_207 = vector.shape_cast %parallel_loop3A_206 : vector<1x16xf32> to vector<16xf32>
        %parallel_loop3A_208 = vector.shape_cast %parallel_loop3A_203 : vector<16xf32> to vector<1x16xf32>
        tpu.vector_store %arg13[%parallel_loop3A_204, %parallel_loop3A_205], %parallel_loop3A_208 {strides = array<i32>} : memref<128x144xf32, #tpu.memory_space<vmem>>, vector<1x16xf32>,
        %parallel_loop3A_209 = arith.constant 0 : i32
        %parallel_loop3A_210 = vector.broadcast %parallel_loop3A_209 : i32 to vector<16xi32>
        %parallel_loop3A_211 = arith.constant 0 : i32
        %parallel_loop3A_212 = vector.broadcast %parallel_loop3A_211 : i32 to vector<16xi32>
        %parallel_loop3A_213 = arith.cmpi slt, %parallel_loop3A_210, %parallel_loop3A_212 : vector<16xi32>
        %parallel_loop3A_214 = arith.constant 16 : i32
        %parallel_loop3A_215 = vector.broadcast %parallel_loop3A_214 : i32 to vector<16xi32>
        %parallel_loop3A_216 = arith.addi %parallel_loop3A_210, %parallel_loop3A_215 : vector<16xi32>
        %parallel_loop3A_217 = arith.select %parallel_loop3A_213, %parallel_loop3A_216, %parallel_loop3A_210 : vector<16xi1>, vector<16xi32>
        %parallel_loop3A_218 = vector.shape_cast %parallel_loop3A_217 : vector<16xi32> to vector<16x1xi32>
        %parallel_loop3A_219 = vector.shape_cast %parallel_loop3A_218 : vector<16x1xi32> to vector<16xi32>
        %parallel_loop3A_220 = tpu.dynamic_gather %parallel_loop3A_203[%parallel_loop3A_219] in [0] : vector<16xf32>, vector<16xi32> -> vector<16xf32>
        %parallel_loop3A_221 = arith.index_cast %parallel_loop3A_189 : i32 to index
        %parallel_loop3A_222 = arith.constant 0 : index
        %parallel_loop3A_223 = tpu.vector_load %arg13[%parallel_loop3A_221, %parallel_loop3A_222] {strides = array<i32>} : memref<128x144xf32, #tpu.memory_space<vmem>>, vector<1x16xf32>,
        %parallel_loop3A_224 = vector.shape_cast %parallel_loop3A_223 : vector<1x16xf32> to vector<16xf32>
        %parallel_loop3A_225 = arith.mulf %parallel_loop3A_220, %parallel_loop3A_224 : vector<16xf32>
        %parallel_loop3A_226 = arith.index_cast %parallel_loop3A_189 : i32 to index
        %parallel_loop3A_227 = arith.constant 0 : index
        %parallel_loop3A_228 = tpu.vector_load %arg13[%parallel_loop3A_226, %parallel_loop3A_227] {strides = array<i32>} : memref<128x144xf32, #tpu.memory_space<vmem>>, vector<1x16xf32>,
        %parallel_loop3A_229 = vector.shape_cast %parallel_loop3A_228 : vector<1x16xf32> to vector<16xf32>
        %parallel_loop3A_230 = vector.shape_cast %parallel_loop3A_225 : vector<16xf32> to vector<1x16xf32>
        tpu.vector_store %arg13[%parallel_loop3A_226, %parallel_loop3A_227], %parallel_loop3A_230 {strides = array<i32>} : memref<128x144xf32, #tpu.memory_space<vmem>>, vector<1x16xf32>,
        %parallel_loop3A_231 = arith.index_cast %parallel_loop3A_189 : i32 to index
        %parallel_loop3A_232 = arith.constant 16 : index
        %parallel_loop3A_233 = tpu.vector_load %arg13[%parallel_loop3A_231, %parallel_loop3A_232] {strides = array<i32>} : memref<128x144xf32, #tpu.memory_space<vmem>>, vector<1x16xf32>,
        %parallel_loop3A_234 = vector.shape_cast %parallel_loop3A_233 : vector<1x16xf32> to vector<16xf32>
        %parallel_loop3A_235 = arith.mulf %parallel_loop3A_220, %parallel_loop3A_234 : vector<16xf32>
        %parallel_loop3A_236 = arith.index_cast %parallel_loop3A_189 : i32 to index
        %parallel_loop3A_237 = arith.constant 16 : index
        %parallel_loop3A_238 = tpu.vector_load %arg13[%parallel_loop3A_236, %parallel_loop3A_237] {strides = array<i32>} : memref<128x144xf32, #tpu.memory_space<vmem>>, vector<1x16xf32>,
        %parallel_loop3A_239 = vector.shape_cast %parallel_loop3A_238 : vector<1x16xf32> to vector<16xf32>
        %parallel_loop3A_240 = vector.shape_cast %parallel_loop3A_235 : vector<16xf32> to vector<1x16xf32>
        tpu.vector_store %arg13[%parallel_loop3A_236, %parallel_loop3A_237], %parallel_loop3A_240 {strides = array<i32>} : memref<128x144xf32, #tpu.memory_space<vmem>>, vector<1x16xf32>,
        %parallel_loop3A_241 = arith.constant 1 : i32
        %parallel_loop3A_242 = vector.broadcast %parallel_loop3A_241 : i32 to vector<16xi32>
        %parallel_loop3A_243 = arith.constant 0 : i32
        %parallel_loop3A_244 = vector.broadcast %parallel_loop3A_243 : i32 to vector<16xi32>
        %parallel_loop3A_245 = arith.cmpi slt, %parallel_loop3A_242, %parallel_loop3A_244 : vector<16xi32>
        %parallel_loop3A_246 = arith.constant 16 : i32
        %parallel_loop3A_247 = vector.broadcast %parallel_loop3A_246 : i32 to vector<16xi32>
        %parallel_loop3A_248 = arith.addi %parallel_loop3A_242, %parallel_loop3A_247 : vector<16xi32>
        %parallel_loop3A_249 = arith.select %parallel_loop3A_245, %parallel_loop3A_248, %parallel_loop3A_242 : vector<16xi1>, vector<16xi32>
        %parallel_loop3A_250 = vector.shape_cast %parallel_loop3A_249 : vector<16xi32> to vector<16x1xi32>
        %parallel_loop3A_251 = vector.shape_cast %parallel_loop3A_250 : vector<16x1xi32> to vector<16xi32>
        %parallel_loop3A_252 = tpu.dynamic_gather %parallel_loop3A_203[%parallel_loop3A_251] in [0] : vector<16xf32>, vector<16xi32> -> vector<16xf32>
        %parallel_loop3A_253 = arith.index_cast %parallel_loop3A_189 : i32 to index
        %parallel_loop3A_254 = arith.constant 32 : index
        %parallel_loop3A_255 = tpu.vector_load %arg13[%parallel_loop3A_253, %parallel_loop3A_254] {strides = array<i32>} : memref<128x144xf32, #tpu.memory_space<vmem>>, vector<1x16xf32>,
        %parallel_loop3A_256 = vector.shape_cast %parallel_loop3A_255 : vector<1x16xf32> to vector<16xf32>
        %parallel_loop3A_257 = arith.mulf %parallel_loop3A_252, %parallel_loop3A_256 : vector<16xf32>
        %parallel_loop3A_258 = arith.index_cast %parallel_loop3A_189 : i32 to index
        %parallel_loop3A_259 = arith.constant 32 : index
        %parallel_loop3A_260 = tpu.vector_load %arg13[%parallel_loop3A_258, %parallel_loop3A_259] {strides = array<i32>} : memref<128x144xf32, #tpu.memory_space<vmem>>, vector<1x16xf32>,
        %parallel_loop3A_261 = vector.shape_cast %parallel_loop3A_260 : vector<1x16xf32> to vector<16xf32>
        %parallel_loop3A_262 = vector.shape_cast %parallel_loop3A_257 : vector<16xf32> to vector<1x16xf32>
        tpu.vector_store %arg13[%parallel_loop3A_258, %parallel_loop3A_259], %parallel_loop3A_262 {strides = array<i32>} : memref<128x144xf32, #tpu.memory_space<vmem>>, vector<1x16xf32>,
        %parallel_loop3A_263 = arith.index_cast %parallel_loop3A_189 : i32 to index
        %parallel_loop3A_264 = arith.constant 48 : index
        %parallel_loop3A_265 = tpu.vector_load %arg13[%parallel_loop3A_263, %parallel_loop3A_264] {strides = array<i32>} : memref<128x144xf32, #tpu.memory_space<vmem>>, vector<1x16xf32>,
        %parallel_loop3A_266 = vector.shape_cast %parallel_loop3A_265 : vector<1x16xf32> to vector<16xf32>
        %parallel_loop3A_267 = arith.mulf %parallel_loop3A_252, %parallel_loop3A_266 : vector<16xf32>
        %parallel_loop3A_268 = arith.index_cast %parallel_loop3A_189 : i32 to index
        %parallel_loop3A_269 = arith.constant 48 : index
        %parallel_loop3A_270 = tpu.vector_load %arg13[%parallel_loop3A_268, %parallel_loop3A_269] {strides = array<i32>} : memref<128x144xf32, #tpu.memory_space<vmem>>, vector<1x16xf32>,
        %parallel_loop3A_271 = vector.shape_cast %parallel_loop3A_270 : vector<1x16xf32> to vector<16xf32>
        %parallel_loop3A_272 = vector.shape_cast %parallel_loop3A_267 : vector<16xf32> to vector<1x16xf32>
        tpu.vector_store %arg13[%parallel_loop3A_268, %parallel_loop3A_269], %parallel_loop3A_272 {strides = array<i32>} : memref<128x144xf32, #tpu.memory_space<vmem>>, vector<1x16xf32>,
        %parallel_loop3A_273 = arith.constant 2 : i32
        %parallel_loop3A_274 = vector.broadcast %parallel_loop3A_273 : i32 to vector<16xi32>
        %parallel_loop3A_275 = arith.constant 0 : i32
        %parallel_loop3A_276 = vector.broadcast %parallel_loop3A_275 : i32 to vector<16xi32>
        %parallel_loop3A_277 = arith.cmpi slt, %parallel_loop3A_274, %parallel_loop3A_276 : vector<16xi32>
        %parallel_loop3A_278 = arith.constant 16 : i32
        %parallel_loop3A_279 = vector.broadcast %parallel_loop3A_278 : i32 to vector<16xi32>
        %parallel_loop3A_280 = arith.addi %parallel_loop3A_274, %parallel_loop3A_279 : vector<16xi32>
        %parallel_loop3A_281 = arith.select %parallel_loop3A_277, %parallel_loop3A_280, %parallel_loop3A_274 : vector<16xi1>, vector<16xi32>
        %parallel_loop3A_282 = vector.shape_cast %parallel_loop3A_281 : vector<16xi32> to vector<16x1xi32>
        %parallel_loop3A_283 = vector.shape_cast %parallel_loop3A_282 : vector<16x1xi32> to vector<16xi32>
        %parallel_loop3A_284 = tpu.dynamic_gather %parallel_loop3A_203[%parallel_loop3A_283] in [0] : vector<16xf32>, vector<16xi32> -> vector<16xf32>
        %parallel_loop3A_285 = arith.index_cast %parallel_loop3A_189 : i32 to index
        %parallel_loop3A_286 = arith.constant 64 : index
        %parallel_loop3A_287 = tpu.vector_load %arg13[%parallel_loop3A_285, %parallel_loop3A_286] {strides = array<i32>} : memref<128x144xf32, #tpu.memory_space<vmem>>, vector<1x16xf32>,
        %parallel_loop3A_288 = vector.shape_cast %parallel_loop3A_287 : vector<1x16xf32> to vector<16xf32>
        %parallel_loop3A_289 = arith.mulf %parallel_loop3A_284, %parallel_loop3A_288 : vector<16xf32>
        %parallel_loop3A_290 = arith.index_cast %parallel_loop3A_189 : i32 to index
        %parallel_loop3A_291 = arith.constant 64 : index
        %parallel_loop3A_292 = tpu.vector_load %arg13[%parallel_loop3A_290, %parallel_loop3A_291] {strides = array<i32>} : memref<128x144xf32, #tpu.memory_space<vmem>>, vector<1x16xf32>,
        %parallel_loop3A_293 = vector.shape_cast %parallel_loop3A_292 : vector<1x16xf32> to vector<16xf32>
        %parallel_loop3A_294 = vector.shape_cast %parallel_loop3A_289 : vector<16xf32> to vector<1x16xf32>
        tpu.vector_store %arg13[%parallel_loop3A_290, %parallel_loop3A_291], %parallel_loop3A_294 {strides = array<i32>} : memref<128x144xf32, #tpu.memory_space<vmem>>, vector<1x16xf32>,
        %parallel_loop3A_295 = arith.index_cast %parallel_loop3A_189 : i32 to index
        %parallel_loop3A_296 = arith.constant 80 : index
        %parallel_loop3A_297 = tpu.vector_load %arg13[%parallel_loop3A_295, %parallel_loop3A_296] {strides = array<i32>} : memref<128x144xf32, #tpu.memory_space<vmem>>, vector<1x16xf32>,
        %parallel_loop3A_298 = vector.shape_cast %parallel_loop3A_297 : vector<1x16xf32> to vector<16xf32>
        %parallel_loop3A_299 = arith.mulf %parallel_loop3A_284, %parallel_loop3A_298 : vector<16xf32>
        %parallel_loop3A_300 = arith.index_cast %parallel_loop3A_189 : i32 to index
        %parallel_loop3A_301 = arith.constant 80 : index
        %parallel_loop3A_302 = tpu.vector_load %arg13[%parallel_loop3A_300, %parallel_loop3A_301] {strides = array<i32>} : memref<128x144xf32, #tpu.memory_space<vmem>>, vector<1x16xf32>,
        %parallel_loop3A_303 = vector.shape_cast %parallel_loop3A_302 : vector<1x16xf32> to vector<16xf32>
        %parallel_loop3A_304 = vector.shape_cast %parallel_loop3A_299 : vector<16xf32> to vector<1x16xf32>
        tpu.vector_store %arg13[%parallel_loop3A_300, %parallel_loop3A_301], %parallel_loop3A_304 {strides = array<i32>} : memref<128x144xf32, #tpu.memory_space<vmem>>, vector<1x16xf32>,
        %parallel_loop3A_305 = arith.constant 3 : i32
        %parallel_loop3A_306 = vector.broadcast %parallel_loop3A_305 : i32 to vector<16xi32>
        %parallel_loop3A_307 = arith.constant 0 : i32
        %parallel_loop3A_308 = vector.broadcast %parallel_loop3A_307 : i32 to vector<16xi32>
        %parallel_loop3A_309 = arith.cmpi slt, %parallel_loop3A_306, %parallel_loop3A_308 : vector<16xi32>
        %parallel_loop3A_310 = arith.constant 16 : i32
        %parallel_loop3A_311 = vector.broadcast %parallel_loop3A_310 : i32 to vector<16xi32>
        %parallel_loop3A_312 = arith.addi %parallel_loop3A_306, %parallel_loop3A_311 : vector<16xi32>
        %parallel_loop3A_313 = arith.select %parallel_loop3A_309, %parallel_loop3A_312, %parallel_loop3A_306 : vector<16xi1>, vector<16xi32>
        %parallel_loop3A_314 = vector.shape_cast %parallel_loop3A_313 : vector<16xi32> to vector<16x1xi32>
        %parallel_loop3A_315 = vector.shape_cast %parallel_loop3A_314 : vector<16x1xi32> to vector<16xi32>
        %parallel_loop3A_316 = tpu.dynamic_gather %parallel_loop3A_203[%parallel_loop3A_315] in [0] : vector<16xf32>, vector<16xi32> -> vector<16xf32>
        %parallel_loop3A_317 = arith.index_cast %parallel_loop3A_189 : i32 to index
        %parallel_loop3A_318 = arith.constant 96 : index
        %parallel_loop3A_319 = tpu.vector_load %arg13[%parallel_loop3A_317, %parallel_loop3A_318] {strides = array<i32>} : memref<128x144xf32, #tpu.memory_space<vmem>>, vector<1x16xf32>,
        %parallel_loop3A_320 = vector.shape_cast %parallel_loop3A_319 : vector<1x16xf32> to vector<16xf32>
        %parallel_loop3A_321 = arith.mulf %parallel_loop3A_316, %parallel_loop3A_320 : vector<16xf32>
        %parallel_loop3A_322 = arith.index_cast %parallel_loop3A_189 : i32 to index
        %parallel_loop3A_323 = arith.constant 96 : index
        %parallel_loop3A_324 = tpu.vector_load %arg13[%parallel_loop3A_322, %parallel_loop3A_323] {strides = array<i32>} : memref<128x144xf32, #tpu.memory_space<vmem>>, vector<1x16xf32>,
        %parallel_loop3A_325 = vector.shape_cast %parallel_loop3A_324 : vector<1x16xf32> to vector<16xf32>
        %parallel_loop3A_326 = vector.shape_cast %parallel_loop3A_321 : vector<16xf32> to vector<1x16xf32>
        tpu.vector_store %arg13[%parallel_loop3A_322, %parallel_loop3A_323], %parallel_loop3A_326 {strides = array<i32>} : memref<128x144xf32, #tpu.memory_space<vmem>>, vector<1x16xf32>,
        %parallel_loop3A_327 = arith.index_cast %parallel_loop3A_189 : i32 to index
        %parallel_loop3A_328 = arith.constant 112 : index
        %parallel_loop3A_329 = tpu.vector_load %arg13[%parallel_loop3A_327, %parallel_loop3A_328] {strides = array<i32>} : memref<128x144xf32, #tpu.memory_space<vmem>>, vector<1x16xf32>,
        %parallel_loop3A_330 = vector.shape_cast %parallel_loop3A_329 : vector<1x16xf32> to vector<16xf32>
        %parallel_loop3A_331 = arith.mulf %parallel_loop3A_316, %parallel_loop3A_330 : vector<16xf32>
        %parallel_loop3A_332 = arith.index_cast %parallel_loop3A_189 : i32 to index
        %parallel_loop3A_333 = arith.constant 112 : index
        %parallel_loop3A_334 = tpu.vector_load %arg13[%parallel_loop3A_332, %parallel_loop3A_333] {strides = array<i32>} : memref<128x144xf32, #tpu.memory_space<vmem>>, vector<1x16xf32>,
        %parallel_loop3A_335 = vector.shape_cast %parallel_loop3A_334 : vector<1x16xf32> to vector<16xf32>
        %parallel_loop3A_336 = vector.shape_cast %parallel_loop3A_331 : vector<16xf32> to vector<1x16xf32>
        tpu.vector_store %arg13[%parallel_loop3A_332, %parallel_loop3A_333], %parallel_loop3A_336 {strides = array<i32>} : memref<128x144xf32, #tpu.memory_space<vmem>>, vector<1x16xf32>,
      } {sc.loop_unroll_factor = 4 : i64, sc.parallel_access}
      %add3A_175 = arith.constant 1 : i32
      %add3A_176 = arith.addi %add3A_150, %add3A_175 : i32
      %lt3A_177 = arith.constant 160 : i32
      %lt3A_178 = arith.cmpi slt, %add3A_176, %lt3A_177 : i32
      %convert_element_type3A_179 = arith.extui %lt3A_178 : i1 to i32
      %cond3A_180 = arith.constant 0 : i32
      %cond3A_181 = arith.cmpi ne, %convert_element_type3A_179, %cond3A_180 : i32
      scf.if %cond3A_181 {
        %dma_start3A_189 = arith.constant 0 : i32
        %dma_start3A_190 = arith.constant 0 : i32
        %dma_start3A_191 = tpu.memref_slice %arg3[%arg0, %dma_start3A_189, %dma_start3A_190] : memref<2x10112x16xf32, #tpu.memory_space<hbm>> -> memref<1x10112x16xf32, #tpu.memory_space<hbm>>
        %dma_start3A_192 = tpu.memref_squeeze %dma_start3A_191 : memref<1x10112x16xf32, #tpu.memory_space<hbm>> -> memref<10112x16xf32, #tpu.memory_space<hbm>>
        %dma_start3A_193 = arith.constant 0 : i32
        %dma_start3A_194 = arith.constant 0 : i32
        %dma_start3A_195 = tpu.memref_slice %dma_start3A_192[%dma_start3A_193, %dma_start3A_194] : memref<10112x16xf32, #tpu.memory_space<hbm>> -> memref<10112x16xf32, #tpu.memory_space<hbm>>
        tpu.enqueue_indirect_dma source(%dma_start3A_195 : memref<10112x16xf32, #tpu.memory_space<hbm>>) target(%arg14 : memref<128x16xf32, #tpu.memory_space<vmem>>) offsets(%arg10 : memref<128xi32, #tpu.memory_space<vmem>>) semaphore(%arg20 : memref<!tpu.dma_semaphore, #tpu.memory_space<semaphore_mem>>)
      } else {
      }
      "tpu.region"() ({
        %run_scoped3A = tpu.sem_alloc : memref<!tpu.dma_semaphore, #tpu.memory_space<semaphore_mem>>
        %dma_start3A_189 = arith.constant 0 : i32
        %dma_start3A_190 = arith.constant 0 : i32
        %dma_start3A_191 = tpu.memref_slice %arg15[%dma_start3A_189, %dma_start3A_190] : memref<10112x144xf32, #tpu.memory_space<vmem_shared>> -> memref<10112x144xf32, #tpu.memory_space<vmem_shared>>
        tpu.enqueue_indirect_dma source(%arg13 : memref<128x144xf32, #tpu.memory_space<vmem>>) target(%dma_start3A_191 : memref<10112x144xf32, #tpu.memory_space<vmem_shared>>) offsets(%arg11 : memref<128xi32, #tpu.memory_space<vmem>>) semaphore(%run_scoped3A : memref<!tpu.dma_semaphore, #tpu.memory_space<semaphore_mem>>) {add = true}
        %dma_wait3A_192 = arith.constant 0 : i32
        %dma_wait3A_193 = arith.constant 0 : i32
        %dma_wait3A_194 = tpu.memref_slice %arg15[%dma_wait3A_192, %dma_wait3A_193] : memref<10112x144xf32, #tpu.memory_space<vmem_shared>> -> memref<10112x144xf32, #tpu.memory_space<vmem_shared>>
        tpu.wait_indirect_dma semaphore(%run_scoped3A : memref<!tpu.dma_semaphore, #tpu.memory_space<semaphore_mem>>) src(%arg13 : memref<128x144xf32, #tpu.memory_space<vmem>>) dst(%dma_wait3A_194 : memref<10112x144xf32, #tpu.memory_space<vmem_shared>>)
        tpu.yield
      }) : () -> ()
      %add3A_182 = arith.constant 2 : i32
      %add3A_183 = arith.addi %add3A_150, %add3A_182 : i32
      %lt3A_184 = arith.constant 160 : i32
      %lt3A_185 = arith.cmpi slt, %add3A_183, %lt3A_184 : i32
      %convert_element_type3A_186 = arith.extui %lt3A_185 : i1 to i32
      %cond3A_187 = arith.constant 0 : i32
      %cond3A_188 = arith.cmpi ne, %convert_element_type3A_186, %cond3A_187 : i32
      scf.if %cond3A_188 {
        %add3A_189 = arith.constant 2 : i32
        %add3A_190 = arith.addi %add3A_150, %add3A_189 : i32
        %dma_start3A_191 = arith.constant 0 : i32
        %dma_start3A_192 = arith.constant 0 : i32
        %dma_start3A_193 = tpu.memref_slice %arg4[%arg1, %dma_start3A_191, %dma_start3A_192] : memref<16x160x128xi32, #tpu.memory_space<hbm>> -> memref<1x160x128xi32, #tpu.memory_space<hbm>>
        %dma_start3A_194 = tpu.memref_squeeze %dma_start3A_193 : memref<1x160x128xi32, #tpu.memory_space<hbm>> -> memref<160x128xi32, #tpu.memory_space<hbm>>
        %dma_start3A_195 = arith.constant 0 : i32
        %dma_start3A_196 = tpu.memref_slice %dma_start3A_194[%add3A_190, %dma_start3A_195] : memref<160x128xi32, #tpu.memory_space<hbm>> -> memref<1x128xi32, #tpu.memory_space<hbm>>
        %dma_start3A_197 = tpu.memref_squeeze %dma_start3A_196 : memref<1x128xi32, #tpu.memory_space<hbm>> -> memref<128xi32, #tpu.memory_space<hbm>>
        %dma_start3A_198 = arith.constant 0 : i32
        %dma_start3A_199 = arith.constant 0 : i32
        %dma_start3A_200 = tpu.memref_slice %arg4[%arg1, %dma_start3A_198, %dma_start3A_199] : memref<16x160x128xi32, #tpu.memory_space<hbm>> -> memref<1x160x128xi32, #tpu.memory_space<hbm>>
        %dma_start3A_201 = tpu.memref_squeeze %dma_start3A_200 : memref<1x160x128xi32, #tpu.memory_space<hbm>> -> memref<160x128xi32, #tpu.memory_space<hbm>>
        %dma_start3A_202 = arith.constant 0 : i32
        %dma_start3A_203 = tpu.memref_slice %dma_start3A_201[%add3A_190, %dma_start3A_202] : memref<160x128xi32, #tpu.memory_space<hbm>> -> memref<1x128xi32, #tpu.memory_space<hbm>>
        %dma_start3A_204 = tpu.memref_squeeze %dma_start3A_203 : memref<1x128xi32, #tpu.memory_space<hbm>> -> memref<128xi32, #tpu.memory_space<hbm>>
        tpu.enqueue_dma source(%dma_start3A_204 : memref<128xi32, #tpu.memory_space<hbm>>) target(%arg9 : memref<128xi32, #tpu.memory_space<vmem>>) target_semaphore(%arg17 : memref<!tpu.dma_semaphore, #tpu.memory_space<semaphore_mem>>)
        %dma_start3A_205 = arith.constant 0 : i32
        %dma_start3A_206 = arith.constant 0 : i32
        %dma_start3A_207 = tpu.memref_slice %arg5[%arg1, %dma_start3A_205, %dma_start3A_206] : memref<16x160x128xi32, #tpu.memory_space<hbm>> -> memref<1x160x128xi32, #tpu.memory_space<hbm>>
        %dma_start3A_208 = tpu.memref_squeeze %dma_start3A_207 : memref<1x160x128xi32, #tpu.memory_space<hbm>> -> memref<160x128xi32, #tpu.memory_space<hbm>>
        %dma_start3A_209 = arith.constant 0 : i32
        %dma_start3A_210 = tpu.memref_slice %dma_start3A_208[%add3A_190, %dma_start3A_209] : memref<160x128xi32, #tpu.memory_space<hbm>> -> memref<1x128xi32, #tpu.memory_space<hbm>>
        %dma_start3A_211 = tpu.memref_squeeze %dma_start3A_210 : memref<1x128xi32, #tpu.memory_space<hbm>> -> memref<128xi32, #tpu.memory_space<hbm>>
        %dma_start3A_212 = arith.constant 0 : i32
        %dma_start3A_213 = arith.constant 0 : i32
        %dma_start3A_214 = tpu.memref_slice %arg5[%arg1, %dma_start3A_212, %dma_start3A_213] : memref<16x160x128xi32, #tpu.memory_space<hbm>> -> memref<1x160x128xi32, #tpu.memory_space<hbm>>
        %dma_start3A_215 = tpu.memref_squeeze %dma_start3A_214 : memref<1x160x128xi32, #tpu.memory_space<hbm>> -> memref<160x128xi32, #tpu.memory_space<hbm>>
        %dma_start3A_216 = arith.constant 0 : i32
        %dma_start3A_217 = tpu.memref_slice %dma_start3A_215[%add3A_190, %dma_start3A_216] : memref<160x128xi32, #tpu.memory_space<hbm>> -> memref<1x128xi32, #tpu.memory_space<hbm>>
        %dma_start3A_218 = tpu.memref_squeeze %dma_start3A_217 : memref<1x128xi32, #tpu.memory_space<hbm>> -> memref<128xi32, #tpu.memory_space<hbm>>
        tpu.enqueue_dma source(%dma_start3A_218 : memref<128xi32, #tpu.memory_space<hbm>>) target(%arg11 : memref<128xi32, #tpu.memory_space<vmem>>) target_semaphore(%arg17 : memref<!tpu.dma_semaphore, #tpu.memory_space<semaphore_mem>>)
      } else {
      }
    }
    %scan3A_107 = arith.constant 80 : i32
    %barrier3A_108 = arith.constant 0 : index
    tpu.barrier barrier_id(%barrier3A_108)
    "tpu.region"() ({
      %run_scoped3A = tpu.sem_alloc : memref<!tpu.dma_semaphore, #tpu.memory_space<semaphore_mem>>
      %dma_start3A_109 = arith.constant 0 : i32
      %dma_start3A_110 = arith.constant 0 : i32
      %dma_start3A_111 = tpu.memref_slice %arg7[%arg0, %dma_start3A_109, %dma_start3A_110] : memref<2x10112x144xf32, #tpu.memory_space<hbm>> -> memref<1x10112x144xf32, #tpu.memory_space<hbm>>
      %dma_start3A_112 = tpu.memref_squeeze %dma_start3A_111 : memref<1x10112x144xf32, #tpu.memory_space<hbm>> -> memref<10112x144xf32, #tpu.memory_space<hbm>>
      %dma_start3A_113 = arith.constant 0 : i32
      %dma_start3A_114 = tpu.memref_slice %dma_start3A_112[%mul3A_0, %dma_start3A_113] : memref<10112x144xf32, #tpu.memory_space<hbm>> -> memref<632x144xf32, #tpu.memory_space<hbm>>
      %dma_start3A_115 = arith.constant 0 : i32
      %dma_start3A_116 = tpu.memref_slice %arg15[%mul3A_0, %dma_start3A_115] : memref<10112x144xf32, #tpu.memory_space<vmem_shared>> -> memref<632x144xf32, #tpu.memory_space<vmem_shared>>
      tpu.enqueue_dma source(%dma_start3A_116 : memref<632x144xf32, #tpu.memory_space<vmem_shared>>) target(%dma_start3A_114 : memref<632x144xf32, #tpu.memory_space<hbm>>) target_semaphore(%run_scoped3A : memref<!tpu.dma_semaphore, #tpu.memory_space<semaphore_mem>>)
      %dma_wait3A_117 = arith.constant 0 : i32
      %dma_wait3A_118 = arith.constant 0 : i32
      %dma_wait3A_119 = tpu.memref_slice %arg7[%arg0, %dma_wait3A_117, %dma_wait3A_118] : memref<2x10112x144xf32, #tpu.memory_space<hbm>> -> memref<1x10112x144xf32, #tpu.memory_space<hbm>>
      %dma_wait3A_120 = tpu.memref_squeeze %dma_wait3A_119 : memref<1x10112x144xf32, #tpu.memory_space<hbm>> -> memref<10112x144xf32, #tpu.memory_space<hbm>>
      %dma_wait3A_121 = arith.constant 0 : i32
      %dma_wait3A_122 = tpu.memref_slice %dma_wait3A_120[%mul3A_0, %dma_wait3A_121] : memref<10112x144xf32, #tpu.memory_space<hbm>> -> memref<632x144xf32, #tpu.memory_space<hbm>>
      %dma_wait3A_123 = arith.constant 0 : i32
      %dma_wait3A_124 = tpu.memref_slice %arg15[%mul3A_0, %dma_wait3A_123] : memref<10112x144xf32, #tpu.memory_space<vmem_shared>> -> memref<632x144xf32, #tpu.memory_space<vmem_shared>>
      tpu.wait_dma2 semaphore(%run_scoped3A : memref<!tpu.dma_semaphore, #tpu.memory_space<semaphore_mem>>) src(%dma_wait3A_124 : memref<632x144xf32, #tpu.memory_space<vmem_shared>>) dst(%dma_wait3A_122 : memref<632x144xf32, #tpu.memory_space<hbm>>)
      tpu.yield
    }) : () -> ()
    return
  }
}

module attributes {stable_mosaic.version = 14 : i64} {
  func.func @_tc1_body(%arg0: i32, %arg1: memref<2000x128xf32, #tpu.memory_space<vmem>>, %arg2: memref<128x256xf32, #tpu.memory_space<vmem>>, %arg3: memref<256x64xf32, #tpu.memory_space<vmem>>, %arg4: memref<2x2000x144xf32, #tpu.memory_space<vmem>>, %arg5: memref<2x2000x16xf32, #tpu.memory_space<vmem>>) attributes {dimension_semantics = [#tpu.dimension_semantics<arbitrary>], iteration_bounds = array<i64: 5>, scalar_prefetch = 0 : i64, scratch_operands = 0 : i64, tpu.core_type = #tpu.core_type<tc>, window_params = [{transform_indices = @transform_0, window_bounds = array<i64: 2000, 128>}, {pipeline_mode = #tpu.pipeline_mode<synchronous>, transform_indices = @transform_1, window_bounds = array<i64: 128, 256>}, {pipeline_mode = #tpu.pipeline_mode<synchronous>, transform_indices = @transform_2, window_bounds = array<i64: 256, 64>}, {transform_indices = @transform_3, window_bounds = array<i64: 2, 2000, 144>}, {transform_indices = @transform_4, window_bounds = array<i64: 2, 2000, 16>}]} {
    %get3A = arith.constant 0 : index
    %get3A_0 = arith.constant 0 : index
    %get3A_1 = vector.load %arg1[%get3A, %get3A_0] : memref<2000x128xf32, #tpu.memory_space<vmem>>, vector<2000x128xf32>
    %get3A_2 = arith.constant 0 : index
    %get3A_3 = arith.constant 0 : index
    %get3A_4 = vector.load %arg2[%get3A_2, %get3A_3] : memref<128x256xf32, #tpu.memory_space<vmem>>, vector<128x256xf32>
    %dot_general3A = arith.constant dense<0.000000e+00> : vector<2000x256xf32>
    %dot_general3A_5 = tpu.matmul %get3A_1, %get3A_4, %dot_general3A {dimension_numbers = #tpu.dot_dimension_numbers<[1], [0], [0], [1], [0, 0, 1, 1], [], []>, transpose_lhs_hint = false} : vector<2000x128xf32>, vector<128x256xf32>, vector<2000x256xf32> -> vector<2000x256xf32>
    %get3A_6 = arith.constant 0 : index
    %get3A_7 = arith.constant 0 : index
    %get3A_8 = vector.load %arg3[%get3A_6, %get3A_7] : memref<256x64xf32, #tpu.memory_space<vmem>>, vector<256x64xf32>
    %dot_general3A_9 = arith.constant dense<0.000000e+00> : vector<2000x64xf32>
    %dot_general3A_10 = tpu.matmul %dot_general3A_5, %get3A_8, %dot_general3A_9 {dimension_numbers = #tpu.dot_dimension_numbers<[1], [0], [0], [1], [0, 0, 1, 1], [], []>, transpose_lhs_hint = false} : vector<2000x256xf32>, vector<256x64xf32>, vector<2000x64xf32> -> vector<2000x64xf32>
    %slice3A = vector.extract_strided_slice %dot_general3A_5 {offsets = [0, 0], sizes = [2000, 128], strides = [1, 1]} : vector<2000x256xf32> to vector<2000x128xf32>
    %slice3A_11 = vector.extract_strided_slice %dot_general3A_10 {offsets = [0, 0], sizes = [2000, 16], strides = [1, 1]} : vector<2000x64xf32> to vector<2000x16xf32>
    %concatenate3A = tpu.concatenate %slice3A, %slice3A_11 in 1 : vector<2000x128xf32>, vector<2000x16xf32> -> vector<2000x144xf32>
    %swap3A = arith.constant 0 : index
    %swap3A_12 = arith.constant 0 : index
    %swap3A_13 = arith.constant 0 : index
    %swap3A_14 = vector.load %arg4[%swap3A, %swap3A_12, %swap3A_13] : memref<2x2000x144xf32, #tpu.memory_space<vmem>>, vector<1x2000x144xf32>
    %swap3A_15 = vector.shape_cast %swap3A_14 : vector<1x2000x144xf32> to vector<2000x144xf32>
    %swap3A_16 = vector.shape_cast %concatenate3A : vector<2000x144xf32> to vector<1x2000x144xf32>
    tpu.vector_store %arg4[%swap3A, %swap3A_12, %swap3A_13], %swap3A_16 {strides = array<i32>} : memref<2x2000x144xf32, #tpu.memory_space<vmem>>, vector<1x2000x144xf32>,
    %slice3A_17 = vector.extract_strided_slice %dot_general3A_5 {offsets = [0, 128], sizes = [2000, 128], strides = [1, 1]} : vector<2000x256xf32> to vector<2000x128xf32>
    %slice3A_18 = vector.extract_strided_slice %dot_general3A_10 {offsets = [0, 16], sizes = [2000, 16], strides = [1, 1]} : vector<2000x64xf32> to vector<2000x16xf32>
    %concatenate3A_19 = tpu.concatenate %slice3A_17, %slice3A_18 in 1 : vector<2000x128xf32>, vector<2000x16xf32> -> vector<2000x144xf32>
    %swap3A_20 = arith.constant 1 : index
    %swap3A_21 = arith.constant 0 : index
    %swap3A_22 = arith.constant 0 : index
    %swap3A_23 = vector.load %arg4[%swap3A_20, %swap3A_21, %swap3A_22] : memref<2x2000x144xf32, #tpu.memory_space<vmem>>, vector<1x2000x144xf32>
    %swap3A_24 = vector.shape_cast %swap3A_23 : vector<1x2000x144xf32> to vector<2000x144xf32>
    %swap3A_25 = vector.shape_cast %concatenate3A_19 : vector<2000x144xf32> to vector<1x2000x144xf32>
    tpu.vector_store %arg4[%swap3A_20, %swap3A_21, %swap3A_22], %swap3A_25 {strides = array<i32>} : memref<2x2000x144xf32, #tpu.memory_space<vmem>>, vector<1x2000x144xf32>,
    %slice3A_26 = vector.extract_strided_slice %dot_general3A_10 {offsets = [0, 32], sizes = [2000, 16], strides = [1, 1]} : vector<2000x64xf32> to vector<2000x16xf32>
    %swap3A_27 = arith.constant 0 : index
    %swap3A_28 = arith.constant 0 : index
    %swap3A_29 = arith.constant 0 : index
    %swap3A_30 = vector.load %arg5[%swap3A_27, %swap3A_28, %swap3A_29] : memref<2x2000x16xf32, #tpu.memory_space<vmem>>, vector<1x2000x16xf32>
    %swap3A_31 = vector.shape_cast %swap3A_30 : vector<1x2000x16xf32> to vector<2000x16xf32>
    %swap3A_32 = vector.shape_cast %slice3A_26 : vector<2000x16xf32> to vector<1x2000x16xf32>
    tpu.vector_store %arg5[%swap3A_27, %swap3A_28, %swap3A_29], %swap3A_32 {strides = array<i32>} : memref<2x2000x16xf32, #tpu.memory_space<vmem>>, vector<1x2000x16xf32>,
    %slice3A_33 = vector.extract_strided_slice %dot_general3A_10 {offsets = [0, 48], sizes = [2000, 16], strides = [1, 1]} : vector<2000x64xf32> to vector<2000x16xf32>
    %swap3A_34 = arith.constant 1 : index
    %swap3A_35 = arith.constant 0 : index
    %swap3A_36 = arith.constant 0 : index
    %swap3A_37 = vector.load %arg5[%swap3A_34, %swap3A_35, %swap3A_36] : memref<2x2000x16xf32, #tpu.memory_space<vmem>>, vector<1x2000x16xf32>
    %swap3A_38 = vector.shape_cast %swap3A_37 : vector<1x2000x16xf32> to vector<2000x16xf32>
    %swap3A_39 = vector.shape_cast %slice3A_33 : vector<2000x16xf32> to vector<1x2000x16xf32>
    tpu.vector_store %arg5[%swap3A_34, %swap3A_35, %swap3A_36], %swap3A_39 {strides = array<i32>} : memref<2x2000x16xf32, #tpu.memory_space<vmem>>, vector<1x2000x16xf32>,
    return
  }
  func.func @transform_0(%arg0: i32) -> (i32, i32) {
    %c0_i32 = arith.constant 0 : i32
    %c0_i32_0 = arith.constant 0 : i32
    return %arg0, %c0_i32 : i32, i32
  }
  func.func @transform_1(%arg0: i32) -> (i32, i32) {
    %c0_i32 = arith.constant 0 : i32
    %c0_i32_0 = arith.constant 0 : i32
    %c0_i32_1 = arith.constant 0 : i32
    return %c0_i32, %c0_i32_0 : i32, i32
  }
  func.func @transform_2(%arg0: i32) -> (i32, i32) {
    %c0_i32 = arith.constant 0 : i32
    %c0_i32_0 = arith.constant 0 : i32
    %c0_i32_1 = arith.constant 0 : i32
    return %c0_i32, %c0_i32_0 : i32, i32
  }
  func.func @transform_3(%arg0: i32) -> (i32, i32, i32) {
    %c0_i32 = arith.constant 0 : i32
    %c0_i32_0 = arith.constant 0 : i32
    %c0_i32_1 = arith.constant 0 : i32
    return %c0_i32, %arg0, %c0_i32_0 : i32, i32, i32
  }
  func.func @transform_4(%arg0: i32) -> (i32, i32, i32) {
    %c0_i32 = arith.constant 0 : i32
    %c0_i32_0 = arith.constant 0 : i32
    %c0_i32_1 = arith.constant 0 : i32
    return %c0_i32, %arg0, %c0_i32_0 : i32, i32, i32
  }
}

module attributes {stable_mosaic.version = 14 : i64} {
  func.func @_tc2a_body(%arg0: i32, %arg1: memref<2x2000x144xf32, #tpu.memory_space<vmem>>, %arg2: memref<1x256xf32, #tpu.memory_space<vmem>>, %arg3: memref<2000x256xf32, #tpu.memory_space<vmem>>, %arg4: memref<8x256xf32, #tpu.memory_space<vmem>>) attributes {dimension_semantics = [#tpu.dimension_semantics<arbitrary>], iteration_bounds = array<i64: 5>, scalar_prefetch = 0 : i64, scratch_operands = 0 : i64, tpu.core_type = #tpu.core_type<tc>, window_params = [{transform_indices = @transform_0, window_bounds = array<i64: 2, 2000, 144>}, {pipeline_mode = #tpu.pipeline_mode<synchronous>, transform_indices = @transform_1, window_bounds = array<i64: 1, 256>}, {transform_indices = @transform_2, window_bounds = array<i64: 2000, 256>}, {pipeline_mode = #tpu.pipeline_mode<synchronous>, transform_indices = @transform_3, window_bounds = array<i64: 8, 256>}]} {
    %get3A = arith.constant 0 : index
    %get3A_0 = arith.constant 0 : index
    %get3A_1 = arith.constant 0 : index
    %get3A_2 = vector.load %arg1[%get3A, %get3A_0, %get3A_1] : memref<2x2000x144xf32, #tpu.memory_space<vmem>>, vector<1x2000x144xf32>
    %get3A_3 = vector.shape_cast %get3A_2 : vector<1x2000x144xf32> to vector<2000x144xf32>
    %slice3A = vector.extract_strided_slice %get3A_3 {offsets = [0, 0], sizes = [2000, 128], strides = [1, 1]} : vector<2000x144xf32> to vector<2000x128xf32>
    %slice3A_4 = vector.extract_strided_slice %get3A_3 {offsets = [0, 128], sizes = [2000, 4], strides = [1, 1]} : vector<2000x144xf32> to vector<2000x4xf32>
    %slice3A_5 = vector.extract_strided_slice %slice3A_4 {offsets = [0, 0], sizes = [2000, 1], strides = [1, 1]} : vector<2000x4xf32> to vector<2000x1xf32>
    %broadcast_in_dim3A = vector.shape_cast %slice3A_5 : vector<2000x1xf32> to vector<2000x1xf32>
    %broadcast_in_dim3A_6 = vector.broadcast %broadcast_in_dim3A : vector<2000x1xf32> to vector<2000x32xf32>
    %slice3A_7 = vector.extract_strided_slice %slice3A_4 {offsets = [0, 1], sizes = [2000, 1], strides = [1, 1]} : vector<2000x4xf32> to vector<2000x1xf32>
    %broadcast_in_dim3A_8 = vector.shape_cast %slice3A_7 : vector<2000x1xf32> to vector<2000x1xf32>
    %broadcast_in_dim3A_9 = vector.broadcast %broadcast_in_dim3A_8 : vector<2000x1xf32> to vector<2000x32xf32>
    %slice3A_10 = vector.extract_strided_slice %slice3A_4 {offsets = [0, 2], sizes = [2000, 1], strides = [1, 1]} : vector<2000x4xf32> to vector<2000x1xf32>
    %broadcast_in_dim3A_11 = vector.shape_cast %slice3A_10 : vector<2000x1xf32> to vector<2000x1xf32>
    %broadcast_in_dim3A_12 = vector.broadcast %broadcast_in_dim3A_11 : vector<2000x1xf32> to vector<2000x32xf32>
    %slice3A_13 = vector.extract_strided_slice %slice3A_4 {offsets = [0, 3], sizes = [2000, 1], strides = [1, 1]} : vector<2000x4xf32> to vector<2000x1xf32>
    %broadcast_in_dim3A_14 = vector.shape_cast %slice3A_13 : vector<2000x1xf32> to vector<2000x1xf32>
    %broadcast_in_dim3A_15 = vector.broadcast %broadcast_in_dim3A_14 : vector<2000x1xf32> to vector<2000x32xf32>
    %concatenate3A = tpu.concatenate %broadcast_in_dim3A_6, %broadcast_in_dim3A_9, %broadcast_in_dim3A_12, %broadcast_in_dim3A_15 in 1 : vector<2000x32xf32>, vector<2000x32xf32>, vector<2000x32xf32>, vector<2000x32xf32> -> vector<2000x128xf32>
    %add3A = arith.constant 1.000000e-16 : f32
    %add3A_16 = vector.broadcast %add3A : f32 to vector<2000x128xf32>
    %add3A_17 = arith.addf %concatenate3A, %add3A_16 : vector<2000x128xf32>
    %div3A = arith.divf %slice3A, %add3A_17 : vector<2000x128xf32>
    %get3A_18 = arith.constant 1 : index
    %get3A_19 = arith.constant 0 : index
    %get3A_20 = arith.constant 0 : index
    %get3A_21 = vector.load %arg1[%get3A_18, %get3A_19, %get3A_20] : memref<2x2000x144xf32, #tpu.memory_space<vmem>>, vector<1x2000x144xf32>
    %get3A_22 = vector.shape_cast %get3A_21 : vector<1x2000x144xf32> to vector<2000x144xf32>
    %slice3A_23 = vector.extract_strided_slice %get3A_22 {offsets = [0, 0], sizes = [2000, 128], strides = [1, 1]} : vector<2000x144xf32> to vector<2000x128xf32>
    %slice3A_24 = vector.extract_strided_slice %get3A_22 {offsets = [0, 128], sizes = [2000, 4], strides = [1, 1]} : vector<2000x144xf32> to vector<2000x4xf32>
    %slice3A_25 = vector.extract_strided_slice %slice3A_24 {offsets = [0, 0], sizes = [2000, 1], strides = [1, 1]} : vector<2000x4xf32> to vector<2000x1xf32>
    %broadcast_in_dim3A_26 = vector.shape_cast %slice3A_25 : vector<2000x1xf32> to vector<2000x1xf32>
    %broadcast_in_dim3A_27 = vector.broadcast %broadcast_in_dim3A_26 : vector<2000x1xf32> to vector<2000x32xf32>
    %slice3A_28 = vector.extract_strided_slice %slice3A_24 {offsets = [0, 1], sizes = [2000, 1], strides = [1, 1]} : vector<2000x4xf32> to vector<2000x1xf32>
    %broadcast_in_dim3A_29 = vector.shape_cast %slice3A_28 : vector<2000x1xf32> to vector<2000x1xf32>
    %broadcast_in_dim3A_30 = vector.broadcast %broadcast_in_dim3A_29 : vector<2000x1xf32> to vector<2000x32xf32>
    %slice3A_31 = vector.extract_strided_slice %slice3A_24 {offsets = [0, 2], sizes = [2000, 1], strides = [1, 1]} : vector<2000x4xf32> to vector<2000x1xf32>
    %broadcast_in_dim3A_32 = vector.shape_cast %slice3A_31 : vector<2000x1xf32> to vector<2000x1xf32>
    %broadcast_in_dim3A_33 = vector.broadcast %broadcast_in_dim3A_32 : vector<2000x1xf32> to vector<2000x32xf32>
    %slice3A_34 = vector.extract_strided_slice %slice3A_24 {offsets = [0, 3], sizes = [2000, 1], strides = [1, 1]} : vector<2000x4xf32> to vector<2000x1xf32>
    %broadcast_in_dim3A_35 = vector.shape_cast %slice3A_34 : vector<2000x1xf32> to vector<2000x1xf32>
    %broadcast_in_dim3A_36 = vector.broadcast %broadcast_in_dim3A_35 : vector<2000x1xf32> to vector<2000x32xf32>
    %concatenate3A_37 = tpu.concatenate %broadcast_in_dim3A_27, %broadcast_in_dim3A_30, %broadcast_in_dim3A_33, %broadcast_in_dim3A_36 in 1 : vector<2000x32xf32>, vector<2000x32xf32>, vector<2000x32xf32>, vector<2000x32xf32> -> vector<2000x128xf32>
    %add3A_38 = arith.constant 1.000000e-16 : f32
    %add3A_39 = vector.broadcast %add3A_38 : f32 to vector<2000x128xf32>
    %add3A_40 = arith.addf %concatenate3A_37, %add3A_39 : vector<2000x128xf32>
    %div3A_41 = arith.divf %slice3A_23, %add3A_40 : vector<2000x128xf32>
    %concatenate3A_42 = tpu.concatenate %div3A, %div3A_41 in 1 : vector<2000x128xf32>, vector<2000x128xf32> -> vector<2000x256xf32>
    %get3A_43 = arith.constant 0 : index
    %get3A_44 = arith.constant 0 : index
    %get3A_45 = vector.load %arg2[%get3A_43, %get3A_44] : memref<1x256xf32, #tpu.memory_space<vmem>>, vector<1x256xf32>
    %add3A_46 = vector.broadcast %get3A_45 : vector<1x256xf32> to vector<2000x256xf32>
    %add3A_47 = arith.addf %concatenate3A_42, %add3A_46 : vector<2000x256xf32>
    %swap3A = arith.constant 0 : index
    %swap3A_48 = arith.constant 0 : index
    %swap3A_49 = vector.load %arg3[%swap3A, %swap3A_48] : memref<2000x256xf32, #tpu.memory_space<vmem>>, vector<2000x256xf32>
    tpu.vector_store %arg3[%swap3A, %swap3A_48], %add3A_47 {strides = array<i32>} : memref<2000x256xf32, #tpu.memory_space<vmem>>, vector<2000x256xf32>,
    %reduce_sum3A = arith.constant dense<0.000000e+00> : vector<256xf32>
    %reduce_sum3A_50 = vector.multi_reduction <add>, %add3A_47, %reduce_sum3A [0] : vector<2000x256xf32> to vector<256xf32>
    %broadcast_in_dim3A_51 = vector.shape_cast %reduce_sum3A_50 : vector<256xf32> to vector<1x256xf32>
    %mul3A = arith.mulf %add3A_47, %add3A_47 : vector<2000x256xf32>
    %reduce_sum3A_52 = arith.constant dense<0.000000e+00> : vector<256xf32>
    %reduce_sum3A_53 = vector.multi_reduction <add>, %mul3A, %reduce_sum3A_52 [0] : vector<2000x256xf32> to vector<256xf32>
    %broadcast_in_dim3A_54 = vector.shape_cast %reduce_sum3A_53 : vector<256xf32> to vector<1x256xf32>
    %broadcast_in_dim3A_55 = arith.constant 0.000000e+00 : f32
    %broadcast_in_dim3A_56 = vector.broadcast %broadcast_in_dim3A_55 : f32 to vector<6x256xf32>
    %concatenate3A_57 = tpu.concatenate %broadcast_in_dim3A_51, %broadcast_in_dim3A_54, %broadcast_in_dim3A_56 in 0 : vector<1x256xf32>, vector<1x256xf32>, vector<6x256xf32> -> vector<8x256xf32>
    %eq3A = arith.constant 0 : i32
    %eq3A_58 = arith.cmpi eq, %arg0, %eq3A : i32
    %convert_element_type3A = arith.extui %eq3A_58 : i1 to i32
    %cond3A = arith.constant 0 : i32
    %cond3A_59 = arith.cmpi ne, %convert_element_type3A, %cond3A : i32
    scf.if %cond3A_59 {
      %broadcast_in_dim3A_67 = arith.constant 0.000000e+00 : f32
      %broadcast_in_dim3A_68 = vector.broadcast %broadcast_in_dim3A_67 : f32 to vector<8x256xf32>
      %swap3A_69 = arith.constant 0 : index
      %swap3A_70 = arith.constant 0 : index
      %swap3A_71 = vector.load %arg4[%swap3A_69, %swap3A_70] : memref<8x256xf32, #tpu.memory_space<vmem>>, vector<8x256xf32>
      tpu.vector_store %arg4[%swap3A_69, %swap3A_70], %broadcast_in_dim3A_68 {strides = array<i32>} : memref<8x256xf32, #tpu.memory_space<vmem>>, vector<8x256xf32>,
    } else {
    }
    %get3A_60 = arith.constant 0 : index
    %get3A_61 = arith.constant 0 : index
    %get3A_62 = vector.load %arg4[%get3A_60, %get3A_61] : memref<8x256xf32, #tpu.memory_space<vmem>>, vector<8x256xf32>
    %add3A_63 = arith.addf %get3A_62, %concatenate3A_57 : vector<8x256xf32>
    %swap3A_64 = arith.constant 0 : index
    %swap3A_65 = arith.constant 0 : index
    %swap3A_66 = vector.load %arg4[%swap3A_64, %swap3A_65] : memref<8x256xf32, #tpu.memory_space<vmem>>, vector<8x256xf32>
    tpu.vector_store %arg4[%swap3A_64, %swap3A_65], %add3A_63 {strides = array<i32>} : memref<8x256xf32, #tpu.memory_space<vmem>>, vector<8x256xf32>,
    return
  }
  func.func @transform_0(%arg0: i32) -> (i32, i32, i32) {
    %c0_i32 = arith.constant 0 : i32
    %c0_i32_0 = arith.constant 0 : i32
    %c0_i32_1 = arith.constant 0 : i32
    return %c0_i32, %arg0, %c0_i32_0 : i32, i32, i32
  }
  func.func @transform_1(%arg0: i32) -> (i32, i32) {
    %c0_i32 = arith.constant 0 : i32
    %c0_i32_0 = arith.constant 0 : i32
    %c0_i32_1 = arith.constant 0 : i32
    return %c0_i32, %c0_i32_0 : i32, i32
  }
  func.func @transform_2(%arg0: i32) -> (i32, i32) {
    %c0_i32 = arith.constant 0 : i32
    %c0_i32_0 = arith.constant 0 : i32
    return %arg0, %c0_i32 : i32, i32
  }
  func.func @transform_3(%arg0: i32) -> (i32, i32) {
    %c0_i32 = arith.constant 0 : i32
    %c0_i32_0 = arith.constant 0 : i32
    %c0_i32_1 = arith.constant 0 : i32
    return %c0_i32, %c0_i32_0 : i32, i32
  }
}

module attributes {stable_mosaic.version = 14 : i64} {
  func.func @_tc2b_body(%arg0: i32, %arg1: memref<2000x256xf32, #tpu.memory_space<vmem>>, %arg2: memref<8x256xf32, #tpu.memory_space<vmem>>, %arg3: memref<1x256xf32, #tpu.memory_space<vmem>>, %arg4: memref<1x256xf32, #tpu.memory_space<vmem>>, %arg5: memref<256x64xf32, #tpu.memory_space<vmem>>, %arg6: memref<256x16xf32, #tpu.memory_space<vmem>>, %arg7: memref<2000x64xf32, #tpu.memory_space<vmem>>, %arg8: memref<2000x16xf32, #tpu.memory_space<vmem>>) attributes {dimension_semantics = [#tpu.dimension_semantics<arbitrary>], iteration_bounds = array<i64: 5>, scalar_prefetch = 0 : i64, scratch_operands = 0 : i64, tpu.core_type = #tpu.core_type<tc>, window_params = [{transform_indices = @transform_0, window_bounds = array<i64: 2000, 256>}, {pipeline_mode = #tpu.pipeline_mode<synchronous>, transform_indices = @transform_1, window_bounds = array<i64: 8, 256>}, {pipeline_mode = #tpu.pipeline_mode<synchronous>, transform_indices = @transform_2, window_bounds = array<i64: 1, 256>}, {pipeline_mode = #tpu.pipeline_mode<synchronous>, transform_indices = @transform_3, window_bounds = array<i64: 1, 256>}, {pipeline_mode = #tpu.pipeline_mode<synchronous>, transform_indices = @transform_4, window_bounds = array<i64: 256, 64>}, {pipeline_mode = #tpu.pipeline_mode<synchronous>, transform_indices = @transform_5, window_bounds = array<i64: 256, 16>}, {transform_indices = @transform_6, window_bounds = array<i64: 2000, 64>}, {transform_indices = @transform_7, window_bounds = array<i64: 2000, 16>}]} {
    %get3A = arith.constant 0 : index
    %get3A_0 = arith.constant 0 : index
    %get3A_1 = vector.load %arg2[%get3A, %get3A_0] : memref<8x256xf32, #tpu.memory_space<vmem>>, vector<1x256xf32>
    %mul3A = arith.constant 9.99999974E-5 : f32
    %mul3A_2 = vector.broadcast %mul3A : f32 to vector<1x256xf32>
    %mul3A_3 = arith.mulf %get3A_1, %mul3A_2 : vector<1x256xf32>
    %get3A_4 = arith.constant 1 : index
    %get3A_5 = arith.constant 0 : index
    %get3A_6 = vector.load %arg2[%get3A_4, %get3A_5] : memref<8x256xf32, #tpu.memory_space<vmem>>, vector<1x256xf32>
    %mul3A_7 = arith.constant 9.99999974E-5 : f32
    %mul3A_8 = vector.broadcast %mul3A_7 : f32 to vector<1x256xf32>
    %mul3A_9 = arith.mulf %get3A_6, %mul3A_8 : vector<1x256xf32>
    %mul3A_10 = arith.mulf %mul3A_3, %mul3A_3 : vector<1x256xf32>
    %sub3A = arith.subf %mul3A_9, %mul3A_10 : vector<1x256xf32>
    %get3A_11 = arith.constant 0 : index
    %get3A_12 = arith.constant 0 : index
    %get3A_13 = vector.load %arg1[%get3A_11, %get3A_12] : memref<2000x256xf32, #tpu.memory_space<vmem>>, vector<2000x256xf32>
    %sub3A_14 = vector.broadcast %mul3A_3 : vector<1x256xf32> to vector<2000x256xf32>
    %sub3A_15 = arith.subf %get3A_13, %sub3A_14 : vector<2000x256xf32>
    %add3A = arith.constant 9.99999974E-6 : f32
    %add3A_16 = vector.broadcast %add3A : f32 to vector<1x256xf32>
    %add3A_17 = arith.addf %sub3A, %add3A_16 : vector<1x256xf32>
    %rsqrt3A = math.rsqrt %add3A_17 : vector<1x256xf32>
    %mul3A_18 = vector.broadcast %rsqrt3A : vector<1x256xf32> to vector<2000x256xf32>
    %mul3A_19 = arith.mulf %sub3A_15, %mul3A_18 : vector<2000x256xf32>
    %get3A_20 = arith.constant 0 : index
    %get3A_21 = arith.constant 0 : index
    %get3A_22 = vector.load %arg3[%get3A_20, %get3A_21] : memref<1x256xf32, #tpu.memory_space<vmem>>, vector<1x256xf32>
    %mul3A_23 = vector.broadcast %get3A_22 : vector<1x256xf32> to vector<2000x256xf32>
    %mul3A_24 = arith.mulf %mul3A_19, %mul3A_23 : vector<2000x256xf32>
    %get3A_25 = arith.constant 0 : index
    %get3A_26 = arith.constant 0 : index
    %get3A_27 = vector.load %arg4[%get3A_25, %get3A_26] : memref<1x256xf32, #tpu.memory_space<vmem>>, vector<1x256xf32>
    %add3A_28 = vector.broadcast %get3A_27 : vector<1x256xf32> to vector<2000x256xf32>
    %add3A_29 = arith.addf %mul3A_24, %add3A_28 : vector<2000x256xf32>
    %gt3A = arith.constant 0.000000e+00 : f32
    %gt3A_30 = vector.broadcast %gt3A : f32 to vector<2000x256xf32>
    %gt3A_31 = arith.cmpf ogt, %add3A_29, %gt3A_30 : vector<2000x256xf32>
    %exp3A = math.exp %add3A_29 : vector<2000x256xf32>
    %sub3A_32 = arith.constant 1.000000e+00 : f32
    %sub3A_33 = vector.broadcast %sub3A_32 : f32 to vector<2000x256xf32>
    %sub3A_34 = arith.subf %exp3A, %sub3A_33 : vector<2000x256xf32>
    %select_n3A = arith.select %gt3A_31, %add3A_29, %sub3A_34 : vector<2000x256xi1>, vector<2000x256xf32>
    %get3A_35 = arith.constant 0 : index
    %get3A_36 = arith.constant 0 : index
    %get3A_37 = vector.load %arg5[%get3A_35, %get3A_36] : memref<256x64xf32, #tpu.memory_space<vmem>>, vector<256x64xf32>
    %dot_general3A = arith.constant dense<0.000000e+00> : vector<2000x64xf32>
    %dot_general3A_38 = tpu.matmul %select_n3A, %get3A_37, %dot_general3A {dimension_numbers = #tpu.dot_dimension_numbers<[1], [0], [0], [1], [0, 0, 1, 1], [], []>, transpose_lhs_hint = false} : vector<2000x256xf32>, vector<256x64xf32>, vector<2000x64xf32> -> vector<2000x64xf32>
    %get3A_39 = arith.constant 0 : index
    %get3A_40 = arith.constant 0 : index
    %get3A_41 = vector.load %arg6[%get3A_39, %get3A_40] : memref<256x16xf32, #tpu.memory_space<vmem>>, vector<256x16xf32>
    %dot_general3A_42 = arith.constant dense<0.000000e+00> : vector<2000x16xf32>
    %dot_general3A_43 = tpu.matmul %select_n3A, %get3A_41, %dot_general3A_42 {dimension_numbers = #tpu.dot_dimension_numbers<[1], [0], [0], [1], [0, 0, 1, 1], [], []>, transpose_lhs_hint = false} : vector<2000x256xf32>, vector<256x16xf32>, vector<2000x16xf32> -> vector<2000x16xf32>
    %iota3A = tpu.iota {dimensions = array<i32: 1>} : vector<2000x64xi32>
    %eq3A = arith.constant 41 : i32
    %eq3A_44 = vector.broadcast %eq3A : i32 to vector<2000x64xi32>
    %eq3A_45 = arith.cmpi eq, %iota3A, %eq3A_44 : vector<2000x64xi32>
    %jit3A = arith.constant 1.000000e+00 : f32
    %broadcast_in_dim3A = vector.broadcast %jit3A : f32 to vector<2000x64xf32>
    %select_n3A_46 = arith.select %eq3A_45, %broadcast_in_dim3A, %dot_general3A_38 : vector<2000x64xi1>, vector<2000x64xf32>
    %swap3A = arith.constant 0 : index
    %swap3A_47 = arith.constant 0 : index
    %swap3A_48 = vector.load %arg7[%swap3A, %swap3A_47] : memref<2000x64xf32, #tpu.memory_space<vmem>>, vector<2000x64xf32>
    tpu.vector_store %arg7[%swap3A, %swap3A_47], %select_n3A_46 {strides = array<i32>} : memref<2000x64xf32, #tpu.memory_space<vmem>>, vector<2000x64xf32>,
    %swap3A_49 = arith.constant 0 : index
    %swap3A_50 = arith.constant 0 : index
    %swap3A_51 = vector.load %arg8[%swap3A_49, %swap3A_50] : memref<2000x16xf32, #tpu.memory_space<vmem>>, vector<2000x16xf32>
    tpu.vector_store %arg8[%swap3A_49, %swap3A_50], %dot_general3A_43 {strides = array<i32>} : memref<2000x16xf32, #tpu.memory_space<vmem>>, vector<2000x16xf32>,
    return
  }
  func.func @transform_0(%arg0: i32) -> (i32, i32) {
    %c0_i32 = arith.constant 0 : i32
    %c0_i32_0 = arith.constant 0 : i32
    return %arg0, %c0_i32 : i32, i32
  }
  func.func @transform_1(%arg0: i32) -> (i32, i32) {
    %c0_i32 = arith.constant 0 : i32
    %c0_i32_0 = arith.constant 0 : i32
    %c0_i32_1 = arith.constant 0 : i32
    return %c0_i32, %c0_i32_0 : i32, i32
  }
  func.func @transform_2(%arg0: i32) -> (i32, i32) {
    %c0_i32 = arith.constant 0 : i32
    %c0_i32_0 = arith.constant 0 : i32
    %c0_i32_1 = arith.constant 0 : i32
    return %c0_i32, %c0_i32_0 : i32, i32
  }
  func.func @transform_3(%arg0: i32) -> (i32, i32) {
    %c0_i32 = arith.constant 0 : i32
    %c0_i32_0 = arith.constant 0 : i32
    %c0_i32_1 = arith.constant 0 : i32
    return %c0_i32, %c0_i32_0 : i32, i32
  }
  func.func @transform_4(%arg0: i32) -> (i32, i32) {
    %c0_i32 = arith.constant 0 : i32
    %c0_i32_0 = arith.constant 0 : i32
    %c0_i32_1 = arith.constant 0 : i32
    return %c0_i32, %c0_i32_0 : i32, i32
  }
  func.func @transform_5(%arg0: i32) -> (i32, i32) {
    %c0_i32 = arith.constant 0 : i32
    %c0_i32_0 = arith.constant 0 : i32
    %c0_i32_1 = arith.constant 0 : i32
    return %c0_i32, %c0_i32_0 : i32, i32
  }
  func.func @transform_6(%arg0: i32) -> (i32, i32) {
    %c0_i32 = arith.constant 0 : i32
    %c0_i32_0 = arith.constant 0 : i32
    return %arg0, %c0_i32 : i32, i32
  }
  func.func @transform_7(%arg0: i32) -> (i32, i32) {
    %c0_i32 = arith.constant 0 : i32
    %c0_i32_0 = arith.constant 0 : i32
    return %arg0, %c0_i32 : i32, i32
  }
}

module attributes {stable_mosaic.version = 14 : i64} {
  func.func @_tc3_body(%arg0: i32, %arg1: memref<2x2000x64xf32, #tpu.memory_space<vmem>>, %arg2: memref<1x40xf32, #tpu.memory_space<vmem>>, %arg3: memref<2000x40xf32, #tpu.memory_space<vmem>>) attributes {dimension_semantics = [#tpu.dimension_semantics<arbitrary>], iteration_bounds = array<i64: 5>, scalar_prefetch = 0 : i64, scratch_operands = 0 : i64, tpu.core_type = #tpu.core_type<tc>, window_params = [{transform_indices = @transform_0, window_bounds = array<i64: 2, 2000, 64>}, {pipeline_mode = #tpu.pipeline_mode<synchronous>, transform_indices = @transform_1, window_bounds = array<i64: 1, 40>}, {transform_indices = @transform_2, window_bounds = array<i64: 2000, 40>}]} {
    %get3A = arith.constant 0 : index
    %get3A_0 = arith.constant 0 : index
    %get3A_1 = arith.constant 0 : index
    %get3A_2 = vector.load %arg1[%get3A, %get3A_0, %get3A_1] : memref<2x2000x64xf32, #tpu.memory_space<vmem>>, vector<1x2000x64xf32>
    %get3A_3 = vector.shape_cast %get3A_2 : vector<1x2000x64xf32> to vector<2000x64xf32>
    %get3A_4 = arith.constant 1 : index
    %get3A_5 = arith.constant 0 : index
    %get3A_6 = arith.constant 0 : index
    %get3A_7 = vector.load %arg1[%get3A_4, %get3A_5, %get3A_6] : memref<2x2000x64xf32, #tpu.memory_space<vmem>>, vector<1x2000x64xf32>
    %get3A_8 = vector.shape_cast %get3A_7 : vector<1x2000x64xf32> to vector<2000x64xf32>
    %add3A = arith.addf %get3A_3, %get3A_8 : vector<2000x64xf32>
    %slice3A = vector.extract_strided_slice %add3A {offsets = [0, 41], sizes = [2000, 1], strides = [1, 1]} : vector<2000x64xf32> to vector<2000x1xf32>
    %broadcast_in_dim3A = vector.shape_cast %slice3A : vector<2000x1xf32> to vector<2000x1xf32>
    %broadcast_in_dim3A_9 = vector.broadcast %broadcast_in_dim3A : vector<2000x1xf32> to vector<2000x40xf32>
    %slice3A_10 = vector.extract_strided_slice %add3A {offsets = [0, 0], sizes = [2000, 40], strides = [1, 1]} : vector<2000x64xf32> to vector<2000x40xf32>
    %add3A_11 = arith.constant 1.000000e-16 : f32
    %add3A_12 = vector.broadcast %add3A_11 : f32 to vector<2000x40xf32>
    %add3A_13 = arith.addf %broadcast_in_dim3A_9, %add3A_12 : vector<2000x40xf32>
    %div3A = arith.divf %slice3A_10, %add3A_13 : vector<2000x40xf32>
    %get3A_14 = arith.constant 0 : index
    %get3A_15 = arith.constant 0 : index
    %get3A_16 = vector.load %arg2[%get3A_14, %get3A_15] : memref<1x40xf32, #tpu.memory_space<vmem>>, vector<1x40xf32>
    %add3A_17 = vector.broadcast %get3A_16 : vector<1x40xf32> to vector<2000x40xf32>
    %add3A_18 = arith.addf %div3A, %add3A_17 : vector<2000x40xf32>
    %swap3A = arith.constant 0 : index
    %swap3A_19 = arith.constant 0 : index
    %swap3A_20 = vector.load %arg3[%swap3A, %swap3A_19] : memref<2000x40xf32, #tpu.memory_space<vmem>>, vector<2000x40xf32>
    tpu.vector_store %arg3[%swap3A, %swap3A_19], %add3A_18 {strides = array<i32>} : memref<2000x40xf32, #tpu.memory_space<vmem>>, vector<2000x40xf32>,
    return
  }
  func.func @transform_0(%arg0: i32) -> (i32, i32, i32) {
    %c0_i32 = arith.constant 0 : i32
    %c0_i32_0 = arith.constant 0 : i32
    %c0_i32_1 = arith.constant 0 : i32
    return %c0_i32, %arg0, %c0_i32_0 : i32, i32, i32
  }
  func.func @transform_1(%arg0: i32) -> (i32, i32) {
    %c0_i32 = arith.constant 0 : i32
    %c0_i32_0 = arith.constant 0 : i32
    %c0_i32_1 = arith.constant 0 : i32
    return %c0_i32, %c0_i32_0 : i32, i32
  }
  func.func @transform_2(%arg0: i32) -> (i32, i32) {
    %c0_i32 = arith.constant 0 : i32
    %c0_i32_0 = arith.constant 0 : i32
    return %arg0, %c0_i32 : i32, i32
  }
}

</mosaic_0001>

<sc_bundles>
// kernel: kernel.11.cloned.1.call-start
scs
__scs_entry_jumppad:
0x0: {  	(pc) =	sbr.rel $0x88, $3  }
0x1: {  	(tag) =	ssettag $0x0;
	lr =	simm.s32 $0x1  }
0x2: {  	[smem:$0x3F95] =	sst lr;
	_ =	strace $0xD0000000  }
0x3: {  	_ = 	snop  }
0x4: {  	_ = 	snop  }
0x5: {  	_ = 	snop  }
0x6: {  	_ = 	snop  }
0x7: {  	_ = 	snop  }
__scs_overlays_trampoline_lowered:
0x8: {  	[smem:$0x3FA4] =	sst s0  }
0x9: {  	[smem:$0x3FA5] =	sst s1  }
0xa: {  	[smem:$0x3FA6] =	sst s2  }
0xb: {  	[smem:$0x3FA7] =	sst s3  }
0xc: {  	[smem:$0x3FA8] =	sst s4  }
0xd: {  	[smem:$0x3FA9] =	sst s5  }
0xe: {  	[smem:$0x3FAA] =	sst s6  }
0xf: {  	[smem:$0x3FAB] =	sst s7  }
0x10: {  	[smem:$0x3FAC] =	sst s8  }
0x11: {  	[smem:$0x3FAD] =	sst s9;
	s0 =	simm.s32 @!p0 $0x0  }
0x12: {  	s1 =	sld [smem:$0x3F93];
	s0 =	simm.s32 @p0 $0x1  }
0x13: {  	[smem:$0x3FAE] =	sst s0;
	s0 =	simm.s32 @!p1 $0x0  }
0x14: {  	s2 =	sld [smem:$0x3F92];
	s0 =	simm.s32 @p1 $0x1  }
0x15: {  	[smem:$0x3FAF] =	sst s0;
	s0 =	simm.s32 @!p2 $0x0  }
0x16: {  	s3 =	sld [smem:$0x3FDB];
	s0 =	simm.s32 @p2 $0x1  }
0x17: {  	s4 =	simm.s32 $0x1BF5;
	[smem:$0x3FB1] =	sst s0  }
0x18: {  	s0 =	sld [smem:$0x3F94];
	_ =	swait.ge [sflag:s4], $0x0  }
0x19: {  	s7 =	sld [smem:$0x3F95]  }
0x1a: {  	s8 =	sadd.s32 $0xFFFFE003, lr  }
0x1b: {  	s9 =	sadd.s32 $0xFFFFFEF7, lr;
	s5 =	simm.s32 $0xFFFFFFFF;
	p2 =	slt.u32 s8, $0xFFFFF086  }
0x1c: {  	p1 =	slt.u32 s9, $0xF7A;
	s5 =	simm.s32 @!p2 $0x0  }
0x1d: {  	s5 =	simm.s32 @p1 $0x1;
	p0 =	seq.s32 s7, s2  }
0x1e: {  	s7 =	smul.u32 @!p0 $0xF7A, s2;
	p2 =	seq.s32 @!p0 s5, $0x0  }
0x1f: {  	s9 =	smul.u32 $0xF7A, s1;
	s8 =	simm.s32 @!p0 $0x1BF5;
	p2 =	por !p2, p0  }
0x20: {  	[sflag:s8] =	ssyncset.s32 @!p0 $0xFFFFF086;
	s6 =	sadd.s32 @!p0 s3, s7;
	s7 =	simm.s32 @!p0 $0x108  }
0x21: {  	s3 =	sadd.s32 s3, s9;
	s6 =	sadd.s32 @!p0 $0x88, s6;
	s7 =	simm.s32 @p2 $0x1082  }
0x22: {  	[simem:s7], [sflag:s8] =	dma.local @!p0 [hbm:s6], $0xF7A  }
0x23: {  	s9 =	sor.u32 $0xD0000000, s2;
	s6 =	simm.s32 $0x108;
	_ =	swait.ge @!p0 [sflag:s8], $0x0  }
0x24: {  	s3 =	sadd.s32 $0x88, s3;
	s6 =	simm.s32 @!p1 $0x1082;
	[sflag:s4] =	ssyncset.s32 $0xFFFFF086  }
0x25: {  	[simem:s6], [sflag:s4] =	dma.local [hbm:s3], $0xF7A  }
0x26: {  	[smem:$0x3F95] =	sst s1;
	(tag) =	ssettag s2;
	_ =	strace s9  }
0x27: {  	s1 =	sld [smem:$0x3FA5]  }
0x28: {  	s2 =	sld [smem:$0x3FA6]  }
0x29: {  	s4 =	sld [smem:$0x3FA8]  }
0x2a: {  	p0 =	seq.s32 s5, $0x0;
	s5 =	sld [smem:$0x3FA9]  }
0x2b: {  	s6 =	sld [smem:$0x3FAA]  }
0x2c: {  	s7 =	sld [smem:$0x3FAB]  }
0x2d: {  	s3 =	simm.s32 $0x108;
	s8 =	sld [smem:$0x3FAC]  }
0x2e: {  	s3 =	simm.s32 @!p0 $0x1082;
	s9 =	sld [smem:$0x3FAD]  }
0x2f: {  	lr =	sadd.s32 s0, s3;
	s0 =	sld [smem:$0x3FA4]  }
0x30: {  	s3 =	sld [smem:$0x3FA7]  }
0x31: {  	[smem:$0x3FB0] =	sst s10  }
0x32: {  	s10 =	sld [smem:$0x3FAE];
	_ =	sdelay $0x3  }
0x33: {  	p0 =	seq.s32 s10, $0x1;
	s10 =	sld [smem:$0x3FB0];
	_ =	sdelay $0x3  }
0x34: {  	[smem:$0x3FB0] =	sst s10  }
0x35: {  	s10 =	sld [smem:$0x3FAF];
	_ =	sdelay $0x3  }
0x36: {  	p1 =	seq.s32 s10, $0x1;
	s10 =	sld [smem:$0x3FB0];
	_ =	sdelay $0x3  }
0x37: {  	[smem:$0x3FB0] =	sst s10  }
0x38: {  	s10 =	sld [smem:$0x3FB1]  }
0x39: {  	_ = 	snop;
	(pc) =	sbr.ind lr, $3  }
0x3a: {  	_ = 	snop  }
0x3b: {  	_ = 	snop  }
0x3c: {  	p2 =	seq.s32 s10, $0x1;
	s10 =	sld [smem:$0x3FB0]  }
0x3d: {  	_ =	shalt  }
0x3e: {  	_ =	shalt  }
0x3f: {  	_ =	shalt  }
0x40: {  	_ =	shalt  }
0x41: {  	_ =	shalt  }
0x42: {  	_ =	shalt  }
0x43: {  	_ =	shalt  }
0x44: {  	_ =	shalt  }
0x45: {  	_ =	shalt  }
0x46: {  	_ =	shalt  }
0x47: {  	_ =	shalt  }
0x48: {  	_ =	shalt  }
0x49: {  	_ =	shalt  }
0x4a: {  	_ =	shalt  }
0x4b: {  	_ =	shalt  }
0x4c: {  	_ =	shalt  }
0x4d: {  	_ =	shalt  }
0x4e: {  	_ =	shalt  }
0x4f: {  	_ =	shalt  }
0x50: {  	_ =	shalt  }
0x51: {  	_ =	shalt  }
0x52: {  	_ =	shalt  }
0x53: {  	_ =	shalt  }
0x54: {  	_ =	shalt  }
0x55: {  	_ =	shalt  }
0x56: {  	_ =	shalt  }
0x57: {  	_ =	shalt  }
0x58: {  	_ =	shalt  }
0x59: {  	_ =	shalt  }
0x5a: {  	_ =	shalt  }
0x5b: {  	_ =	shalt  }
0x5c: {  	_ =	shalt  }
0x5d: {  	_ =	shalt  }
0x5e: {  	_ =	shalt  }
0x5f: {  	_ =	shalt  }
0x60: {  	_ =	shalt  }
0x61: {  	_ =	shalt  }
0x62: {  	_ =	shalt  }
0x63: {  	_ =	shalt  }
0x64: {  	_ =	shalt  }
0x65: {  	_ =	shalt  }
0x66: {  	_ =	shalt  }
0x67: {  	_ =	shalt  }
0x68: {  	_ =	shalt  }
0x69: {  	_ =	shalt  }
0x6a: {  	_ =	shalt  }
0x6b: {  	_ =	shalt  }
0x6c: {  	_ =	shalt  }
0x6d: {  	_ =	shalt  }
0x6e: {  	_ =	shalt  }
0x6f: {  	_ =	shalt  }
0x70: {  	_ =	shalt  }
0x71: {  	_ =	shalt  }
0x72: {  	_ =	shalt  }
0x73: {  	_ =	shalt  }
0x74: {  	_ =	shalt  }
0x75: {  	_ =	shalt  }
0x76: {  	_ =	shalt  }
0x77: {  	_ =	shalt  }
0x78: {  	_ =	shalt  }
0x79: {  	_ =	shalt  }
0x7a: {  	_ =	shalt  }
0x7b: {  	_ =	shalt  }
0x7c: {  	_ =	shalt  }
0x7d: {  	_ =	shalt  }
0x7e: {  	_ =	shalt  }
0x7f: {  	_ =	shalt  }
0x80: {  	_ =	shalt  }
0x81: {  	_ =	shalt  }
0x82: {  	_ =	shalt  }
0x83: {  	_ =	shalt  }
0x84: {  	_ =	shalt  }
0x85: {  	_ =	shalt  }
0x86: {  	_ =	shalt  }
0x87: {  	_ =	shalt  }
.Lfunc_end0:
.L_simem_size_0:
called_computation.1_lowered:
.L_overlay_start_0:
0x88: {  	s2 =	sld [smem:$0x3FD9]  }
0x89: {  	s3 =	sld [smem:$0x3FFE];
	_ =	sdelay $0x1  }
0x8a: {  	s1 =	srdreg.scid  }
0x8b: {  	s0 =	sand.u32 $0x1, s1  }
0x8c: {  	s17 =	sshll.u32 s0, $0xA;
	s2 =	sadd.s32 s3, s2  }
0x8d: {  	s2 =	sadd.s32 s2, s17  }
0x8e: {  	[smem:$0x3FBC] =	sst s2  }
0x8f: {  	_ = 	snop  }
0x90: {  	s2 =	sld [smem:$0x3FD0];
	(tm) =	ssettm $0x1  }
0x91: {  	s18 =	sld [smem:$0x3FFB];
	_ =	sdelay $0x3  }
0x92: {  	_ =	strace s18  }
0x93: {  	s3 =	sld [smem:$0x3FFC];
	_ =	sdelay $0x3  }
0x94: {  	_ =	strace s3  }
0x95: {  	s3 =	sld [smem:$0x3FFD];
	_ =	sdelay $0x3  }
0x96: {  	_ =	strace s3  }
0x97: {  	_ =	strace $0x8FFFFFFF  }
0x98: {  	s19 =	sld [smem:$0x3FDB];
	_ =	sdelay $0x1  }
0x99: {  	s4 =	simm.s32 $_scs_section_size  }
0x9a: {  	s5 =	simm.s32 $_size__tile_overlayer_lowered;
	s6 =	simm.s32 $_tile_overlayer_lowered  }
0x9b: {  	s22 =	simm.s32 $0x1BFF;
	s21 =	sshll.u32 s6, $0x1;
	s3 =	sadd.s32 s4, s19  }
0x9c: {  	s7 =	simm.s32 $0x0;
	s20 =	sshll.u32 s5, $0x1;
	s5 =	sadd.s32 s21, s3  }
0x9d: {  	[timem:s7], [sflag:s22] =	dma.local [hbm:s5], s20  }
0x9e: {  	_ =	swait.ge [sflag:s22], s20  }
0x9f: {  	s4 =	ssub.s32 $0x0, s20;
	[sflag:s22] =	ssyncset.done $0x0  }
0xa0: {  	[sflag:s22] =	ssyncadd.s32 s4;
	_ =	sdelay $0x1  }
0xa1: {  	s23 =	simm.s32 $0x1B8B  }
0xa2: {  	_ =	swait.ge [sflag:s23], $0x1  }
0xa3: {  	[sflag:s23] =	ssyncset.done $0x0  }
0xa4: {  	s25 =	simm.s32 $0x1B8E;
	s24 =	sld [smem:$0x3FFE];
	[sflag:s23] =	ssyncadd.s32 $0xFFFFFFFF  }
0xa5: {  	s26 =	simm.s32 $execute0_lowered;
	[smem:$0x3FD2] =	sst s25  }
0xa6: {  	s5 =	sshll.u32 s26, $0x1;
	_ =	strace $0x80000049;
	[dreg:$0x1] =	wrdreg $0xFFFFFFFF  }
0xa7: {  	s28 =	simm.s32 $_size_execute0_lowered;
	s3 =	sadd.s32 s3, s5;
	[dreg:$0x0] =	wrdreg $0x0  }
0xa8: {  	s5 =	sshll.u32 s28, $0x1;
	[dreg:$0x2] =	wrdreg s3  }
0xa9: {  	[dreg:$0x3] =	wrdreg s5  }
0xaa: {  	[dreg:$0x4] =	wrdreg $0xC0  }
0xab: {  	_ =	task [dreg:s7], $0x5FFFF  }
0xac: {  	[dreg:$0x1] =	wrdreg $0xFFFFFFFF  }
0xad: {  	[dreg:$0x0] =	wrdreg $0x60  }
0xae: {  	[dreg:$0x2] =	wrdreg s24  }
0xaf: {  	[dreg:$0x3] =	wrdreg s2  }
0xb0: {  	[dreg:$0x4] =	wrdreg $0x4A000  }
0xb1: {  	[dreg:$0x5] =	wrdreg $0x9  }
0xb2: {  	_ =	task.clear_ibuf [dreg:s7], $0x6FFFF;
	_ =	strace $0x90000049  }
0xb3: {  	s29 =	simm.s32 $0x9;
	_ =	strace $0x8000004B  }
0xb4: {  	_ =	swait.ge [sflag:s29], $0x1  }
0xb5: {  	[sflag:s29] =	ssyncadd.s32 $0xFFFFFFFF  }
0xb6: {  	_ =	strace $0x9000004B  }
0xb7: {  	_ =	sfence  }
0xb8: {  	s30 =	sld [smem:$0x0];
	_ =	sdelay $0x2  }
0xb9: {  	s31 =	sshll.u32 s1, $0xD;
	s1 =	sshrl.u32 s1, $0x2  }
0xba: {  	s3 =	sand.u32 $0x4000, s31;
	s1 =	sadd.s32 s1, s30  }
0xbb: {  	s0 =	sor.u32 s3, s0;
	s1 =	sshll.u32 s1, $0x11  }
0xbc: {  	s0 =	sor.u32 s1, s0  }
0xbd: {  	s0 =	sadd.s32 $0x8F2B, s0  }
0xbe: {  	[sflag:s0] =	ssyncadd.remote.s32 $0x1  }
0xbf: {  	_ =	sfence.sel $0xFFFF  }
0xc0: {  	[dreg:$0x0] =	wrdreg $0xFFFFFFFF;
	(pc) =	sbr.abs _section_cstart, $3  }
0xc1: {  	[dreg:$0x1] =	wrdreg $0xFFFFFFFF  }
0xc2: {  	_ =	task.clear_ibuf [dreg:s7], $0x2FFFF;
	_ =	strace $0x9FFFFFFF  }
0xc3: {  	(tm) =	ssettm $0x7FFFFFFF  }
tec
execute0_lowered:
.L_overlay_start_1:
0x0: {  	(tag) =	ssettag $0x1  }
0x1: {  	s0 =	rddreg [dreg:$0x0]  }
0x2: {  	s2 =	rddreg [dreg:$0x1]  }
0x3: {  	s1 =	rddreg [dreg:$0x2]  }
0x4: {  	s4 =	srdreg.scid;
	s3 =	simm.s32 $0x0;
	s14 =	stileid.u32  }
0x5: {  	s15 =	simm.s32 $0x80;
	s16 =	simm.s32 $0x200;
	s17 =	simm.s32 $0x4200  }
0x6: {  	s20 =	simm.s32 $0x180;
	s21 =	simm.s32 $0x2;
	s22 =	simm.s32 $0x2200  }
0x7: {  	s23 =	simm.s32 $0x3;
	s28 =	simm.s32 $0x0;
	s6 =	sand.u32 $0x1, s4  }
0x8: {  	[smem:$0x7FF] =	sst s3;
	s8 =	smul.u32 $0x9E00, s14;
	s5 =	sadd.s32 $0x400, s0  }
0x9: {  	s26 =	sshll.u32 s14, $0x6;
	s4 =	sshll.u32 s6, $0x4;
	_ =	strace $0x8000004A  }
0xa: {  	s25 =	smul.u32 $0x13C00, s6;
	s6 =	ssub.s32 $0x2, s6;
	s7 =	sor.u32 s14, s4  }
0xb: {  	s4 =	sadd.s32 $0x14200, s0;
	s10 =	sshrl.u32 s8, $0x3;
	s13 =	sshrl.u32 s6, $0x1  }
0xc: {  	s29 =	sadd.s32 s8, s1;
	s14 =	simm.s32 $0x1;
	s9 =	smul.u32 $0x500, s7  }
0xd: {  	s12 =	sadd.s32 s10, s0;
	s6 =	ssub.s32 s6, s13;
	s7 =	sor.u32 $0x1C06, s26  }
0xe: {  	s13 =	simm.s32 $0x100;
	s26 =	simm.s32 $0x4;
	s30 =	sadd.s32 $0x27E00, s12  }
.Ltmp0:
0xf: {  	s31 =	smax.u32 s6, $0x1;
	s12 =	simm.s32 $0x6;
	(pc) =	sbr.rel .LBB2_1-.Ltmp0, $4  }
0x10: {  	s11 =	sadd.s32 s9, s0;
	s0 =	sadd.s32 s25, s0;
	[dreg:$0x4] =	wrdreg s30  }
0x11: {  	s8 =	sadd.s32 s2, s9;
	[dreg:$0x5] =	wrdreg s31;
	s25 =	simm.s32 $0x5  }
0x12: {  	s9 =	sadd.s32 $0xA200, s11;
	s0 =	sadd.s32 $0x3BA00, s0;
	s11 =	sshrl.u32 s29, $0x3  }
0x13: {  	v0 =	vimm.s32 $0x8;
	v1 =	vimm.s32 $0x0;
	s18 =	sadd.s32 $0x10, s8;
	s19 =	sadd.s32 $0x10, s9;
	s24 =	sadd.s32 s10, s0  }
.LBB2_8:
0x14: {  	[spmem:s1] =	stream.indirect.scatter.add.f32 [tilespmem:s22], [sflag:$0x6], $0x40, s20, s15, $0xb8;
	[tilespmem:$0xE800] =	vst v63  }
0x15: {  	_ =	swait.ge [sflag:s12], $0x2000  }
0x16: {  	[sflag:s12] =	ssyncset.done $0x0  }
0x17: {  	[sflag:s12] =	ssyncadd.s32 $0xFFFFE000  }
0x18: {  	[bflag:$0x0] =	sbarrier.arrive $0xFFFF  }
0x19: {  	[hbm:s24], [sflag:s7] =	dma.local [spmem:s11], $0x13C0  }
0x1a: {  	_ =	swait.ge [sflag:s12], $0x13C0  }
0x1b: {  	s28 =	sadd.s32 $0x1, s28;
	s0 =	rddreg [dreg:$0x5]  }
0x1c: {  	p0 =	sne.s32 s28, s0  }
.Ltmp1:
0x1d: {  	_ = 	snop;
	(pc) =	sbr.rel @!p0 .LBB2_9-.Ltmp1, $3  }
0x1e: {  	_ =	sdelay $0x1  }
0x1f: {  	[sflag:s12] =	ssyncset.done $0x0  }
0x20: {  	[sflag:s12] =	ssyncadd.s32 $0xFFFFEC40  }
.LBB2_1:
0x21: {  	s0 =	rddreg [dreg:$0x4]  }
0x22: {  	[spmem:s11], [sflag:s7] =	dma.local [hbm:s0], $0x13C0  }
0x23: {  	_ =	swait.ge [sflag:s12], $0x13C0  }
0x24: {  	[sflag:s12] =	ssyncset.done $0x0  }
0x25: {  	[sflag:s12] =	ssyncadd.s32 $0xFFFFEC40  }
0x26: {  	[bflag:$0x0] =	sbarrier.arrive $0xFFFF  }
0x27: {  	[tilespmem:s3], [sflag:$0x1] =	stream.linear.gather [hbm4b:s8+s3], $0x80, $0x38;
	[tilespmem:$0xE800] =	vst v63  }
0x28: {  	_ = 	snop  }
0x29: {  	[tilespmem:s13], [sflag:$0x1] =	stream.linear.gather [hbm4b:s9+s3], $0x80, $0x38;
	[tilespmem:$0xE800] =	vst v63  }
0x2a: {  	_ =	swait.ge [sflag:s14], $0x80  }
0x2b: {  	[sflag:s14] =	ssyncset.done $0x0  }
0x2c: {  	[sflag:s14] =	ssyncadd.s32 $0xFFFFFF80  }
0x2d: {  	_ =	swait.ge [sflag:s14], $0x80  }
0x2e: {  	[sflag:s14] =	ssyncset.done $0x0  }
0x2f: {  	[sflag:s14] =	ssyncadd.s32 $0xFFFFFF80  }
0x30: {  	[tilespmem:s16], [sflag:$0x3] =	stream.indirect.gather [hbm4b:s4+s15], $0x40, s3, s15, $0xb8;
	[tilespmem:$0xE800] =	vst v63  }
0x31: {  	_ = 	snop  }
0x32: {  	[tilespmem:s17], [sflag:$0x5] =	stream.indirect.gather [hbm4b:s5+s15], $0x10, s13, s15, $0xb8;
	[tilespmem:$0xE800] =	vst v63  }
0x33: {  	_ = 	snop  }
0x34: {  	[tilespmem:s15], [sflag:$0x2] =	stream.linear.gather [hbm4b:s18+s3], $0x80, $0x38;
	[tilespmem:$0xE800] =	vst v63  }
0x35: {  	s29 =	simm.s32 $0x0  }
0x36: {  	[tilespmem:s20], [sflag:$0x2] =	stream.linear.gather [hbm4b:s19+s3], $0x80, $0x38;
	[tilespmem:$0xE800] =	vst v63  }
.LBB2_2:
0x37: {  	_ =	swait.ge [sflag:s21], $0x80  }
0x38: {  	[sflag:s21] =	ssyncset.done $0x0  }
0x39: {  	[sflag:s21] =	ssyncadd.s32 $0xFFFFFF80  }
0x3a: {  	_ =	swait.ge [sflag:s21], $0x80  }
0x3b: {  	[sflag:s21] =	ssyncset.done $0x0  }
0x3c: {  	[sflag:s21] =	ssyncadd.s32 $0xFFFFFF80  }
0x3d: {  	[tilespmem:s22], [sflag:$0x4] =	stream.indirect.gather [hbm4b:s4+s15], $0x40, s15, s15, $0xb8;
	[tilespmem:$0xE800] =	vst v63  }
0x3e: {  	_ =	swait.ge [sflag:s23], $0x2000  }
0x3f: {  	[sflag:s23] =	ssyncset.done $0x0  }
0x40: {  	[sflag:s23] =	ssyncadd.s32 $0xFFFFE000  }
0x41: {  	_ =	swait.ge [sflag:s25], $0x800  }
0x42: {  	[sflag:s25] =	ssyncset.done $0x0  }
0x43: {  	s30 =	simm.s32 $0x280;
	[sflag:s25] =	ssyncadd.s32 $0xFFFFF800  }
0x44: {  	s0 =	simm.s32 $0x4220;
	v15 =	vld [tilespmem:s30+$0x60]  }
0x45: {  	v3 =	vld [tilespmem:s0+$0x10]  }
0x46: {  	v4 =	vld [tilespmem:s0+$0xFFFFFFE0]  }
0x47: {  	v19 =	vld [tilespmem:s30+$0xFFFFFFE0]  }
0x48: {  	v5 =	vld [tilespmem:s0+$0xFFFFFFF0]  }
0x49: {  	v2 =	vld [tilespmem:s30+$0x20]  }
0x4a: {  	v8 =	vld [tilespmem:s0+$0x0]  }
0x4b: {  	v6 =	vld [tilespmem:s30+$0xFFFFFF80];
	v7 =	vperm.xlane v15, v0;
	v9 =	vperm.xlane v3, v1  }
0x4c: {  	v3 =	vld [tilespmem:s30+$0xFFFFFFA0]  }
0x4d: {  	v17 =	vld [tilespmem:s30+$0xFFFFFFC0];
	v9 =	vadd.f32 v9, v7  }
0x4e: {  	v23 =	vld [tilespmem:s30+$0xFFFFFFD0];
	v10 =	vperm.xlane v19, v0;
	v5 =	vperm.xlane v5, v1  }
0x4f: {  	v18 =	vld [tilespmem:s30+$0x40];
	s0 =	simm.s32 $0x4260;
	v11 =	vmul.f32 $2.000000030e-01, v9  }
0x50: {  	v16 =	vld [tilespmem:s0+$0x10];
	v12 =	vperm.xlane v2, v0;
	v10 =	vadd.f32 v5, v10;
	v5 =	vperm.xlane v8, v1  }
0x51: {  	v20 =	vld [tilespmem:s0+$0xFFFFFFE0];
	v8 =	vperm.xlane v4, v1;
	v13 =	vperm.xlane v3, v0;
	v9 =	vmax.f32 v9, v11  }
0x52: {  	v21 =	vld [tilespmem:s0+$0xFFFFFFF0];
	v12 =	vadd.f32 v5, v12;
	v11 =	vmul.f32 $2.000000030e-01, v10;
	v14 =	vmul.f32 $1.442695020e+00, v9  }
0x53: {  	s31 =	simm.s32 $0x380;
	v22 =	vld [tilespmem:s0+$0x0];
	v13 =	vadd.f32 v8, v13  }
0x54: {  	v8 =	vld [tilespmem:s31+$0x60];
	v10 =	vmax.f32 v10, v11;
	v11 =	vmul.f32 $2.000000030e-01, v12;
	(erf) = vpow2.f32 v14  }
0x55: {  	v7 =	vld [tilespmem:s30+$0xFFFFFF90];
	v14 =	vmul.f32 $2.000000030e-01, v13;
	v10 =	vmul.f32 $1.442695020e+00, v10  }
0x56: {  	v4 =	vld [tilespmem:s30+$0x0];
	v11 =	vmax.f32 v12, v11  }
0x57: {  	v12 =	vmax.f32 v13, v14;
	v11 =	vmul.f32 $1.442695020e+00, v11;
	(erf) = vpow2.f32 v10;
	v10 =	vld [tilespmem:s31+$0xFFFFFFE0]  }
0x58: {  	v16 =	vperm.xlane v16, v1;
	v5 =	vld [tilespmem:s30+$0x10];
	v12 =	vmul.f32 $1.442695020e+00, v12  }
0x59: {  	v9 =	vld [tilespmem:s30+$0x50];
	v13 =	vperm.xlane v8, v0;
	(erf) = vpow2.f32 v11  }
0x5a: {  	v11 =	vld [tilespmem:s31+$0x20];
	(erf) = vpow2.f32 v12  }
0x5b: {  	v25 =	vperm.xlane v20, v1;
	v12 =	vld [tilespmem:s31+$0xFFFFFFA0];
	v24 =	vadd.f32 v16, v13  }
0x5c: {  	v21 =	vperm.xlane v21, v1;
	v14 =	vld [tilespmem:s31+$0xFFFFFF80];
	v20 =	vperm.xlane v10, v0  }
0x5d: {  	v16 =	vld [tilespmem:s31+$0xFFFFFF90];
	v28 =	vmul.f32 $2.000000030e-01, v24;
	v13 =	vpop (erf)  }
0x5e: {  	v29 =	vadd.f32 v21, v20;
	v21 =	vld [tilespmem:s31+$0xFFFFFFD0];
	v20 =	vperm.xlane v22, v1;
	v22 =	vmul.f32 v13, v18  }
0x5f: {  	v27 =	vperm.xlane v11, v0;
	v28 =	vmax.f32 v24, v28;
	v26 =	vmul.f32 v13, v15;
	v15 =	vld [tilespmem:s31+$0xFFFFFFC0]  }
0x60: {  	v31 =	vperm.xlane v12, v0;
	v18 =	vld [tilespmem:s31+$0x0];
	v34 =	vmul.f32 $1.442695020e+00, v28;
	v30 =	vpop (erf)  }
0x61: {  	v33 =	vmul.f32 $2.000000030e-01, v29;
	v24 =	vadd.f32 v20, v27;
	v20 =	vld [tilespmem:s31+$0x10];
	v32 =	vmul.f32 v30, v17;
	[tilespmem:s30+$0x60] =	vst v26  }
0x62: {  	[tilespmem:s30+$0x40] =	vst v22;
	v25 =	vadd.f32 v25, v31;
	v17 =	vld [tilespmem:s31+$0x40];
	v27 =	vmul.f32 v30, v23;
	v26 =	vmul.f32 v30, v19;
	v22 =	vpop (erf)  }
0x63: {  	s2 =	simm.s32 $0x4;
	s6 =	simm.s32 $0x480;
	v19 =	vld [tilespmem:s31+$0x50];
	(erf) = vpow2.f32 v34;
	v29 =	vmax.f32 v29, v33;
	v28 =	vmul.f32 $2.000000030e-01, v24;
	[tilespmem:s30+$0xFFFFFFC0] =	vst v32;
	v23 =	vpop (erf)  }
.LBB2_3:
0x64: {  	v30 =	vld [tilespmem:s6+$0x60];
	v31 =	vmul.f32 $2.000000030e-01, v25;
	v29 =	vmul.f32 $1.442695020e+00, v29;
	s0 =	sadd.s32 $0x40, s0;
	[tilespmem:s30+$0xFFFFFFD0] =	vst v27;
	v27 =	vmov v21  }
0x65: {  	s2 =	sadd.s32 $0x4, s2;
	v32 =	vmul.f32 v23, v7;
	v21 =	vld [tilespmem:s0+$0x10];
	v24 =	vmax.f32 v24, v28;
	v28 =	vmul.f32 v23, v6;
	[tilespmem:s30+$0xFFFFFFE0] =	vst v26  }
0x66: {  	v7 =	vmovc v16;
	p0 =	slt.u32 s2, $0x7C;
	v6 =	vmovc v14;
	v26 =	vld [tilespmem:s0+$0xFFFFFFE0];
	v25 =	vmax.f32 v25, v31;
	v24 =	vmul.f32 $1.442695020e+00, v24;
	(erf) = vpow2.f32 v29  }
0x67: {  	v16 =	vmul.f32 v23, v3;
	v3 =	vmov v12;
	v31 =	vld [tilespmem:s6+$0xFFFFFFE0];
	v14 =	vmul.f32 $1.442695020e+00, v25;
	[tilespmem:s30+$0xFFFFFF80] =	vst v28  }
0x68: {  	v12 =	vmul.f32 v22, v4;
	v4 =	vmov v18;
	v23 =	vld [tilespmem:s0+$0xFFFFFFF0];
	(erf) = vpow2.f32 v24;
	[tilespmem:s30+$0xFFFFFF90] =	vst v32  }
0x69: {  	v18 =	vld [tilespmem:s6+$0x20];
	(erf) = vpow2.f32 v14;
	[tilespmem:s30+$0xFFFFFFA0] =	vst v16;
	v14 =	vmul.f32 v22, v5;
	v5 =	vmov v20  }
0x6a: {  	v16 =	vperm.xlane v30, v0;
	v20 =	vld [tilespmem:s0+$0x0];
	v21 =	vperm.xlane v21, v1;
	[tilespmem:s30+$0x0] =	vst v12  }
0x6b: {  	v22 =	vmul.f32 v22, v2;
	v2 =	vmov v11;
	v12 =	vld [tilespmem:s6+$0xFFFFFFA0];
	v25 =	vperm.xlane v26, v1;
	[tilespmem:s30+$0x10] =	vst v14  }
0x6c: {  	v28 =	vmul.f32 v13, v9;
	v14 =	vld [tilespmem:s6+$0xFFFFFF80];
	v24 =	vperm.xlane v31, v0;
	v26 =	vadd.f32 v21, v16;
	v13 =	vpop (erf)  }
0x6d: {  	v9 =	vmovc v19;
	v16 =	vld [tilespmem:s6+$0xFFFFFF90];
	v21 =	vperm.xlane v23, v1;
	v29 =	vmul.f32 v13, v8;
	[tilespmem:s30+$0x20] =	vst v22;
	v8 =	vmov v30  }
0x6e: {  	v30 =	vld [tilespmem:s6+$0xFFFFFFC0];
	v19 =	vperm.xlane v18, v0;
	v35 =	vmul.f32 $2.000000030e-01, v26;
	[tilespmem:s30+$0x50] =	vst v28;
	v11 =	vmov v18;
	s30 =	smov.u32 s31;
	s31 =	smov.u32 s6  }
.Ltmp2:
0x6f: {  	v17 =	vmul.f32 v13, v17;
	v28 =	vadd.f32 v21, v24;
	v21 =	vld [tilespmem:s6+$0xFFFFFFD0];
	v20 =	vperm.xlane v20, v1;
	[tilespmem:s30+$0x60] =	vst v29;
	v23 =	vpop (erf);
	(pc) =	sbr.rel @p0 .LBB2_3-.Ltmp2, $4  }
0x70: {  	v29 =	vperm.xlane v12, v0;
	v18 =	vld [tilespmem:s6+$0x0];
	v26 =	vmax.f32 v26, v35;
	v34 =	vmul.f32 v23, v15  }
0x71: {  	v32 =	vmul.f32 $2.000000030e-01, v28;
	v24 =	vadd.f32 v20, v19;
	v20 =	vld [tilespmem:s6+$0x10];
	v33 =	vmul.f32 $1.442695020e+00, v26;
	[tilespmem:s30+$0x40] =	vst v17;
	v22 =	vpop (erf)  }
0x72: {  	v27 =	vmul.f32 v23, v27;
	v26 =	vmul.f32 v23, v10;
	v25 =	vadd.f32 v25, v29;
	v17 =	vld [tilespmem:s6+$0x40];
	[tilespmem:s30+$0xFFFFFFC0] =	vst v34;
	v23 =	vpop (erf)  }
0x73: {  	v10 =	vmovc v31;
	s6 =	sadd.s32 $0x100, s6;
	v29 =	vmax.f32 v28, v32;
	v28 =	vmul.f32 $2.000000030e-01, v24;
	v19 =	vld [tilespmem:s31+$0x50];
	(erf) = vpow2.f32 v33;
	v15 =	vmovc v30  }
0x74: {  	v29 =	vmul.f32 $1.442695020e+00, v29;
	_ =	sdelay $0x1  }
0x75: {  	v30 =	vmul.f32 $2.000000030e-01, v25;
	(erf) = vpow2.f32 v29  }
0x76: {  	v3 =	vmul.f32 v23, v3;
	v24 =	vmax.f32 v24, v28  }
0x77: {  	[tilespmem:s30+$0xFFFFFFD0] =	vst v27;
	v4 =	vmul.f32 v22, v4;
	v25 =	vmax.f32 v25, v30;
	v24 =	vmul.f32 $1.442695020e+00, v24  }
0x78: {  	[tilespmem:s30+$0xFFFFFFA0] =	vst v3;
	v3 =	vmul.f32 v22, v5;
	v25 =	vmul.f32 $1.442695020e+00, v25  }
0x79: {  	v6 =	vmul.f32 v23, v6;
	[tilespmem:s30+$0xFFFFFFE0] =	vst v26;
	(erf) = vpow2.f32 v24  }
0x7a: {  	[tilespmem:s30+$0x0] =	vst v4;
	v4 =	vmul.f32 v13, v9;
	(erf) = vpow2.f32 v25  }
0x7b: {  	v2 =	vmul.f32 v22, v2;
	[tilespmem:s30+$0xFFFFFF80] =	vst v6  }
0x7c: {  	[tilespmem:s30+$0x10] =	vst v3;
	v3 =	vpop (erf)  }
0x7d: {  	[tilespmem:s30+$0x20] =	vst v2;
	v5 =	vmul.f32 v3, v8  }
0x7e: {  	v7 =	vmul.f32 v23, v7;
	[tilespmem:s30+$0x50] =	vst v4;
	v2 =	vmul.f32 v3, v17;
	v4 =	vpop (erf)  }
0x7f: {  	[tilespmem:s31+$0x60] =	vst v5;
	v5 =	vmul.f32 v4, v15  }
0x80: {  	[tilespmem:s30+$0xFFFFFF90] =	vst v7;
	v3 =	vmul.f32 v3, v19  }
0x81: {  	[tilespmem:s31+$0x40] =	vst v2  }
0x82: {  	[tilespmem:s31+$0x50] =	vst v3;
	v6 =	vmul.f32 v4, v21;
	v2 =	vpop (erf)  }
0x83: {  	v4 =	vmul.f32 v4, v10;
	[tilespmem:s31+$0xFFFFFFC0] =	vst v5;
	v5 =	vpop (erf)  }
0x84: {  	[tilespmem:s31+$0xFFFFFFD0] =	vst v6;
	v6 =	vmul.f32 v5, v14  }
0x85: {  	[tilespmem:s31+$0xFFFFFFE0] =	vst v4;
	v7 =	vmul.f32 v5, v16  }
0x86: {  	v4 =	vmul.f32 v5, v12;
	[tilespmem:s31+$0xFFFFFF80] =	vst v6  }
0x87: {  	v5 =	vmul.f32 v2, v18;
	[tilespmem:s31+$0xFFFFFF90] =	vst v7  }
0x88: {  	[tilespmem:s31+$0xFFFFFFA0] =	vst v4;
	v4 =	vmul.f32 v2, v20  }
0x89: {  	[tilespmem:s31+$0x0] =	vst v5;
	v2 =	vmul.f32 v2, v11  }
0x8a: {  	[tilespmem:s31+$0x10] =	vst v4  }
0x8b: {  	[tilespmem:s31+$0x20] =	vst v2  }
0x8c: {  	[tilespmem:s17], [sflag:$0x5] =	stream.indirect.gather [hbm4b:s5+s15], $0x10, s20, s15, $0xb8;
	[tilespmem:$0xE800] =	vst v63  }
0x8d: {  	_ = 	snop  }
0x8e: {  	[spmem:s1] =	stream.indirect.scatter.add.f32 [tilespmem:s16], [sflag:$0x6], $0x40, s13, s15, $0xb8;
	[tilespmem:$0xE800] =	vst v63  }
0x8f: {  	p0 =	seq.s32 s29, $0x27;
	s30 =	sshll.u32 s29, $0x5;
	_ =	swait.ge [sflag:s12], $0x2000  }
0x90: {  	s0 =	sadd.s32 @!p0 $0x20, s30;
	[sflag:s12] =	ssyncset.done $0x0  }
0x91: {  	s6 =	simm.s32 @!p0 $0x0;
	s2 =	sadd.s32 @!p0 s8, s0;
	[sflag:s12] =	ssyncadd.s32 $0xFFFFE000  }
0x92: {  	[tilespmem:s6], [sflag:$0x1] =	stream.linear.gather @!p0 [hbm4b:s2+s6], $0x80, $0x38;
	[tilespmem:$0xE800] =	vst v63  }
0x93: {  	s0 =	sadd.s32 @!p0 s9, s0;
	s2 =	simm.s32 @!p0 $0x100  }
0x94: {  	[tilespmem:s2], [sflag:$0x1] =	stream.linear.gather @!p0 [hbm4b:s0+s6], $0x80, $0x38;
	[tilespmem:$0xE800] =	vst v63  }
0x95: {  	s0 =	simm.s32 @!p0 $0x1  }
0x96: {  	_ =	swait.ge @!p0 [sflag:s0], $0x80  }
0x97: {  	[sflag:s0] =	ssyncset.done @!p0 $0x0  }
0x98: {  	[sflag:s0] =	ssyncadd.s32 @!p0 $0xFFFFFF80  }
0x99: {  	_ =	swait.ge @!p0 [sflag:s0], $0x80  }
0x9a: {  	[sflag:s0] =	ssyncset.done @!p0 $0x0  }
0x9b: {  	s2 =	simm.s32 @!p0 $0x200;
	[sflag:s0] =	ssyncadd.s32 @!p0 $0xFFFFFF80;
	s0 =	simm.s32 @!p0 $0x80  }
0x9c: {  	[tilespmem:s2], [sflag:$0x3] =	stream.indirect.gather @!p0 [hbm4b:s4+s0], $0x40, s6, s0, $0xb8;
	[tilespmem:$0xE800] =	vst v63  }
0x9d: {  	_ =	swait.ge [sflag:s26], $0x2000  }
0x9e: {  	[sflag:s26] =	ssyncset.done $0x0  }
0x9f: {  	[sflag:s26] =	ssyncadd.s32 $0xFFFFE000  }
0xa0: {  	_ =	swait.ge [sflag:s25], $0x800  }
0xa1: {  	[sflag:s25] =	ssyncset.done $0x0  }
0xa2: {  	s31 =	simm.s32 $0x2280;
	[sflag:s25] =	ssyncadd.s32 $0xFFFFF800  }
0xa3: {  	s10 =	simm.s32 $0x4220;
	v15 =	vld [tilespmem:s31+$0x60]  }
0xa4: {  	v3 =	vld [tilespmem:s10+$0x10]  }
0xa5: {  	v4 =	vld [tilespmem:s10+$0xFFFFFFE0]  }
0xa6: {  	v19 =	vld [tilespmem:s31+$0xFFFFFFE0]  }
0xa7: {  	v5 =	vld [tilespmem:s10+$0xFFFFFFF0]  }
0xa8: {  	v2 =	vld [tilespmem:s31+$0x20]  }
0xa9: {  	v8 =	vld [tilespmem:s10+$0x0]  }
0xaa: {  	v6 =	vld [tilespmem:s31+$0xFFFFFF80];
	v7 =	vperm.xlane v15, v0;
	v9 =	vperm.xlane v3, v1  }
0xab: {  	v3 =	vld [tilespmem:s31+$0xFFFFFFA0]  }
0xac: {  	v17 =	vld [tilespmem:s31+$0xFFFFFFC0];
	v9 =	vadd.f32 v9, v7  }
0xad: {  	v23 =	vld [tilespmem:s31+$0xFFFFFFD0];
	v10 =	vperm.xlane v19, v0;
	v5 =	vperm.xlane v5, v1  }
0xae: {  	s2 =	simm.s32 $0x4260;
	v18 =	vld [tilespmem:s31+$0x40];
	v11 =	vmul.f32 $2.000000030e-01, v9  }
0xaf: {  	v16 =	vld [tilespmem:s2+$0x10];
	v12 =	vperm.xlane v2, v0;
	v10 =	vadd.f32 v5, v10;
	v5 =	vperm.xlane v8, v1  }
0xb0: {  	v20 =	vld [tilespmem:s2+$0xFFFFFFE0];
	v8 =	vperm.xlane v4, v1;
	v13 =	vperm.xlane v3, v0;
	v9 =	vmax.f32 v9, v11  }
0xb1: {  	v21 =	vld [tilespmem:s2+$0xFFFFFFF0];
	v12 =	vadd.f32 v5, v12;
	v11 =	vmul.f32 $2.000000030e-01, v10;
	v14 =	vmul.f32 $1.442695020e+00, v9  }
0xb2: {  	s0 =	simm.s32 $0x2380;
	v22 =	vld [tilespmem:s2+$0x0];
	v13 =	vadd.f32 v8, v13  }
0xb3: {  	v8 =	vld [tilespmem:s0+$0x60];
	v10 =	vmax.f32 v10, v11;
	v11 =	vmul.f32 $2.000000030e-01, v12;
	(erf) = vpow2.f32 v14  }
0xb4: {  	v7 =	vld [tilespmem:s31+$0xFFFFFF90];
	v14 =	vmul.f32 $2.000000030e-01, v13;
	v10 =	vmul.f32 $1.442695020e+00, v10  }
0xb5: {  	v4 =	vld [tilespmem:s31+$0x0];
	v11 =	vmax.f32 v12, v11  }
0xb6: {  	v12 =	vmax.f32 v13, v14;
	v11 =	vmul.f32 $1.442695020e+00, v11;
	(erf) = vpow2.f32 v10;
	v10 =	vld [tilespmem:s0+$0xFFFFFFE0]  }
0xb7: {  	v16 =	vperm.xlane v16, v1;
	v5 =	vld [tilespmem:s31+$0x10];
	v12 =	vmul.f32 $1.442695020e+00, v12  }
0xb8: {  	v9 =	vld [tilespmem:s31+$0x50];
	v13 =	vperm.xlane v8, v0;
	(erf) = vpow2.f32 v11  }
0xb9: {  	v11 =	vld [tilespmem:s0+$0x20];
	(erf) = vpow2.f32 v12  }
0xba: {  	v25 =	vperm.xlane v20, v1;
	v12 =	vld [tilespmem:s0+$0xFFFFFFA0];
	v24 =	vadd.f32 v16, v13  }
0xbb: {  	v21 =	vperm.xlane v21, v1;
	v14 =	vld [tilespmem:s0+$0xFFFFFF80];
	v20 =	vperm.xlane v10, v0  }
0xbc: {  	v16 =	vld [tilespmem:s0+$0xFFFFFF90];
	v28 =	vmul.f32 $2.000000030e-01, v24;
	v13 =	vpop (erf)  }
0xbd: {  	v29 =	vadd.f32 v21, v20;
	v21 =	vld [tilespmem:s0+$0xFFFFFFD0];
	v20 =	vperm.xlane v22, v1;
	v22 =	vmul.f32 v13, v18  }
0xbe: {  	v27 =	vperm.xlane v11, v0;
	v28 =	vmax.f32 v24, v28;
	v26 =	vmul.f32 v13, v15;
	v15 =	vld [tilespmem:s0+$0xFFFFFFC0]  }
0xbf: {  	v31 =	vperm.xlane v12, v0;
	v18 =	vld [tilespmem:s0+$0x0];
	v34 =	vmul.f32 $1.442695020e+00, v28;
	v30 =	vpop (erf)  }
0xc0: {  	v33 =	vmul.f32 $2.000000030e-01, v29;
	v24 =	vadd.f32 v20, v27;
	v20 =	vld [tilespmem:s0+$0x10];
	v32 =	vmul.f32 v30, v17;
	[tilespmem:s31+$0x60] =	vst v26  }
0xc1: {  	[tilespmem:s31+$0x40] =	vst v22;
	v25 =	vadd.f32 v25, v31;
	v17 =	vld [tilespmem:s0+$0x40];
	v27 =	vmul.f32 v30, v23;
	v26 =	vmul.f32 v30, v19;
	v22 =	vpop (erf)  }
0xc2: {  	s6 =	simm.s32 $0x4;
	s10 =	simm.s32 $0x2480;
	v19 =	vld [tilespmem:s0+$0x50];
	(erf) = vpow2.f32 v34;
	v29 =	vmax.f32 v29, v33;
	v28 =	vmul.f32 $2.000000030e-01, v24;
	[tilespmem:s31+$0xFFFFFFC0] =	vst v32;
	v23 =	vpop (erf)  }
.LBB2_5:
0xc3: {  	v30 =	vld [tilespmem:s10+$0x60];
	v31 =	vmul.f32 $2.000000030e-01, v25;
	v29 =	vmul.f32 $1.442695020e+00, v29;
	s2 =	sadd.s32 $0x40, s2;
	[tilespmem:s31+$0xFFFFFFD0] =	vst v27;
	v27 =	vmov v21  }
0xc4: {  	s6 =	sadd.s32 $0x4, s6;
	v32 =	vmul.f32 v23, v7;
	v21 =	vld [tilespmem:s2+$0x10];
	v24 =	vmax.f32 v24, v28;
	v28 =	vmul.f32 v23, v6;
	[tilespmem:s31+$0xFFFFFFE0] =	vst v26  }
0xc5: {  	v7 =	vmovc v16;
	p1 =	slt.u32 s6, $0x7C;
	v6 =	vmovc v14;
	v26 =	vld [tilespmem:s2+$0xFFFFFFE0];
	v25 =	vmax.f32 v25, v31;
	v24 =	vmul.f32 $1.442695020e+00, v24;
	(erf) = vpow2.f32 v29  }
0xc6: {  	v16 =	vmul.f32 v23, v3;
	v3 =	vmov v12;
	v31 =	vld [tilespmem:s10+$0xFFFFFFE0];
	v14 =	vmul.f32 $1.442695020e+00, v25;
	[tilespmem:s31+$0xFFFFFF80] =	vst v28  }
0xc7: {  	v12 =	vmul.f32 v22, v4;
	v4 =	vmov v18;
	v23 =	vld [tilespmem:s2+$0xFFFFFFF0];
	(erf) = vpow2.f32 v24;
	[tilespmem:s31+$0xFFFFFF90] =	vst v32  }
0xc8: {  	v18 =	vld [tilespmem:s10+$0x20];
	(erf) = vpow2.f32 v14;
	[tilespmem:s31+$0xFFFFFFA0] =	vst v16;
	v14 =	vmul.f32 v22, v5;
	v5 =	vmov v20  }
0xc9: {  	v16 =	vperm.xlane v30, v0;
	v20 =	vld [tilespmem:s2+$0x0];
	v21 =	vperm.xlane v21, v1;
	[tilespmem:s31+$0x0] =	vst v12  }
0xca: {  	v22 =	vmul.f32 v22, v2;
	v2 =	vmov v11;
	v12 =	vld [tilespmem:s10+$0xFFFFFFA0];
	v25 =	vperm.xlane v26, v1;
	[tilespmem:s31+$0x10] =	vst v14  }
0xcb: {  	v28 =	vmul.f32 v13, v9;
	v14 =	vld [tilespmem:s10+$0xFFFFFF80];
	v24 =	vperm.xlane v31, v0;
	v26 =	vadd.f32 v21, v16;
	v13 =	vpop (erf)  }
0xcc: {  	v9 =	vmovc v19;
	v16 =	vld [tilespmem:s10+$0xFFFFFF90];
	v21 =	vperm.xlane v23, v1;
	v29 =	vmul.f32 v13, v8;
	[tilespmem:s31+$0x20] =	vst v22;
	v8 =	vmov v30  }
0xcd: {  	v30 =	vld [tilespmem:s10+$0xFFFFFFC0];
	v19 =	vperm.xlane v18, v0;
	v35 =	vmul.f32 $2.000000030e-01, v26;
	[tilespmem:s31+$0x50] =	vst v28;
	v11 =	vmov v18;
	s31 =	smov.u32 s0;
	s0 =	smov.u32 s10  }
.Ltmp3:
0xce: {  	v17 =	vmul.f32 v13, v17;
	v28 =	vadd.f32 v21, v24;
	v21 =	vld [tilespmem:s10+$0xFFFFFFD0];
	v20 =	vperm.xlane v20, v1;
	[tilespmem:s31+$0x60] =	vst v29;
	v23 =	vpop (erf);
	(pc) =	sbr.rel @p1 .LBB2_5-.Ltmp3, $4  }
0xcf: {  	v29 =	vperm.xlane v12, v0;
	v18 =	vld [tilespmem:s10+$0x0];
	v26 =	vmax.f32 v26, v35;
	v34 =	vmul.f32 v23, v15  }
0xd0: {  	v32 =	vmul.f32 $2.000000030e-01, v28;
	v24 =	vadd.f32 v20, v19;
	v20 =	vld [tilespmem:s10+$0x10];
	v33 =	vmul.f32 $1.442695020e+00, v26;
	[tilespmem:s31+$0x40] =	vst v17;
	v22 =	vpop (erf)  }
0xd1: {  	v27 =	vmul.f32 v23, v27;
	v26 =	vmul.f32 v23, v10;
	v25 =	vadd.f32 v25, v29;
	v17 =	vld [tilespmem:s10+$0x40];
	[tilespmem:s31+$0xFFFFFFC0] =	vst v34;
	v23 =	vpop (erf)  }
0xd2: {  	v10 =	vmovc v31;
	s10 =	sadd.s32 $0x100, s10;
	v29 =	vmax.f32 v28, v32;
	v28 =	vmul.f32 $2.000000030e-01, v24;
	v19 =	vld [tilespmem:s0+$0x50];
	(erf) = vpow2.f32 v33;
	v15 =	vmovc v30  }
0xd3: {  	v29 =	vmul.f32 $1.442695020e+00, v29  }
0xd4: {  	v30 =	vmul.f32 $2.000000030e-01, v25  }
0xd5: {  	[tilespmem:s31+$0xFFFFFFD0] =	vst v27;
	v3 =	vmul.f32 v23, v3;
	v24 =	vmax.f32 v24, v28;
	(erf) = vpow2.f32 v29  }
0xd6: {  	v6 =	vmul.f32 v23, v6;
	[tilespmem:s31+$0xFFFFFFE0] =	vst v26;
	v24 =	vmul.f32 $1.442695020e+00, v24  }
0xd7: {  	v7 =	vmul.f32 v23, v7;
	[tilespmem:s31+$0xFFFFFFA0] =	vst v3;
	v3 =	vmul.f32 v22, v5  }
0xd8: {  	v4 =	vmul.f32 v22, v4;
	v25 =	vmax.f32 v25, v30;
	[tilespmem:s31+$0xFFFFFF80] =	vst v6;
	(erf) = vpow2.f32 v24  }
0xd9: {  	[tilespmem:s31+$0xFFFFFF90] =	vst v7;
	v25 =	vmul.f32 $1.442695020e+00, v25  }
0xda: {  	v2 =	vmul.f32 v22, v2;
	[tilespmem:s31+$0x0] =	vst v4  }
0xdb: {  	v53 =	vmul.f32 v13, v9;
	[tilespmem:s31+$0x10] =	vst v3;
	(erf) = vpow2.f32 v25;
	v3 =	vpop (erf)  }
0xdc: {  	[tilespmem:s31+$0x20] =	vst v2;
	v54 =	vmul.f32 v3, v8  }
0xdd: {  	[tilespmem:s31+$0x50] =	vst v53;
	v2 =	vmul.f32 v3, v17  }
0xde: {  	v3 =	vmul.f32 v3, v19;
	v55 =	vpop (erf);
	[tilespmem:s0+$0x60] =	vst v54  }
0xdf: {  	[tilespmem:s0+$0x40] =	vst v2;
	v56 =	vmul.f32 v55, v15  }
0xe0: {  	[tilespmem:s0+$0x50] =	vst v3;
	v57 =	vmul.f32 v55, v21  }
0xe1: {  	v4 =	vmul.f32 v55, v10;
	v2 =	vpop (erf);
	[tilespmem:s0+$0xFFFFFFC0] =	vst v56  }
0xe2: {  	[tilespmem:s0+$0xFFFFFFD0] =	vst v57;
	v62 =	vmul.f32 v2, v18  }
0xe3: {  	[tilespmem:s0+$0xFFFFFFE0] =	vst v4;
	v63 =	vmul.f32 v2, v20  }
0xe4: {  	v58 =	vpop (erf);
	v2 =	vmul.f32 v2, v11;
	[tilespmem:s0+$0x0] =	vst v62  }
.Ltmp4:
0xe5: {  	v59 =	vmul.f32 v58, v14;
	[tilespmem:s0+$0x10] =	vst v63;
	(pc) =	sbr.rel @p0 .LBB2_8-.Ltmp4, $4  }
0xe6: {  	v60 =	vmul.f32 v58, v16;
	[tilespmem:s0+$0x20] =	vst v2  }
0xe7: {  	v61 =	vmul.f32 v58, v12;
	[tilespmem:s0+$0xFFFFFF80] =	vst v59  }
0xe8: {  	[tilespmem:s0+$0xFFFFFF90] =	vst v60  }
0xe9: {  	[tilespmem:s0+$0xFFFFFFA0] =	vst v61  }
0xea: {  	[tilespmem:s17], [sflag:$0x5] =	stream.indirect.gather [hbm4b:s5+s15], $0x10, s13, s15, $0xb8;
	[tilespmem:$0xE800] =	vst v63  }
0xeb: {  	_ = 	snop  }
0xec: {  	[spmem:s1] =	stream.indirect.scatter.add.f32 [tilespmem:s22], [sflag:$0x6], $0x40, s20, s15, $0xb8;
	[tilespmem:$0xE800] =	vst v63  }
0xed: {  	_ =	swait.ge [sflag:s12], $0x2000  }
.Ltmp5:
0xee: {  	s0 =	sadd.s32 $0x30, s30;
	[sflag:s12] =	ssyncset.done $0x0;
	(pc) =	sbr.rel .LBB2_2-.Ltmp5, $4  }
0xef: {  	s2 =	sadd.s32 s8, s0;
	[sflag:s12] =	ssyncadd.s32 $0xFFFFE000  }
0xf0: {  	[tilespmem:s15], [sflag:$0x2] =	stream.linear.gather [hbm4b:s2+s3], $0x80, $0x38;
	[tilespmem:$0xE800] =	vst v63  }
0xf1: {  	s29 =	sadd.s32 $0x1, s29;
	s0 =	sadd.s32 s9, s0  }
0xf2: {  	[tilespmem:s20], [sflag:$0x2] =	stream.linear.gather [hbm4b:s0+s3], $0x80, $0x38;
	[tilespmem:$0xE800] =	vst v63  }
.LBB2_9:
0xf3: {  	_ =	sfence.sel $0x180000  }
0xf4: {  	[bflag:$0x0] =	sbarrier.arrive $0xFFFF  }
0xf5: {  	_ =	strace $0x9000004A  }
0xf6: {  	s0 =	stileid.u32;
	[bflag:$0x2] =	sbarrier.arrive $0xFFFF  }
0xf7: {  	p0 =	sne.s32 s0, $0x0;
	s0 =	rddreg [dreg:$0x3]  }
0xf8: {  	s0 =	sadd.s32 @!p0 $0x100000, s0  }
0xf9: {  	[sflag:s0] =	ssyncadd.tile.s32 @!p0 $0x1;
	_ =	shalt  }
.Lfunc_end2:
_tile_overlayer_lowered:
.L_overlay_start_2:
0xfa: {  	(tag) =	ssettag $0x2  }
0xfb: {  	s0 =	rddreg [dreg:$0x0];
	s2 =	stileid.u32  }
0xfc: {  	s1 =	rddreg [dreg:$0x1];
	p0 =	sne.s32 s2, $0x0  }
0xfd: {  	s3 =	rddreg [dreg:$0x2];
	[bflag:$0x3] =	sbarrier.arrive $0xFFFF;
	s2 =	simm.s32 @!p0 $0x1C06  }
0xfe: {  	[timem:s3], [sflag:s2] =	dma.local @!p0 [hbm:s0], s1  }
0xff: {  	s0 =	simm.s32 @!p0 $0x6  }
0x100: {  	_ =	swait.ge @!p0 [sflag:s0], s1  }
0x101: {  	s1 =	ssub.s32 @!p0 $0x0, s1;
	[sflag:s0] =	ssyncset.done @!p0 $0x0  }
0x102: {  	[sflag:s0] =	ssyncadd.s32 @!p0 s1  }
0x103: {  	[bflag:$0x3] =	sbarrier.arrive $0xFFFF  }
0x104: {  	_ =	shalt  }

// kernel: kernel.8.cloned.1.call-start
scs
__scs_entry_jumppad:
0x0: {  	(pc) =	sbr.rel $0x88, $3  }
0x1: {  	(tag) =	ssettag $0x0;
	lr =	simm.s32 $0x1  }
0x2: {  	[smem:$0x3F95] =	sst lr;
	_ =	strace $0xD0000000  }
0x3: {  	_ = 	snop  }
0x4: {  	_ = 	snop  }
0x5: {  	_ = 	snop  }
0x6: {  	_ = 	snop  }
0x7: {  	_ = 	snop  }
__scs_overlays_trampoline_lowered:
0x8: {  	[smem:$0x3FA4] =	sst s0  }
0x9: {  	[smem:$0x3FA5] =	sst s1  }
0xa: {  	[smem:$0x3FA6] =	sst s2  }
0xb: {  	[smem:$0x3FA7] =	sst s3  }
0xc: {  	[smem:$0x3FA8] =	sst s4  }
0xd: {  	[smem:$0x3FA9] =	sst s5  }
0xe: {  	[smem:$0x3FAA] =	sst s6  }
0xf: {  	[smem:$0x3FAB] =	sst s7  }
0x10: {  	[smem:$0x3FAC] =	sst s8  }
0x11: {  	[smem:$0x3FAD] =	sst s9;
	s0 =	simm.s32 @!p0 $0x0  }
0x12: {  	s1 =	sld [smem:$0x3F93];
	s0 =	simm.s32 @p0 $0x1  }
0x13: {  	[smem:$0x3FAE] =	sst s0;
	s0 =	simm.s32 @!p1 $0x0  }
0x14: {  	s2 =	sld [smem:$0x3F92];
	s0 =	simm.s32 @p1 $0x1  }
0x15: {  	[smem:$0x3FAF] =	sst s0;
	s0 =	simm.s32 @!p2 $0x0  }
0x16: {  	s3 =	sld [smem:$0x3FDB];
	s0 =	simm.s32 @p2 $0x1  }
0x17: {  	s4 =	simm.s32 $0x1BF5;
	[smem:$0x3FB1] =	sst s0  }
0x18: {  	s0 =	sld [smem:$0x3F94];
	_ =	swait.ge [sflag:s4], $0x0  }
0x19: {  	s7 =	sld [smem:$0x3F95]  }
0x1a: {  	s8 =	sadd.s32 $0xFFFFE003, lr  }
0x1b: {  	s9 =	sadd.s32 $0xFFFFFEF7, lr;
	s5 =	simm.s32 $0xFFFFFFFF;
	p2 =	slt.u32 s8, $0xFFFFF086  }
0x1c: {  	p1 =	slt.u32 s9, $0xF7A;
	s5 =	simm.s32 @!p2 $0x0  }
0x1d: {  	s5 =	simm.s32 @p1 $0x1;
	p0 =	seq.s32 s7, s2  }
0x1e: {  	s7 =	smul.u32 @!p0 $0xF7A, s2;
	p2 =	seq.s32 @!p0 s5, $0x0  }
0x1f: {  	s9 =	smul.u32 $0xF7A, s1;
	s8 =	simm.s32 @!p0 $0x1BF5;
	p2 =	por !p2, p0  }
0x20: {  	[sflag:s8] =	ssyncset.s32 @!p0 $0xFFFFF086;
	s6 =	sadd.s32 @!p0 s3, s7;
	s7 =	simm.s32 @!p0 $0x108  }
0x21: {  	s3 =	sadd.s32 s3, s9;
	s6 =	sadd.s32 @!p0 $0x88, s6;
	s7 =	simm.s32 @p2 $0x1082  }
0x22: {  	[simem:s7], [sflag:s8] =	dma.local @!p0 [hbm:s6], $0xF7A  }
0x23: {  	s9 =	sor.u32 $0xD0000000, s2;
	s6 =	simm.s32 $0x108;
	_ =	swait.ge @!p0 [sflag:s8], $0x0  }
0x24: {  	s3 =	sadd.s32 $0x88, s3;
	s6 =	simm.s32 @!p1 $0x1082;
	[sflag:s4] =	ssyncset.s32 $0xFFFFF086  }
0x25: {  	[simem:s6], [sflag:s4] =	dma.local [hbm:s3], $0xF7A  }
0x26: {  	[smem:$0x3F95] =	sst s1;
	(tag) =	ssettag s2;
	_ =	strace s9  }
0x27: {  	s1 =	sld [smem:$0x3FA5]  }
0x28: {  	s2 =	sld [smem:$0x3FA6]  }
0x29: {  	s4 =	sld [smem:$0x3FA8]  }
0x2a: {  	p0 =	seq.s32 s5, $0x0;
	s5 =	sld [smem:$0x3FA9]  }
0x2b: {  	s6 =	sld [smem:$0x3FAA]  }
0x2c: {  	s7 =	sld [smem:$0x3FAB]  }
0x2d: {  	s3 =	simm.s32 $0x108;
	s8 =	sld [smem:$0x3FAC]  }
0x2e: {  	s3 =	simm.s32 @!p0 $0x1082;
	s9 =	sld [smem:$0x3FAD]  }
0x2f: {  	lr =	sadd.s32 s0, s3;
	s0 =	sld [smem:$0x3FA4]  }
0x30: {  	s3 =	sld [smem:$0x3FA7]  }
0x31: {  	[smem:$0x3FB0] =	sst s10  }
0x32: {  	s10 =	sld [smem:$0x3FAE];
	_ =	sdelay $0x3  }
0x33: {  	p0 =	seq.s32 s10, $0x1;
	s10 =	sld [smem:$0x3FB0];
	_ =	sdelay $0x3  }
0x34: {  	[smem:$0x3FB0] =	sst s10  }
0x35: {  	s10 =	sld [smem:$0x3FAF];
	_ =	sdelay $0x3  }
0x36: {  	p1 =	seq.s32 s10, $0x1;
	s10 =	sld [smem:$0x3FB0];
	_ =	sdelay $0x3  }
0x37: {  	[smem:$0x3FB0] =	sst s10  }
0x38: {  	s10 =	sld [smem:$0x3FB1]  }
0x39: {  	_ = 	snop;
	(pc) =	sbr.ind lr, $3  }
0x3a: {  	_ = 	snop  }
0x3b: {  	_ = 	snop  }
0x3c: {  	p2 =	seq.s32 s10, $0x1;
	s10 =	sld [smem:$0x3FB0]  }
0x3d: {  	_ =	shalt  }
0x3e: {  	_ =	shalt  }
0x3f: {  	_ =	shalt  }
0x40: {  	_ =	shalt  }
0x41: {  	_ =	shalt  }
0x42: {  	_ =	shalt  }
0x43: {  	_ =	shalt  }
0x44: {  	_ =	shalt  }
0x45: {  	_ =	shalt  }
0x46: {  	_ =	shalt  }
0x47: {  	_ =	shalt  }
0x48: {  	_ =	shalt  }
0x49: {  	_ =	shalt  }
0x4a: {  	_ =	shalt  }
0x4b: {  	_ =	shalt  }
0x4c: {  	_ =	shalt  }
0x4d: {  	_ =	shalt  }
0x4e: {  	_ =	shalt  }
0x4f: {  	_ =	shalt  }
0x50: {  	_ =	shalt  }
0x51: {  	_ =	shalt  }
0x52: {  	_ =	shalt  }
0x53: {  	_ =	shalt  }
0x54: {  	_ =	shalt  }
0x55: {  	_ =	shalt  }
0x56: {  	_ =	shalt  }
0x57: {  	_ =	shalt  }
0x58: {  	_ =	shalt  }
0x59: {  	_ =	shalt  }
0x5a: {  	_ =	shalt  }
0x5b: {  	_ =	shalt  }
0x5c: {  	_ =	shalt  }
0x5d: {  	_ =	shalt  }
0x5e: {  	_ =	shalt  }
0x5f: {  	_ =	shalt  }
0x60: {  	_ =	shalt  }
0x61: {  	_ =	shalt  }
0x62: {  	_ =	shalt  }
0x63: {  	_ =	shalt  }
0x64: {  	_ =	shalt  }
0x65: {  	_ =	shalt  }
0x66: {  	_ =	shalt  }
0x67: {  	_ =	shalt  }
0x68: {  	_ =	shalt  }
0x69: {  	_ =	shalt  }
0x6a: {  	_ =	shalt  }
0x6b: {  	_ =	shalt  }
0x6c: {  	_ =	shalt  }
0x6d: {  	_ =	shalt  }
0x6e: {  	_ =	shalt  }
0x6f: {  	_ =	shalt  }
0x70: {  	_ =	shalt  }
0x71: {  	_ =	shalt  }
0x72: {  	_ =	shalt  }
0x73: {  	_ =	shalt  }
0x74: {  	_ =	shalt  }
0x75: {  	_ =	shalt  }
0x76: {  	_ =	shalt  }
0x77: {  	_ =	shalt  }
0x78: {  	_ =	shalt  }
0x79: {  	_ =	shalt  }
0x7a: {  	_ =	shalt  }
0x7b: {  	_ =	shalt  }
0x7c: {  	_ =	shalt  }
0x7d: {  	_ =	shalt  }
0x7e: {  	_ =	shalt  }
0x7f: {  	_ =	shalt  }
0x80: {  	_ =	shalt  }
0x81: {  	_ =	shalt  }
0x82: {  	_ =	shalt  }
0x83: {  	_ =	shalt  }
0x84: {  	_ =	shalt  }
0x85: {  	_ =	shalt  }
0x86: {  	_ =	shalt  }
0x87: {  	_ =	shalt  }
.Lfunc_end0:
.L_simem_size_0:
called_computation_lowered:
.L_overlay_start_0:
0x88: {  	s2 =	sld [smem:$0x3FD9]  }
0x89: {  	s3 =	sld [smem:$0x3FFE];
	_ =	sdelay $0x1  }
0x8a: {  	s1 =	srdreg.scid  }
0x8b: {  	s0 =	sand.u32 $0x1, s1  }
0x8c: {  	s17 =	sshll.u32 s0, $0xA;
	s2 =	sadd.s32 s3, s2  }
0x8d: {  	s2 =	sadd.s32 s2, s17  }
0x8e: {  	[smem:$0x3FBC] =	sst s2  }
0x8f: {  	_ = 	snop  }
0x90: {  	s2 =	sld [smem:$0x3FD0];
	(tm) =	ssettm $0x1  }
0x91: {  	s18 =	sld [smem:$0x3FFB];
	_ =	sdelay $0x3  }
0x92: {  	_ =	strace s18  }
0x93: {  	s3 =	sld [smem:$0x3FFC];
	_ =	sdelay $0x3  }
0x94: {  	_ =	strace s3  }
0x95: {  	s3 =	sld [smem:$0x3FFD];
	_ =	sdelay $0x3  }
0x96: {  	_ =	strace s3  }
0x97: {  	_ =	strace $0x8FFFFFFF  }
0x98: {  	s19 =	sld [smem:$0x3FDB];
	_ =	sdelay $0x1  }
0x99: {  	s4 =	simm.s32 $_scs_section_size  }
0x9a: {  	s5 =	simm.s32 $_size__tile_overlayer_lowered;
	s6 =	simm.s32 $_tile_overlayer_lowered  }
0x9b: {  	s22 =	simm.s32 $0x1BFF;
	s21 =	sshll.u32 s6, $0x1;
	s3 =	sadd.s32 s4, s19  }
0x9c: {  	s7 =	simm.s32 $0x0;
	s20 =	sshll.u32 s5, $0x1;
	s5 =	sadd.s32 s21, s3  }
0x9d: {  	[timem:s7], [sflag:s22] =	dma.local [hbm:s5], s20  }
0x9e: {  	_ =	swait.ge [sflag:s22], s20  }
0x9f: {  	s4 =	ssub.s32 $0x0, s20;
	[sflag:s22] =	ssyncset.done $0x0  }
0xa0: {  	[sflag:s22] =	ssyncadd.s32 s4;
	_ =	sdelay $0x1  }
0xa1: {  	s23 =	simm.s32 $0x1B8B  }
0xa2: {  	_ =	swait.ge [sflag:s23], $0x1  }
0xa3: {  	[sflag:s23] =	ssyncset.done $0x0  }
0xa4: {  	s25 =	simm.s32 $0x1B8E;
	s24 =	sld [smem:$0x3FFE];
	[sflag:s23] =	ssyncadd.s32 $0xFFFFFFFF  }
0xa5: {  	s26 =	simm.s32 $execute0_lowered;
	[smem:$0x3FD2] =	sst s25  }
0xa6: {  	s5 =	sshll.u32 s26, $0x1;
	_ =	strace $0x80000046;
	[dreg:$0x1] =	wrdreg $0xFFFFFFFF  }
0xa7: {  	s28 =	simm.s32 $_size_execute0_lowered;
	s3 =	sadd.s32 s3, s5;
	[dreg:$0x0] =	wrdreg $0x0  }
0xa8: {  	s5 =	sshll.u32 s28, $0x1;
	[dreg:$0x2] =	wrdreg s3  }
0xa9: {  	[dreg:$0x3] =	wrdreg s5  }
0xaa: {  	[dreg:$0x4] =	wrdreg $0xC0  }
0xab: {  	_ =	task [dreg:s7], $0x5FFFF  }
0xac: {  	[dreg:$0x1] =	wrdreg $0xFFFFFFFF  }
0xad: {  	[dreg:$0x0] =	wrdreg $0x60  }
0xae: {  	[dreg:$0x2] =	wrdreg s24  }
0xaf: {  	[dreg:$0x3] =	wrdreg s2  }
0xb0: {  	[dreg:$0x4] =	wrdreg $0x9A000  }
0xb1: {  	[dreg:$0x5] =	wrdreg $0x9  }
0xb2: {  	_ =	task.clear_ibuf [dreg:s7], $0x6FFFF;
	_ =	strace $0x90000046  }
0xb3: {  	s29 =	simm.s32 $0x9;
	_ =	strace $0x80000048  }
0xb4: {  	_ =	swait.ge [sflag:s29], $0x1  }
0xb5: {  	[sflag:s29] =	ssyncadd.s32 $0xFFFFFFFF  }
0xb6: {  	_ =	strace $0x90000048  }
0xb7: {  	_ =	sfence  }
0xb8: {  	s30 =	sld [smem:$0x0];
	_ =	sdelay $0x2  }
0xb9: {  	s31 =	sshll.u32 s1, $0xD;
	s1 =	sshrl.u32 s1, $0x2  }
0xba: {  	s3 =	sand.u32 $0x4000, s31;
	s1 =	sadd.s32 s1, s30  }
0xbb: {  	s0 =	sor.u32 s3, s0;
	s1 =	sshll.u32 s1, $0x11  }
0xbc: {  	s0 =	sor.u32 s1, s0  }
0xbd: {  	s0 =	sadd.s32 $0x8F2B, s0  }
0xbe: {  	[sflag:s0] =	ssyncadd.remote.s32 $0x1  }
0xbf: {  	_ =	sfence.sel $0xFFFF  }
0xc0: {  	[dreg:$0x0] =	wrdreg $0xFFFFFFFF;
	(pc) =	sbr.abs _section_cstart, $3  }
0xc1: {  	[dreg:$0x1] =	wrdreg $0xFFFFFFFF  }
0xc2: {  	_ =	task.clear_ibuf [dreg:s7], $0x2FFFF;
	_ =	strace $0x9FFFFFFF  }
0xc3: {  	(tm) =	ssettm $0x7FFFFFFF  }
tec
execute0_lowered:
.L_overlay_start_1:
0x0: {  	(tag) =	ssettag $0x1  }
0x1: {  	s0 =	rddreg [dreg:$0x0]  }
0x2: {  	s2 =	rddreg [dreg:$0x1]  }
0x3: {  	s1 =	rddreg [dreg:$0x2]  }
0x4: {  	s3 =	srdreg.scid;
	s13 =	stileid.u32  }
0x5: {  	s14 =	simm.s32 $0x1;
	s15 =	simm.s32 $0x80;
	s16 =	simm.s32 $0x200  }
0x6: {  	s17 =	simm.s32 $0x9200;
	s20 =	simm.s32 $0x180;
	s21 =	simm.s32 $0x2  }
0x7: {  	s22 =	simm.s32 $0x4A00;
	s23 =	simm.s32 $0x3;
	s25 =	simm.s32 $0x5  }
0x8: {  	s26 =	simm.s32 $0x4;
	s28 =	simm.s32 $0x0;
	s6 =	smul.u32 $0xA00, s13  }
0x9: {  	s4 =	sand.u32 $0x1, s3;
	s3 =	simm.s32 $0x0;
	s7 =	smul.u32 $0x16380, s13  }
0xa: {  	s31 =	sshll.u32 s13, $0x6;
	s13 =	simm.s32 $0x100;
	s5 =	smul.u32 $0x4F00, s4  }
0xb: {  	[smem:$0x7FF] =	sst s3;
	s29 =	smul.u32 $0x2C700, s4;
	s4 =	ssub.s32 $0x2, s4  }
0xc: {  	_ =	strace $0x80000047;
	s8 =	sadd.s32 s6, s0;
	s24 =	sshrl.u32 s7, $0x3  }
0xd: {  	s10 =	sshrl.u32 s4, $0x1;
	s12 =	sadd.s32 s7, s1;
	s6 =	sadd.s32 s2, s6  }
0xe: {  	s9 =	sadd.s32 s5, s0;
	s11 =	sadd.s32 s24, s0;
	s0 =	sadd.s32 s29, s0  }
.Ltmp0:
0xf: {  	s4 =	ssub.s32 s4, s10;
	s5 =	sor.u32 $0x1C06, s31;
	(pc) =	sbr.rel .LBB2_1-.Ltmp0, $4  }
0x10: {  	s7 =	sadd.s32 $0xA200, s8;
	s18 =	sadd.s32 $0x10, s6;
	s30 =	sadd.s32 $0x14200, s11  }
0x11: {  	s8 =	sadd.s32 $0x9E400, s0;
	s9 =	sadd.s32 $0x400, s9;
	s0 =	sadd.s32 $0x40A00, s0  }
0x12: {  	v0 =	vimm.s32 $0x0;
	s10 =	smax.u32 s4, $0x1;
	s11 =	sshrl.u32 s12, $0x3;
	s12 =	simm.s32 $0x6  }
0x13: {  	v1 =	vimm.s32 $0x1;
	v2 =	vimm.s32 $0x2;
	v3 =	vimm.s32 $0x3;
	s19 =	sadd.s32 $0x10, s7;
	[dreg:$0x4] =	wrdreg s30;
	s24 =	sadd.s32 s24, s0  }
.LBB2_8:
0x14: {  	[spmem:s1] =	stream.indirect.scatter.add.f32 [tilespmem:s22], [sflag:$0x6], $0x90, s20, s15, $0xb8;
	[tilespmem:$0x1FD80] =	vst v63  }
0x15: {  	_ =	swait.ge [sflag:s12], $0x4800  }
0x16: {  	s28 =	sadd.s32 $0x1, s28;
	[sflag:s12] =	ssyncset.done $0x0  }
0x17: {  	p0 =	sne.s32 s28, s10;
	[sflag:s12] =	ssyncadd.s32 $0xFFFFB800  }
.Ltmp1:
0x18: {  	[bflag:$0x0] =	sbarrier.arrive $0xFFFF;
	(pc) =	sbr.rel @!p0 .LBB2_9-.Ltmp1, $4  }
0x19: {  	[hbm:s24], [sflag:s5] =	dma.local [spmem:s11], $0x2C70  }
0x1a: {  	_ =	swait.ge [sflag:s12], $0x2C70  }
0x1b: {  	[sflag:s12] =	ssyncset.done $0x0  }
0x1c: {  	[sflag:s12] =	ssyncadd.s32 $0xFFFFD390  }
.LBB2_1:
0x1d: {  	s0 =	rddreg [dreg:$0x4]  }
0x1e: {  	[spmem:s11], [sflag:s5] =	dma.local [hbm:s0], $0x2C70  }
0x1f: {  	_ =	swait.ge [sflag:s12], $0x2C70  }
0x20: {  	[sflag:s12] =	ssyncset.done $0x0  }
0x21: {  	[sflag:s12] =	ssyncadd.s32 $0xFFFFD390  }
0x22: {  	[bflag:$0x0] =	sbarrier.arrive $0xFFFF  }
0x23: {  	[tilespmem:s3], [sflag:$0x1] =	stream.linear.gather [hbm4b:s6+s3], $0x80, $0x38;
	[tilespmem:$0x1FD80] =	vst v63  }
0x24: {  	_ = 	snop  }
0x25: {  	[tilespmem:s13], [sflag:$0x1] =	stream.linear.gather [hbm4b:s7+s3], $0x80, $0x38;
	[tilespmem:$0x1FD80] =	vst v63  }
0x26: {  	_ =	swait.ge [sflag:s14], $0x80  }
0x27: {  	[sflag:s14] =	ssyncset.done $0x0  }
0x28: {  	[sflag:s14] =	ssyncadd.s32 $0xFFFFFF80  }
0x29: {  	_ =	swait.ge [sflag:s14], $0x80  }
0x2a: {  	[sflag:s14] =	ssyncset.done $0x0  }
0x2b: {  	[sflag:s14] =	ssyncadd.s32 $0xFFFFFF80  }
0x2c: {  	[tilespmem:s16], [sflag:$0x3] =	stream.indirect.gather [hbm4b:s8+s15], $0x90, s3, s15, $0xb8;
	[tilespmem:$0x1FD80] =	vst v63  }
0x2d: {  	_ = 	snop  }
0x2e: {  	[tilespmem:s17], [sflag:$0x5] =	stream.indirect.gather [hbm4b:s9+s15], $0x10, s13, s15, $0xb8;
	[tilespmem:$0x1FD80] =	vst v63  }
0x2f: {  	_ = 	snop  }
0x30: {  	[tilespmem:s15], [sflag:$0x2] =	stream.linear.gather [hbm4b:s18+s3], $0x80, $0x38;
	[tilespmem:$0x1FD80] =	vst v63  }
0x31: {  	s29 =	simm.s32 $0x0  }
0x32: {  	[tilespmem:s20], [sflag:$0x2] =	stream.linear.gather [hbm4b:s19+s3], $0x80, $0x38;
	[tilespmem:$0x1FD80] =	vst v63  }
.LBB2_2:
0x33: {  	_ =	swait.ge [sflag:s21], $0x80  }
0x34: {  	[sflag:s21] =	ssyncset.done $0x0  }
0x35: {  	[sflag:s21] =	ssyncadd.s32 $0xFFFFFF80  }
0x36: {  	_ =	swait.ge [sflag:s21], $0x80  }
0x37: {  	[sflag:s21] =	ssyncset.done $0x0  }
0x38: {  	[sflag:s21] =	ssyncadd.s32 $0xFFFFFF80  }
0x39: {  	[tilespmem:s22], [sflag:$0x4] =	stream.indirect.gather [hbm4b:s8+s15], $0x90, s15, s15, $0xb8;
	[tilespmem:$0x1FD80] =	vst v63  }
0x3a: {  	_ =	swait.ge [sflag:s23], $0x4800  }
0x3b: {  	[sflag:s23] =	ssyncset.done $0x0  }
0x3c: {  	[sflag:s23] =	ssyncadd.s32 $0xFFFFB800  }
0x3d: {  	_ =	swait.ge [sflag:s25], $0x800  }
0x3e: {  	[sflag:s25] =	ssyncset.done $0x0  }
0x3f: {  	s30 =	simm.s32 $0x320;
	[sflag:s25] =	ssyncadd.s32 $0xFFFFF800  }
0x40: {  	s31 =	simm.s32 $0x9220;
	v4 =	vld [tilespmem:s30+$0x110]  }
0x41: {  	v5 =	vld [tilespmem:s31+$0x10]  }
0x42: {  	v6 =	vld [tilespmem:s30+$0xFFFFFFF0]  }
0x43: {  	v7 =	vld [tilespmem:s31+$0xFFFFFFF0]  }
0x44: {  	v8 =	vld [tilespmem:s30+$0x80]  }
0x45: {  	v9 =	vld [tilespmem:s31+$0x0]  }
0x46: {  	v10 =	vld [tilespmem:s31+$0xFFFFFFE0];
	v4 =	vadd.f32 v5, v4  }
0x47: {  	v19 =	vld [tilespmem:s30+$0xFFFFFEE0]  }
0x48: {  	v5 =	vld [tilespmem:s30+$0xFFFFFF60];
	v6 =	vadd.f32 v7, v6;
	v11 =	vmul.f32 $2.000000030e-01, v4  }
0x49: {  	v20 =	vld [tilespmem:s30+$0xFFFFFEF0]  }
0x4a: {  	v21 =	vld [tilespmem:s30+$0xFFFFFF00];
	v7 =	vadd.f32 v9, v8;
	v8 =	vmul.f32 $2.000000030e-01, v6;
	v4 =	vmax.f32 v4, v11  }
0x4b: {  	v22 =	vld [tilespmem:s30+$0xFFFFFF10];
	v4 =	vmul.f32 $1.442695020e+00, v4  }
0x4c: {  	v23 =	vld [tilespmem:s30+$0xFFFFFF20];
	v9 =	vmul.f32 $2.000000030e-01, v7;
	v6 =	vmax.f32 v6, v8  }
0x4d: {  	v24 =	vld [tilespmem:s30+$0xFFFFFF30];
	v5 =	vadd.f32 v10, v5;
	v6 =	vmul.f32 $1.442695020e+00, v6;
	(erf) = vpow2.f32 v4  }
0x4e: {  	v25 =	vld [tilespmem:s30+$0xFFFFFF40]  }
0x4f: {  	v26 =	vld [tilespmem:s30+$0xFFFFFF50];
	v7 =	vmax.f32 v7, v9;
	v4 =	vmul.f32 $2.000000030e-01, v5;
	(erf) = vpow2.f32 v6  }
0x50: {  	v27 =	vld [tilespmem:s30+$0xFFFFFF70];
	v7 =	vmul.f32 $1.442695020e+00, v7  }
0x51: {  	v28 =	vld [tilespmem:s30+$0xFFFFFF80];
	v4 =	vmax.f32 v5, v4  }
0x52: {  	v29 =	vld [tilespmem:s30+$0xFFFFFF90];
	(erf) = vpow2.f32 v7;
	v4 =	vmul.f32 $1.442695020e+00, v4  }
0x53: {  	v30 =	vld [tilespmem:s30+$0xFFFFFFA0]  }
0x54: {  	v31 =	vld [tilespmem:s30+$0xFFFFFFB0];
	(erf) = vpow2.f32 v4  }
0x55: {  	v37 =	vld [tilespmem:s30+$0xFFFFFFC0]  }
0x56: {  	v9 =	vld [tilespmem:s30+$0x100];
	v14 =	vpop (erf)  }
0x57: {  	v38 =	vld [tilespmem:s30+$0xFFFFFFD0];
	v4 =	vperm.xlane v14, v3  }
0x58: {  	v40 =	vld [tilespmem:s30+$0xFFFFFFE0];
	v7 =	vperm.xlane v14, v0;
	v6 =	vperm.xlane v14, v1;
	v17 =	vpop (erf)  }
0x59: {  	v12 =	vld [tilespmem:s30+$0x30];
	v5 =	vperm.xlane v14, v2;
	v33 =	vperm.xlane v17, v0  }
0x5a: {  	v13 =	vld [tilespmem:s30+$0x40];
	v39 =	vperm.xlane v17, v1;
	v41 =	vperm.xlane v17, v2  }
0x5b: {  	v16 =	vld [tilespmem:s30+$0x50];
	v34 =	vpop (erf);
	v42 =	vperm.xlane v17, v3;
	v32 =	vmul.f32 v9, v4  }
0x5c: {  	v8 =	vld [tilespmem:s30+$0x0];
	v15 =	vperm.xlane v34, v0;
	v11 =	vperm.xlane v34, v1  }
0x5d: {  	v10 =	vld [tilespmem:s30+$0x10];
	[tilespmem:s30+$0x110] =	vst v14;
	v18 =	vperm.xlane v34, v2;
	v14 =	vperm.xlane v34, v3;
	v35 =	vpop (erf)  }
0x5e: {  	[tilespmem:s30+$0xFFFFFFF0] =	vst v17;
	v17 =	vld [tilespmem:s30+$0x60];
	v30 =	vmul.f32 v30, v39;
	v36 =	vperm.xlane v35, v0  }
0x5f: {  	v9 =	vld [tilespmem:s30+$0x20];
	v31 =	vmul.f32 v31, v41;
	[tilespmem:s30+$0x100] =	vst v32;
	v32 =	vmul.f32 v28, v33  }
0x60: {  	[tilespmem:s30+$0x80] =	vst v34;
	v43 =	vperm.xlane v35, v1;
	v61 =	vmul.f32 v19, v36;
	v19 =	vld [tilespmem:s30+$0x70]  }
0x61: {  	v28 =	vmul.f32 v37, v41;
	[tilespmem:s30+$0xFFFFFF60] =	vst v35;
	v62 =	vmul.f32 v20, v36;
	v20 =	vld [tilespmem:s30+$0x90]  }
0x62: {  	v44 =	vperm.xlane v35, v2;
	v63 =	vmul.f32 v21, v43;
	v21 =	vld [tilespmem:s30+$0xA0];
	[tilespmem:s30+$0xFFFFFEE0] =	vst v61  }
0x63: {  	v45 =	vperm.xlane v35, v3;
	v43 =	vmul.f32 v22, v43;
	v22 =	vld [tilespmem:s30+$0xB0];
	[tilespmem:s30+$0xFFFFFEF0] =	vst v62  }
0x64: {  	v35 =	vmul.f32 v27, v33;
	v46 =	vmul.f32 v23, v44;
	v23 =	vld [tilespmem:s30+$0xC0];
	[tilespmem:s30+$0xFFFFFF00] =	vst v63  }
0x65: {  	v33 =	vmul.f32 v29, v39;
	v44 =	vmul.f32 v24, v44;
	v24 =	vld [tilespmem:s30+$0xD0];
	[tilespmem:s30+$0xFFFFFF10] =	vst v43  }
0x66: {  	v29 =	vmul.f32 v38, v42;
	v36 =	vmul.f32 v25, v45;
	v25 =	vld [tilespmem:s30+$0xE0];
	[tilespmem:s30+$0xFFFFFF20] =	vst v46  }
0x67: {  	s0 =	simm.s32 $0x0;
	s2 =	simm.s32 $0x560;
	v27 =	vmul.f32 v40, v42;
	v34 =	vmul.f32 v26, v45;
	v26 =	vld [tilespmem:s30+$0xF0];
	[tilespmem:s30+$0xFFFFFF30] =	vst v44  }
.LBB2_3:
0x68: {  	v37 =	vld [tilespmem:s2+$0x110];
	[tilespmem:s30+$0xFFFFFF40] =	vst v36;
	v8 =	vmul.f32 v8, v15;
	v10 =	vmul.f32 v10, v15;
	s31 =	sadd.s32 $0x40, s31  }
0x69: {  	s0 =	sadd.s32 $0x4, s0;
	v9 =	vmul.f32 v9, v11;
	v11 =	vmul.f32 v12, v11;
	v15 =	vld [tilespmem:s31+$0x10];
	[tilespmem:s30+$0xFFFFFF50] =	vst v34  }
0x6a: {  	v13 =	vmul.f32 v13, v18;
	v16 =	vmul.f32 v16, v18;
	p0 =	slt.u32 s0, $0x7C;
	v12 =	vld [tilespmem:s31+$0xFFFFFFE0];
	[tilespmem:s30+$0xFFFFFF70] =	vst v35  }
0x6b: {  	v17 =	vmul.f32 v17, v14;
	v14 =	vmul.f32 v19, v14;
	v18 =	vld [tilespmem:s2+$0xFFFFFFF0];
	[tilespmem:s30+$0xFFFFFF80] =	vst v32  }
0x6c: {  	v20 =	vmul.f32 v20, v7;
	v7 =	vmul.f32 v21, v7;
	v19 =	vld [tilespmem:s31+$0xFFFFFFF0];
	[tilespmem:s30+$0xFFFFFF90] =	vst v33  }
0x6d: {  	v22 =	vmul.f32 v22, v6;
	v6 =	vmul.f32 v23, v6;
	v21 =	vld [tilespmem:s2+$0x80];
	[tilespmem:s30+$0xFFFFFFA0] =	vst v30  }
0x6e: {  	v24 =	vmul.f32 v24, v5;
	v5 =	vmul.f32 v25, v5;
	v23 =	vld [tilespmem:s31+$0x0];
	v15 =	vadd.f32 v15, v37;
	[tilespmem:s30+$0xFFFFFFB0] =	vst v31  }
0x6f: {  	v26 =	vmul.f32 v26, v4;
	v25 =	vld [tilespmem:s2+$0xFFFFFF60];
	[tilespmem:s30+$0xFFFFFFC0] =	vst v28  }
0x70: {  	v28 =	vld [tilespmem:s2+$0xFFFFFEE0];
	v4 =	vmul.f32 $2.000000030e-01, v15;
	[tilespmem:s30+$0xFFFFFFD0] =	vst v29  }
0x71: {  	v29 =	vld [tilespmem:s2+$0xFFFFFEF0];
	v18 =	vadd.f32 v19, v18;
	[tilespmem:s30+$0xFFFFFFE0] =	vst v27  }
0x72: {  	v27 =	vld [tilespmem:s2+$0xFFFFFF00];
	v4 =	vmax.f32 v15, v4;
	[tilespmem:s30+$0x0] =	vst v8  }
0x73: {  	v30 =	vld [tilespmem:s2+$0xFFFFFF10];
	v8 =	vmul.f32 $2.000000030e-01, v18;
	v15 =	vadd.f32 v23, v21;
	v4 =	vmul.f32 $1.442695020e+00, v4;
	[tilespmem:s30+$0x10] =	vst v10  }
0x74: {  	v10 =	vadd.f32 v12, v25;
	v21 =	vld [tilespmem:s2+$0xFFFFFF20];
	[tilespmem:s30+$0x20] =	vst v9  }
0x75: {  	v23 =	vld [tilespmem:s2+$0xFFFFFF30];
	v8 =	vmax.f32 v18, v8;
	v9 =	vmul.f32 $2.000000030e-01, v15;
	(erf) = vpow2.f32 v4;
	[tilespmem:s30+$0x30] =	vst v11  }
0x76: {  	v4 =	vmul.f32 $2.000000030e-01, v10;
	v25 =	vld [tilespmem:s2+$0xFFFFFF40];
	v8 =	vmul.f32 $1.442695020e+00, v8;
	[tilespmem:s30+$0x40] =	vst v13  }
0x77: {  	v31 =	vld [tilespmem:s2+$0xFFFFFF50];
	v9 =	vmax.f32 v15, v9;
	[tilespmem:s30+$0x50] =	vst v16  }
0x78: {  	v4 =	vmax.f32 v10, v4;
	v32 =	vld [tilespmem:s2+$0xFFFFFF70];
	v9 =	vmul.f32 $1.442695020e+00, v9;
	(erf) = vpow2.f32 v8;
	[tilespmem:s30+$0x60] =	vst v17  }
0x79: {  	v4 =	vmul.f32 $1.442695020e+00, v4;
	v33 =	vld [tilespmem:s2+$0xFFFFFF80];
	[tilespmem:s30+$0x70] =	vst v14  }
0x7a: {  	v37 =	vld [tilespmem:s2+$0xFFFFFF90];
	(erf) = vpow2.f32 v9;
	[tilespmem:s30+$0x90] =	vst v20  }
0x7b: {  	v38 =	vld [tilespmem:s2+$0xFFFFFFA0];
	(erf) = vpow2.f32 v4;
	[tilespmem:s30+$0xA0] =	vst v7  }
0x7c: {  	v9 =	vld [tilespmem:s2+$0x100];
	[tilespmem:s30+$0xB0] =	vst v22  }
0x7d: {  	v39 =	vld [tilespmem:s2+$0xFFFFFFB0];
	[tilespmem:s30+$0xC0] =	vst v6  }
0x7e: {  	v40 =	vld [tilespmem:s2+$0xFFFFFFC0];
	v10 =	vpop (erf);
	[tilespmem:s30+$0xD0] =	vst v24  }
0x7f: {  	v41 =	vld [tilespmem:s2+$0xFFFFFFD0];
	v7 =	vperm.xlane v10, v0;
	v4 =	vperm.xlane v10, v3;
	[tilespmem:s30+$0xE0] =	vst v5  }
0x80: {  	v6 =	vperm.xlane v10, v1;
	v5 =	vperm.xlane v10, v2;
	v42 =	vld [tilespmem:s2+$0xFFFFFFE0];
	[tilespmem:s30+$0xF0] =	vst v26;
	s30 =	smov.u32 s2  }
0x81: {  	v8 =	vld [tilespmem:s2+$0x0];
	[tilespmem:s2+$0x110] =	vst v10;
	v11 =	vmul.f32 v9, v4;
	v9 =	vpop (erf)  }
0x82: {  	[tilespmem:s2+$0xFFFFFFF0] =	vst v9;
	v24 =	vperm.xlane v9, v0;
	v26 =	vperm.xlane v9, v1;
	v10 =	vld [tilespmem:s2+$0x10]  }
0x83: {  	v43 =	vperm.xlane v9, v2;
	v44 =	vperm.xlane v9, v3;
	v9 =	vld [tilespmem:s2+$0x20];
	[tilespmem:s2+$0x100] =	vst v11;
	v14 =	vpop (erf)  }
0x84: {  	[tilespmem:s2+$0x80] =	vst v14;
	v15 =	vperm.xlane v14, v0;
	v11 =	vperm.xlane v14, v1;
	v12 =	vld [tilespmem:s2+$0x30];
	v16 =	vpop (erf)  }
0x85: {  	[tilespmem:s2+$0xFFFFFF60] =	vst v16;
	v19 =	vperm.xlane v16, v0;
	v20 =	vperm.xlane v16, v1;
	v13 =	vld [tilespmem:s2+$0x40]  }
0x86: {  	v22 =	vperm.xlane v16, v2;
	v34 =	vperm.xlane v16, v3;
	v16 =	vld [tilespmem:s2+$0x50]  }
0x87: {  	v18 =	vperm.xlane v14, v2;
	v14 =	vperm.xlane v14, v3;
	v17 =	vld [tilespmem:s2+$0x60]  }
0x88: {  	v28 =	vmul.f32 v28, v19;
	v29 =	vmul.f32 v29, v19;
	v19 =	vld [tilespmem:s2+$0x70]  }
0x89: {  	v27 =	vmul.f32 v27, v20;
	v30 =	vmul.f32 v30, v20;
	v20 =	vld [tilespmem:s2+$0x90]  }
0x8a: {  	v45 =	vmul.f32 v23, v22;
	[tilespmem:s2+$0xFFFFFEE0] =	vst v28;
	v28 =	vmul.f32 v21, v22;
	v21 =	vld [tilespmem:s2+$0xA0]  }
.Ltmp2:
0x8b: {  	v36 =	vmul.f32 v25, v34;
	v34 =	vmul.f32 v31, v34;
	[tilespmem:s2+$0xFFFFFEF0] =	vst v29;
	v22 =	vld [tilespmem:s2+$0xB0];
	(pc) =	sbr.rel @p0 .LBB2_3-.Ltmp2, $4  }
0x8c: {  	v35 =	vmul.f32 v32, v24;
	v32 =	vmul.f32 v33, v24;
	[tilespmem:s2+$0xFFFFFF00] =	vst v27;
	v23 =	vld [tilespmem:s2+$0xC0]  }
0x8d: {  	v33 =	vmul.f32 v37, v26;
	[tilespmem:s2+$0xFFFFFF10] =	vst v30;
	v30 =	vmul.f32 v38, v26;
	v24 =	vld [tilespmem:s2+$0xD0]  }
0x8e: {  	v31 =	vmul.f32 v39, v43;
	[tilespmem:s2+$0xFFFFFF20] =	vst v28;
	v28 =	vmul.f32 v40, v43;
	v25 =	vld [tilespmem:s2+$0xE0]  }
0x8f: {  	v29 =	vmul.f32 v41, v44;
	v27 =	vmul.f32 v42, v44;
	s2 =	sadd.s32 $0x240, s2;
	[tilespmem:s30+$0xFFFFFF30] =	vst v45;
	v26 =	vld [tilespmem:s30+$0xF0]  }
0x90: {  	[tilespmem:s30+$0xFFFFFF40] =	vst v36  }
0x91: {  	[tilespmem:s30+$0xFFFFFF50] =	vst v34  }
0x92: {  	[tilespmem:s30+$0xFFFFFF70] =	vst v35  }
0x93: {  	[tilespmem:s30+$0xFFFFFF80] =	vst v32  }
0x94: {  	[tilespmem:s30+$0xFFFFFF90] =	vst v33  }
0x95: {  	[tilespmem:s30+$0xFFFFFFA0] =	vst v30  }
0x96: {  	[tilespmem:s30+$0xFFFFFFB0] =	vst v31  }
0x97: {  	[tilespmem:s30+$0xFFFFFFC0] =	vst v28  }
0x98: {  	v8 =	vmul.f32 v8, v15;
	[tilespmem:s30+$0xFFFFFFD0] =	vst v29  }
0x99: {  	v10 =	vmul.f32 v10, v15;
	[tilespmem:s30+$0xFFFFFFE0] =	vst v27  }
0x9a: {  	v9 =	vmul.f32 v9, v11;
	[tilespmem:s30+$0x0] =	vst v8  }
0x9b: {  	v8 =	vmul.f32 v12, v11;
	[tilespmem:s30+$0x10] =	vst v10  }
0x9c: {  	v10 =	vmul.f32 v13, v18;
	[tilespmem:s30+$0x20] =	vst v9  }
0x9d: {  	v9 =	vmul.f32 v16, v18;
	[tilespmem:s30+$0x30] =	vst v8  }
0x9e: {  	v8 =	vmul.f32 v17, v14;
	[tilespmem:s30+$0x40] =	vst v10  }
0x9f: {  	v10 =	vmul.f32 v19, v14;
	[tilespmem:s30+$0x50] =	vst v9  }
0xa0: {  	v9 =	vmul.f32 v20, v7;
	[tilespmem:s30+$0x60] =	vst v8  }
0xa1: {  	v7 =	vmul.f32 v21, v7;
	[tilespmem:s30+$0x70] =	vst v10  }
0xa2: {  	v4 =	vmul.f32 v26, v4;
	[tilespmem:s30+$0x90] =	vst v9  }
0xa3: {  	v8 =	vmul.f32 v22, v6;
	[tilespmem:s30+$0xA0] =	vst v7  }
0xa4: {  	v6 =	vmul.f32 v23, v6;
	[tilespmem:s30+$0xF0] =	vst v4  }
0xa5: {  	v7 =	vmul.f32 v24, v5;
	[tilespmem:s30+$0xB0] =	vst v8  }
0xa6: {  	v5 =	vmul.f32 v25, v5;
	[tilespmem:s30+$0xC0] =	vst v6  }
0xa7: {  	[tilespmem:s30+$0xD0] =	vst v7  }
0xa8: {  	[tilespmem:s30+$0xE0] =	vst v5  }
0xa9: {  	[tilespmem:s17], [sflag:$0x5] =	stream.indirect.gather [hbm4b:s9+s15], $0x10, s20, s15, $0xb8;
	[tilespmem:$0x1FD80] =	vst v63  }
0xaa: {  	_ = 	snop  }
0xab: {  	[spmem:s1] =	stream.indirect.scatter.add.f32 [tilespmem:s16], [sflag:$0x6], $0x90, s13, s15, $0xb8;
	[tilespmem:$0x1FD80] =	vst v63  }
0xac: {  	p0 =	seq.s32 s29, $0x4F;
	s30 =	sshll.u32 s29, $0x5;
	_ =	swait.ge [sflag:s12], $0x4800  }
0xad: {  	s0 =	sadd.s32 @!p0 $0x20, s30;
	[sflag:s12] =	ssyncset.done $0x0  }
0xae: {  	s4 =	simm.s32 @!p0 $0x0;
	s2 =	sadd.s32 @!p0 s6, s0;
	[sflag:s12] =	ssyncadd.s32 $0xFFFFB800  }
0xaf: {  	[tilespmem:s4], [sflag:$0x1] =	stream.linear.gather @!p0 [hbm4b:s2+s4], $0x80, $0x38;
	[tilespmem:$0x1FD80] =	vst v63  }
0xb0: {  	s0 =	sadd.s32 @!p0 s7, s0;
	s2 =	simm.s32 @!p0 $0x100  }
0xb1: {  	[tilespmem:s2], [sflag:$0x1] =	stream.linear.gather @!p0 [hbm4b:s0+s4], $0x80, $0x38;
	[tilespmem:$0x1FD80] =	vst v63  }
0xb2: {  	s0 =	simm.s32 @!p0 $0x1  }
0xb3: {  	_ =	swait.ge @!p0 [sflag:s0], $0x80  }
0xb4: {  	[sflag:s0] =	ssyncset.done @!p0 $0x0  }
0xb5: {  	[sflag:s0] =	ssyncadd.s32 @!p0 $0xFFFFFF80  }
0xb6: {  	_ =	swait.ge @!p0 [sflag:s0], $0x80  }
0xb7: {  	[sflag:s0] =	ssyncset.done @!p0 $0x0  }
0xb8: {  	s2 =	simm.s32 @!p0 $0x200;
	[sflag:s0] =	ssyncadd.s32 @!p0 $0xFFFFFF80;
	s0 =	simm.s32 @!p0 $0x80  }
0xb9: {  	[tilespmem:s2], [sflag:$0x3] =	stream.indirect.gather @!p0 [hbm4b:s8+s0], $0x90, s4, s0, $0xb8;
	[tilespmem:$0x1FD80] =	vst v63  }
0xba: {  	_ =	swait.ge [sflag:s26], $0x4800  }
0xbb: {  	[sflag:s26] =	ssyncset.done $0x0  }
0xbc: {  	[sflag:s26] =	ssyncadd.s32 $0xFFFFB800  }
0xbd: {  	_ =	swait.ge [sflag:s25], $0x800  }
0xbe: {  	[sflag:s25] =	ssyncset.done $0x0  }
0xbf: {  	s31 =	simm.s32 $0x4B20;
	[sflag:s25] =	ssyncadd.s32 $0xFFFFF800  }
0xc0: {  	s0 =	simm.s32 $0x9220;
	v4 =	vld [tilespmem:s31+$0x110]  }
0xc1: {  	v5 =	vld [tilespmem:s0+$0x10]  }
0xc2: {  	v6 =	vld [tilespmem:s31+$0xFFFFFFF0]  }
0xc3: {  	v7 =	vld [tilespmem:s0+$0xFFFFFFF0]  }
0xc4: {  	v8 =	vld [tilespmem:s31+$0x80]  }
0xc5: {  	v9 =	vld [tilespmem:s0+$0x0]  }
0xc6: {  	v10 =	vld [tilespmem:s0+$0xFFFFFFE0];
	v4 =	vadd.f32 v5, v4  }
0xc7: {  	v19 =	vld [tilespmem:s31+$0xFFFFFEE0]  }
0xc8: {  	v5 =	vld [tilespmem:s31+$0xFFFFFF60];
	v6 =	vadd.f32 v7, v6;
	v11 =	vmul.f32 $2.000000030e-01, v4  }
0xc9: {  	v20 =	vld [tilespmem:s31+$0xFFFFFEF0]  }
0xca: {  	v21 =	vld [tilespmem:s31+$0xFFFFFF00];
	v7 =	vadd.f32 v9, v8;
	v8 =	vmul.f32 $2.000000030e-01, v6;
	v4 =	vmax.f32 v4, v11  }
0xcb: {  	v22 =	vld [tilespmem:s31+$0xFFFFFF10];
	v4 =	vmul.f32 $1.442695020e+00, v4  }
0xcc: {  	v23 =	vld [tilespmem:s31+$0xFFFFFF20];
	v9 =	vmul.f32 $2.000000030e-01, v7;
	v6 =	vmax.f32 v6, v8  }
0xcd: {  	v24 =	vld [tilespmem:s31+$0xFFFFFF30];
	v5 =	vadd.f32 v10, v5;
	v6 =	vmul.f32 $1.442695020e+00, v6;
	(erf) = vpow2.f32 v4  }
0xce: {  	v25 =	vld [tilespmem:s31+$0xFFFFFF40]  }
0xcf: {  	v26 =	vld [tilespmem:s31+$0xFFFFFF50];
	v7 =	vmax.f32 v7, v9;
	v4 =	vmul.f32 $2.000000030e-01, v5;
	(erf) = vpow2.f32 v6  }
0xd0: {  	v27 =	vld [tilespmem:s31+$0xFFFFFF70];
	v7 =	vmul.f32 $1.442695020e+00, v7  }
0xd1: {  	v28 =	vld [tilespmem:s31+$0xFFFFFF80];
	v4 =	vmax.f32 v5, v4  }
0xd2: {  	v29 =	vld [tilespmem:s31+$0xFFFFFF90];
	(erf) = vpow2.f32 v7;
	v4 =	vmul.f32 $1.442695020e+00, v4  }
0xd3: {  	v30 =	vld [tilespmem:s31+$0xFFFFFFA0]  }
0xd4: {  	v31 =	vld [tilespmem:s31+$0xFFFFFFB0];
	(erf) = vpow2.f32 v4  }
0xd5: {  	v37 =	vld [tilespmem:s31+$0xFFFFFFC0]  }
0xd6: {  	v9 =	vld [tilespmem:s31+$0x100];
	v14 =	vpop (erf)  }
0xd7: {  	v38 =	vld [tilespmem:s31+$0xFFFFFFD0];
	v4 =	vperm.xlane v14, v3  }
0xd8: {  	v40 =	vld [tilespmem:s31+$0xFFFFFFE0];
	v7 =	vperm.xlane v14, v0;
	v6 =	vperm.xlane v14, v1;
	v17 =	vpop (erf)  }
0xd9: {  	v12 =	vld [tilespmem:s31+$0x30];
	v5 =	vperm.xlane v14, v2;
	v57 =	vperm.xlane v17, v0  }
0xda: {  	v13 =	vld [tilespmem:s31+$0x40];
	v39 =	vperm.xlane v17, v1;
	v41 =	vperm.xlane v17, v2  }
0xdb: {  	v16 =	vld [tilespmem:s31+$0x50];
	v58 =	vpop (erf);
	v42 =	vperm.xlane v17, v3;
	v56 =	vmul.f32 v9, v4  }
0xdc: {  	v8 =	vld [tilespmem:s31+$0x0];
	v15 =	vperm.xlane v58, v0;
	v11 =	vperm.xlane v58, v1  }
0xdd: {  	v10 =	vld [tilespmem:s31+$0x10];
	[tilespmem:s31+$0x110] =	vst v14;
	v18 =	vperm.xlane v58, v2;
	v14 =	vperm.xlane v58, v3;
	v59 =	vpop (erf)  }
0xde: {  	[tilespmem:s31+$0xFFFFFFF0] =	vst v17;
	v17 =	vld [tilespmem:s31+$0x60];
	v35 =	vmul.f32 v27, v57;
	v60 =	vperm.xlane v59, v0  }
0xdf: {  	v9 =	vld [tilespmem:s31+$0x20];
	[tilespmem:s31+$0x80] =	vst v58;
	v32 =	vmul.f32 v28, v57;
	v33 =	vmul.f32 v29, v39  }
0xe0: {  	[tilespmem:s31+$0x100] =	vst v56;
	v43 =	vperm.xlane v59, v1;
	v61 =	vmul.f32 v19, v60;
	v19 =	vld [tilespmem:s31+$0x70]  }
0xe1: {  	v30 =	vmul.f32 v30, v39;
	[tilespmem:s31+$0xFFFFFF60] =	vst v59;
	v62 =	vmul.f32 v20, v60;
	v20 =	vld [tilespmem:s31+$0x90]  }
0xe2: {  	v44 =	vperm.xlane v59, v2;
	v63 =	vmul.f32 v21, v43;
	v21 =	vld [tilespmem:s31+$0xA0];
	[tilespmem:s31+$0xFFFFFEE0] =	vst v61  }
0xe3: {  	v31 =	vmul.f32 v31, v41;
	v43 =	vmul.f32 v22, v43;
	v22 =	vld [tilespmem:s31+$0xB0];
	[tilespmem:s31+$0xFFFFFEF0] =	vst v62  }
0xe4: {  	v45 =	vperm.xlane v59, v3;
	v46 =	vmul.f32 v23, v44;
	v23 =	vld [tilespmem:s31+$0xC0];
	[tilespmem:s31+$0xFFFFFF00] =	vst v63  }
0xe5: {  	v28 =	vmul.f32 v37, v41;
	v44 =	vmul.f32 v24, v44;
	v24 =	vld [tilespmem:s31+$0xD0];
	[tilespmem:s31+$0xFFFFFF10] =	vst v43  }
0xe6: {  	v29 =	vmul.f32 v38, v42;
	v36 =	vmul.f32 v25, v45;
	v25 =	vld [tilespmem:s31+$0xE0];
	[tilespmem:s31+$0xFFFFFF20] =	vst v46  }
0xe7: {  	s2 =	simm.s32 $0x0;
	s4 =	simm.s32 $0x4D60;
	v27 =	vmul.f32 v40, v42;
	v34 =	vmul.f32 v26, v45;
	v26 =	vld [tilespmem:s31+$0xF0];
	[tilespmem:s31+$0xFFFFFF30] =	vst v44  }
.LBB2_5:
0xe8: {  	v37 =	vld [tilespmem:s4+$0x110];
	[tilespmem:s31+$0xFFFFFF40] =	vst v36;
	v8 =	vmul.f32 v8, v15;
	v10 =	vmul.f32 v10, v15;
	s0 =	sadd.s32 $0x40, s0  }
0xe9: {  	s2 =	sadd.s32 $0x4, s2;
	v9 =	vmul.f32 v9, v11;
	v11 =	vmul.f32 v12, v11;
	v15 =	vld [tilespmem:s0+$0x10];
	[tilespmem:s31+$0xFFFFFF50] =	vst v34  }
0xea: {  	v13 =	vmul.f32 v13, v18;
	v16 =	vmul.f32 v16, v18;
	p1 =	slt.u32 s2, $0x7C;
	v12 =	vld [tilespmem:s0+$0xFFFFFFE0];
	[tilespmem:s31+$0xFFFFFF70] =	vst v35  }
0xeb: {  	v17 =	vmul.f32 v17, v14;
	v14 =	vmul.f32 v19, v14;
	v18 =	vld [tilespmem:s4+$0xFFFFFFF0];
	[tilespmem:s31+$0xFFFFFF80] =	vst v32  }
0xec: {  	v20 =	vmul.f32 v20, v7;
	v7 =	vmul.f32 v21, v7;
	v19 =	vld [tilespmem:s0+$0xFFFFFFF0];
	[tilespmem:s31+$0xFFFFFF90] =	vst v33  }
0xed: {  	v22 =	vmul.f32 v22, v6;
	v6 =	vmul.f32 v23, v6;
	v21 =	vld [tilespmem:s4+$0x80];
	[tilespmem:s31+$0xFFFFFFA0] =	vst v30  }
0xee: {  	v24 =	vmul.f32 v24, v5;
	v5 =	vmul.f32 v25, v5;
	v23 =	vld [tilespmem:s0+$0x0];
	v15 =	vadd.f32 v15, v37;
	[tilespmem:s31+$0xFFFFFFB0] =	vst v31  }
0xef: {  	v26 =	vmul.f32 v26, v4;
	v25 =	vld [tilespmem:s4+$0xFFFFFF60];
	[tilespmem:s31+$0xFFFFFFC0] =	vst v28  }
0xf0: {  	v28 =	vld [tilespmem:s4+$0xFFFFFEE0];
	v4 =	vmul.f32 $2.000000030e-01, v15;
	[tilespmem:s31+$0xFFFFFFD0] =	vst v29  }
0xf1: {  	v29 =	vld [tilespmem:s4+$0xFFFFFEF0];
	v18 =	vadd.f32 v19, v18;
	[tilespmem:s31+$0xFFFFFFE0] =	vst v27  }
0xf2: {  	v27 =	vld [tilespmem:s4+$0xFFFFFF00];
	v4 =	vmax.f32 v15, v4;
	[tilespmem:s31+$0x0] =	vst v8  }
0xf3: {  	v30 =	vld [tilespmem:s4+$0xFFFFFF10];
	v8 =	vmul.f32 $2.000000030e-01, v18;
	v15 =	vadd.f32 v23, v21;
	v4 =	vmul.f32 $1.442695020e+00, v4;
	[tilespmem:s31+$0x10] =	vst v10  }
0xf4: {  	v10 =	vadd.f32 v12, v25;
	v21 =	vld [tilespmem:s4+$0xFFFFFF20];
	[tilespmem:s31+$0x20] =	vst v9  }
0xf5: {  	v23 =	vld [tilespmem:s4+$0xFFFFFF30];
	v8 =	vmax.f32 v18, v8;
	v9 =	vmul.f32 $2.000000030e-01, v15;
	(erf) = vpow2.f32 v4;
	[tilespmem:s31+$0x30] =	vst v11  }
0xf6: {  	v4 =	vmul.f32 $2.000000030e-01, v10;
	v25 =	vld [tilespmem:s4+$0xFFFFFF40];
	v8 =	vmul.f32 $1.442695020e+00, v8;
	[tilespmem:s31+$0x40] =	vst v13  }
0xf7: {  	v31 =	vld [tilespmem:s4+$0xFFFFFF50];
	v9 =	vmax.f32 v15, v9;
	[tilespmem:s31+$0x50] =	vst v16  }
0xf8: {  	v4 =	vmax.f32 v10, v4;
	v32 =	vld [tilespmem:s4+$0xFFFFFF70];
	v9 =	vmul.f32 $1.442695020e+00, v9;
	(erf) = vpow2.f32 v8;
	[tilespmem:s31+$0x60] =	vst v17  }
0xf9: {  	v4 =	vmul.f32 $1.442695020e+00, v4;
	v33 =	vld [tilespmem:s4+$0xFFFFFF80];
	[tilespmem:s31+$0x70] =	vst v14  }
0xfa: {  	v37 =	vld [tilespmem:s4+$0xFFFFFF90];
	(erf) = vpow2.f32 v9;
	[tilespmem:s31+$0x90] =	vst v20  }
0xfb: {  	v38 =	vld [tilespmem:s4+$0xFFFFFFA0];
	(erf) = vpow2.f32 v4;
	[tilespmem:s31+$0xA0] =	vst v7  }
0xfc: {  	v9 =	vld [tilespmem:s4+$0x100];
	[tilespmem:s31+$0xB0] =	vst v22  }
0xfd: {  	v39 =	vld [tilespmem:s4+$0xFFFFFFB0];
	[tilespmem:s31+$0xC0] =	vst v6  }
0xfe: {  	v40 =	vld [tilespmem:s4+$0xFFFFFFC0];
	v10 =	vpop (erf);
	[tilespmem:s31+$0xD0] =	vst v24  }
0xff: {  	v41 =	vld [tilespmem:s4+$0xFFFFFFD0];
	v7 =	vperm.xlane v10, v0;
	v4 =	vperm.xlane v10, v3;
	[tilespmem:s31+$0xE0] =	vst v5  }
0x100: {  	v6 =	vperm.xlane v10, v1;
	v5 =	vperm.xlane v10, v2;
	v42 =	vld [tilespmem:s4+$0xFFFFFFE0];
	[tilespmem:s31+$0xF0] =	vst v26;
	s31 =	smov.u32 s4  }
0x101: {  	v8 =	vld [tilespmem:s4+$0x0];
	[tilespmem:s4+$0x110] =	vst v10;
	v11 =	vmul.f32 v9, v4;
	v9 =	vpop (erf)  }
0x102: {  	[tilespmem:s4+$0xFFFFFFF0] =	vst v9;
	v24 =	vperm.xlane v9, v0;
	v26 =	vperm.xlane v9, v1;
	v10 =	vld [tilespmem:s4+$0x10]  }
0x103: {  	v43 =	vperm.xlane v9, v2;
	v44 =	vperm.xlane v9, v3;
	v9 =	vld [tilespmem:s4+$0x20];
	[tilespmem:s4+$0x100] =	vst v11;
	v14 =	vpop (erf)  }
0x104: {  	[tilespmem:s4+$0x80] =	vst v14;
	v15 =	vperm.xlane v14, v0;
	v11 =	vperm.xlane v14, v1;
	v12 =	vld [tilespmem:s4+$0x30];
	v16 =	vpop (erf)  }
0x105: {  	[tilespmem:s4+$0xFFFFFF60] =	vst v16;
	v19 =	vperm.xlane v16, v0;
	v20 =	vperm.xlane v16, v1;
	v13 =	vld [tilespmem:s4+$0x40]  }
0x106: {  	v22 =	vperm.xlane v16, v2;
	v34 =	vperm.xlane v16, v3;
	v16 =	vld [tilespmem:s4+$0x50]  }
0x107: {  	v18 =	vperm.xlane v14, v2;
	v14 =	vperm.xlane v14, v3;
	v17 =	vld [tilespmem:s4+$0x60]  }
0x108: {  	v28 =	vmul.f32 v28, v19;
	v29 =	vmul.f32 v29, v19;
	v19 =	vld [tilespmem:s4+$0x70]  }
0x109: {  	v27 =	vmul.f32 v27, v20;
	v30 =	vmul.f32 v30, v20;
	v20 =	vld [tilespmem:s4+$0x90]  }
0x10a: {  	v45 =	vmul.f32 v23, v22;
	[tilespmem:s4+$0xFFFFFEE0] =	vst v28;
	v28 =	vmul.f32 v21, v22;
	v21 =	vld [tilespmem:s4+$0xA0]  }
.Ltmp3:
0x10b: {  	v36 =	vmul.f32 v25, v34;
	v34 =	vmul.f32 v31, v34;
	[tilespmem:s4+$0xFFFFFEF0] =	vst v29;
	v22 =	vld [tilespmem:s4+$0xB0];
	(pc) =	sbr.rel @p1 .LBB2_5-.Ltmp3, $4  }
0x10c: {  	v35 =	vmul.f32 v32, v24;
	v32 =	vmul.f32 v33, v24;
	[tilespmem:s4+$0xFFFFFF00] =	vst v27;
	v23 =	vld [tilespmem:s4+$0xC0]  }
0x10d: {  	v33 =	vmul.f32 v37, v26;
	[tilespmem:s4+$0xFFFFFF10] =	vst v30;
	v30 =	vmul.f32 v38, v26;
	v24 =	vld [tilespmem:s4+$0xD0]  }
0x10e: {  	v31 =	vmul.f32 v39, v43;
	[tilespmem:s4+$0xFFFFFF20] =	vst v28;
	v28 =	vmul.f32 v40, v43;
	v25 =	vld [tilespmem:s4+$0xE0]  }
0x10f: {  	v29 =	vmul.f32 v41, v44;
	v27 =	vmul.f32 v42, v44;
	s4 =	sadd.s32 $0x240, s4;
	[tilespmem:s31+$0xFFFFFF30] =	vst v45;
	v26 =	vld [tilespmem:s31+$0xF0]  }
0x110: {  	[tilespmem:s31+$0xFFFFFF40] =	vst v36  }
0x111: {  	[tilespmem:s31+$0xFFFFFF50] =	vst v34  }
0x112: {  	[tilespmem:s31+$0xFFFFFF70] =	vst v35  }
0x113: {  	[tilespmem:s31+$0xFFFFFF80] =	vst v32  }
0x114: {  	[tilespmem:s31+$0xFFFFFF90] =	vst v33  }
0x115: {  	[tilespmem:s31+$0xFFFFFFA0] =	vst v30  }
0x116: {  	[tilespmem:s31+$0xFFFFFFB0] =	vst v31  }
0x117: {  	[tilespmem:s31+$0xFFFFFFC0] =	vst v28  }
0x118: {  	v8 =	vmul.f32 v8, v15;
	[tilespmem:s31+$0xFFFFFFD0] =	vst v29  }
0x119: {  	v10 =	vmul.f32 v10, v15;
	[tilespmem:s31+$0xFFFFFFE0] =	vst v27  }
0x11a: {  	v9 =	vmul.f32 v9, v11;
	[tilespmem:s31+$0x0] =	vst v8  }
0x11b: {  	v54 =	vmul.f32 v12, v11;
	[tilespmem:s31+$0x10] =	vst v10  }
0x11c: {  	v55 =	vmul.f32 v13, v18;
	[tilespmem:s31+$0x20] =	vst v9  }
0x11d: {  	v56 =	vmul.f32 v16, v18;
	[tilespmem:s31+$0x30] =	vst v54  }
0x11e: {  	v57 =	vmul.f32 v17, v14;
	[tilespmem:s31+$0x40] =	vst v55  }
0x11f: {  	v58 =	vmul.f32 v19, v14;
	[tilespmem:s31+$0x50] =	vst v56  }
0x120: {  	v59 =	vmul.f32 v20, v7;
	[tilespmem:s31+$0x60] =	vst v57  }
0x121: {  	v60 =	vmul.f32 v21, v7;
	[tilespmem:s31+$0x70] =	vst v58  }
0x122: {  	v61 =	vmul.f32 v22, v6;
	[tilespmem:s31+$0x90] =	vst v59  }
0x123: {  	v62 =	vmul.f32 v23, v6;
	[tilespmem:s31+$0xA0] =	vst v60  }
.Ltmp4:
0x124: {  	v63 =	vmul.f32 v24, v5;
	[tilespmem:s31+$0xB0] =	vst v61;
	(pc) =	sbr.rel @p0 .LBB2_8-.Ltmp4, $4  }
0x125: {  	v5 =	vmul.f32 v25, v5;
	[tilespmem:s31+$0xC0] =	vst v62  }
0x126: {  	v4 =	vmul.f32 v26, v4;
	[tilespmem:s31+$0xD0] =	vst v63  }
0x127: {  	[tilespmem:s31+$0xE0] =	vst v5  }
0x128: {  	[tilespmem:s31+$0xF0] =	vst v4  }
0x129: {  	[tilespmem:s17], [sflag:$0x5] =	stream.indirect.gather [hbm4b:s9+s15], $0x10, s13, s15, $0xb8;
	[tilespmem:$0x1FD80] =	vst v63  }
0x12a: {  	_ = 	snop  }
0x12b: {  	[spmem:s1] =	stream.indirect.scatter.add.f32 [tilespmem:s22], [sflag:$0x6], $0x90, s20, s15, $0xb8;
	[tilespmem:$0x1FD80] =	vst v63  }
0x12c: {  	_ =	swait.ge [sflag:s12], $0x4800  }
.Ltmp5:
0x12d: {  	s0 =	sadd.s32 $0x30, s30;
	[sflag:s12] =	ssyncset.done $0x0;
	(pc) =	sbr.rel .LBB2_2-.Ltmp5, $4  }
0x12e: {  	s2 =	sadd.s32 s6, s0;
	[sflag:s12] =	ssyncadd.s32 $0xFFFFB800  }
0x12f: {  	[tilespmem:s15], [sflag:$0x2] =	stream.linear.gather [hbm4b:s2+s3], $0x80, $0x38;
	[tilespmem:$0x1FD80] =	vst v63  }
0x130: {  	s29 =	sadd.s32 $0x1, s29;
	s0 =	sadd.s32 s7, s0  }
0x131: {  	[tilespmem:s20], [sflag:$0x2] =	stream.linear.gather [hbm4b:s0+s3], $0x80, $0x38;
	[tilespmem:$0x1FD80] =	vst v63  }
.LBB2_9:
0x132: {  	_ =	sfence.sel $0x180000  }
0x133: {  	[bflag:$0x0] =	sbarrier.arrive $0xFFFF  }
0x134: {  	_ =	strace $0x90000047  }
0x135: {  	s0 =	stileid.u32;
	[bflag:$0x2] =	sbarrier.arrive $0xFFFF  }
0x136: {  	p0 =	sne.s32 s0, $0x0;
	s0 =	rddreg [dreg:$0x3]  }
0x137: {  	s0 =	sadd.s32 @!p0 $0x100000, s0  }
0x138: {  	[sflag:s0] =	ssyncadd.tile.s32 @!p0 $0x1;
	_ =	shalt  }
.Lfunc_end2:
_tile_overlayer_lowered:
.L_overlay_start_2:
0x139: {  	(tag) =	ssettag $0x2  }
0x13a: {  	s0 =	rddreg [dreg:$0x0];
	s2 =	stileid.u32  }
0x13b: {  	s1 =	rddreg [dreg:$0x1];
	p0 =	sne.s32 s2, $0x0  }
0x13c: {  	s3 =	rddreg [dreg:$0x2];
	[bflag:$0x3] =	sbarrier.arrive $0xFFFF;
	s2 =	simm.s32 @!p0 $0x1C06  }
0x13d: {  	[timem:s3], [sflag:s2] =	dma.local @!p0 [hbm:s0], s1  }
0x13e: {  	s0 =	simm.s32 @!p0 $0x6  }
0x13f: {  	_ =	swait.ge @!p0 [sflag:s0], s1  }
0x140: {  	s1 =	ssub.s32 @!p0 $0x0, s1;
	[sflag:s0] =	ssyncset.done @!p0 $0x0  }
0x141: {  	[sflag:s0] =	ssyncadd.s32 @!p0 s1  }
0x142: {  	[bflag:$0x3] =	sbarrier.arrive $0xFFFF  }
0x143: {  	_ =	shalt  }

</sc_bundles>
